<compile_context>
chip_gen: v7x
topology: tpu7x:2x2x1
jax: 0.10.2.dev20260603
libtpu: 0.0.44.dev20260713+nightly
codegen_flags: <defaults>
</compile_context>

<pallas_src>
import functools

import jax
import jax.numpy as jnp
from jax import lax
from jax.experimental import pallas as pl
from jax.experimental.pallas import tpu as pltpu
from jax.experimental.pallas import tpu_sc as plsc

N = 10000
E = 320000
F = 128
H = 64

NC = 2
NS = 16
NW = NC * NS

NSPLIT = 2
EH = E // NSPLIT
EPW = EH // NW
GB = 100
NG = EPW // GB
KG = 2
NJ = NG // KG
GBS = 40
NGS = EPW // GBS
NPW = 1000

_mesh = functools.partial(
    plsc.VectorSubcoreMesh, core_axis_name="c", subcore_axis_name="s")


def _gather_body(s, h_hbm, hd_hbm, srcr_hbm, dstr_hbm, ga_hbm, gb_hbm,
                 idx, buf_a, buf_b, buf_c, buf_d, sem_a, sem_b):
    cid = lax.axis_index("c")
    sid = lax.axis_index("s")
    wid = sid * NC + cid
    e_base = wid * EPW

    def phase(idxr_hbm, tbl_hbm, out_hbm, b0, b1):
        pltpu.sync_copy(idxr_hbm.at[s * NW + wid], idx)

        def fire(j, buf, sem):
            for k in range(KG):
                pltpu.async_copy(tbl_hbm.at[idx.at[j * KG + k]],
                                 buf.at[pl.ds(k * GB, GB)], sem)

        def drain(j, buf, sem):
            for k in range(KG):
                pltpu.make_async_copy(tbl_hbm.at[idx.at[j * KG + k]],
                                      buf.at[pl.ds(k * GB, GB)], sem).wait()

        def store(j, buf):
            pltpu.sync_copy(buf, out_hbm.at[pl.ds(e_base + j * (KG * GB), KG * GB)])

        fire(0, b0, sem_a)

        def body(t, _):
            ja = 2 * t
            drain(ja, b0, sem_a)
            fire(ja + 1, b1, sem_b)
            store(ja, b0)
            drain(ja + 1, b1, sem_b)
            fire(ja + 2, b0, sem_a)
            store(ja + 1, b1)
            return 0

        lax.fori_loop(0, (NJ - 1) // 2, body, 0)
        drain(NJ - 1, b0, sem_a)
        store(NJ - 1, b0)

    phase(srcr_hbm, h_hbm, ga_hbm, buf_a, buf_b)
    phase(dstr_hbm, hd_hbm, gb_hbm, buf_c, buf_d)


def _sc_gather(s, h, hd, srcr, dstr):
    return pl.kernel(
        functools.partial(_gather_body, s),
        out_type=[
            jax.ShapeDtypeStruct((EH, F), jnp.float32),
            jax.ShapeDtypeStruct((EH, H), jnp.float32),
        ],
        mesh=_mesh(),
        scratch_types=[
            pltpu.VMEM((NG, GB), jnp.int32),
            pltpu.VMEM((KG * GB, F), jnp.float32),
            pltpu.VMEM((KG * GB, F), jnp.float32),
            pltpu.VMEM((KG * GB, H), jnp.float32),
            pltpu.VMEM((KG * GB, H), jnp.float32),
            pltpu.SemaphoreType.DMA,
            pltpu.SemaphoreType.DMA,
        ],
        compiler_params=pltpu.CompilerParams(use_tc_tiling_on_sc=False),
    )(h, hd, srcr, dstr)


def _scatter_body(s, m_hbm, dstr_hbm, zeros_hbm, upd_hbm,
                  shared, idx_d, buf_a, buf_b, sem_a, sem_b):
    cid = lax.axis_index("c")
    sid = lax.axis_index("s")
    wid = sid * NC + cid
    e_base = wid * EPW
    @pl.when(sid < N // NPW)
    def _():
        pltpu.sync_copy(zeros_hbm.at[pl.ds(sid * NPW, NPW)],
                        shared.at[pl.ds(sid * NPW, NPW)])
    pltpu.sync_copy(dstr_hbm.at[s * NW + wid], idx_d)
    plsc.subcore_barrier()

    def fire(j, buf, sem):
        pltpu.async_copy(m_hbm.at[pl.ds(e_base + j * GBS, GBS)], buf, sem)

    def drain(j, buf, sem):
        pltpu.make_async_copy(m_hbm.at[pl.ds(e_base + j * GBS, GBS)], buf, sem).wait()

    def scat(j, buf):
        pltpu.sync_copy(buf, shared.at[idx_d.at[j]], add=True)

    fire(0, buf_a, sem_a)

    def body(t, _):
        ja = 2 * t
        drain(ja, buf_a, sem_a)
        fire(ja + 1, buf_b, sem_b)
        scat(ja, buf_a)
        drain(ja + 1, buf_b, sem_b)
        fire(ja + 2, buf_a, sem_a)
        scat(ja + 1, buf_b)
        return 0

    lax.fori_loop(0, (NGS - 1) // 2, body, 0)
    drain(NGS - 1, buf_a, sem_a)
    scat(NGS - 1, buf_a)
    plsc.subcore_barrier()

    @pl.when(sid < N // NPW)
    def _():
        pltpu.sync_copy(shared.at[pl.ds(sid * NPW, NPW)],
                        upd_hbm.at[pl.ds(cid * N + sid * NPW, NPW)])


def _sc_scatter(s, m, dstr, zeros):
    return pl.kernel(
        functools.partial(_scatter_body, s),
        out_type=jax.ShapeDtypeStruct((2 * N, F), jnp.float32),
        mesh=_mesh(),
        scratch_types=[
            pltpu.VMEM_SHARED((N, F), jnp.float32),
            pltpu.VMEM((NGS, GBS), jnp.int32),
            pltpu.VMEM((GBS, F), jnp.float32),
            pltpu.VMEM((GBS, F), jnp.float32),
            pltpu.SemaphoreType.DMA,
            pltpu.SemaphoreType.DMA,
        ],
    )(m, dstr, zeros)


def _edge_body(ga_ref, gb_ref, ef_ref, ws_ref, bs_ref,
               w1_ref, b1_ref, w2_ref, b2_ref, w3_ref, b3_ref, m_ref):
    a = ga_ref[...]
    sc = jnp.dot(a, ws_ref[...], preferred_element_type=jnp.float32) + bs_ref[...]
    t = jax.nn.relu(ef_ref[...] + sc + gb_ref[...])
    t = jax.nn.relu(jnp.dot(t, w1_ref[...], preferred_element_type=jnp.float32) + b1_ref[...])
    t = jax.nn.relu(jnp.dot(t, w2_ref[...], preferred_element_type=jnp.float32) + b2_ref[...])
    e = jnp.dot(t, w3_ref[...], preferred_element_type=jnp.float32) + b3_ref[...]
    m_ref[...] = a * e


def _node_body(h_ref, u0_ref, u1_ref, u2_ref, u3_ref,
               wpd_ref, bpd_ref, wpu_ref, bpu_ref,
               wt1_ref, bt1_ref, wt2_ref, bt2_ref, out_ref):
    u = (u0_ref[...] + u1_ref[...]) + (u2_ref[...] + u3_ref[...])
    pre = (jnp.dot(h_ref[...], wpd_ref[...], preferred_element_type=jnp.float32)
           + bpd_ref[...]
           + jnp.dot(u, wpu_ref[...], preferred_element_type=jnp.float32)
           + bpu_ref[...])
    z = jax.nn.relu(pre)
    z = jax.nn.relu(jnp.dot(z, wt1_ref[...], preferred_element_type=jnp.float32)
                    + bt1_ref[...])
    out_ref[...] = (jnp.dot(z, wt2_ref[...], preferred_element_type=jnp.float32)
                    + bt2_ref[...])


def _full(shape):
    return pl.BlockSpec(shape, lambda i: (0, 0))


def _pre_body(h_ref, wd_ref, bd_ref, hd_ref):
    hd_ref[...] = jnp.dot(h_ref[...], wd_ref[...],
                          preferred_element_type=jnp.float32) + bd_ref[...]


def _edge_mlp(s, ga, gb, ef, W_src, b_src,
              Wp1, bp1, Wp2, bp2, Wp3, bp3):
    eb = 2000
    off = s * (EH // eb)
    return pl.pallas_call(
        _edge_body,
        grid=(EH // eb,),
        in_specs=[
            pl.BlockSpec((eb, F), lambda i: (i, 0)),
            pl.BlockSpec((eb, H), lambda i: (i, 0)),
            pl.BlockSpec((eb, H), lambda i: (i + off, 0)),
            _full((F, H)), _full((1, H)),
            _full((H, H)), _full((1, H)),
            _full((H, H)), _full((1, H)),
            _full((H, F)), _full((1, F)),
        ],
        out_specs=pl.BlockSpec((eb, F), lambda i: (i, 0)),
        out_shape=jax.ShapeDtypeStruct((EH, F), jnp.float32),
    )(ga, gb, ef, W_src, b_src.reshape(1, H),
      Wp1, bp1.reshape(1, H), Wp2, bp2.reshape(1, H), Wp3, bp3.reshape(1, F))


def kernel(node_feat, edge_index, edge_feat, W_src, b_src, W_dst, b_dst,
           Wp1, bp1, Wp2, bp2, Wp3, bp3, Wpd, bpd, Wpu, bpu,
           Wt1, bt1, Wt2, bt2):
    f32 = jnp.float32
    srcg = edge_index[0].reshape(NSPLIT * NW, NG, GB)
    dstg = edge_index[1].reshape(NSPLIT * NW, NG, GB)
    dsts = edge_index[1].reshape(NSPLIT * NW, NGS, GBS)
    zeros = jnp.zeros((N, F), f32)

    nbp = 1000
    hd = pl.pallas_call(
        _pre_body,
        grid=(N // nbp,),
        in_specs=[
            pl.BlockSpec((nbp, F), lambda i: (i, 0)),
            _full((F, H)),
            _full((1, H)),
        ],
        out_specs=pl.BlockSpec((nbp, H), lambda i: (i, 0)),
        out_shape=jax.ShapeDtypeStruct((N, H), f32),
    )(node_feat, W_dst, b_dst.reshape(1, H))

    upds = []
    edge_args = (W_src, b_src, Wp1, bp1, Wp2, bp2, Wp3, bp3)
    for s in range(NSPLIT):
        ga, gb = _sc_gather(s, node_feat, hd, srcg, dstg)
        m = _edge_mlp(s, ga, gb, edge_feat, *edge_args)
        upds.append(_sc_scatter(s, m, dsts, zeros))

    nb = 1000
    nblocks = N // nb
    u_specs = [pl.BlockSpec((nb, F), lambda i, o=off: (i + o, 0))
               for off in (0, nblocks, 0, nblocks)]
    out = pl.pallas_call(
        _node_body,
        grid=(nblocks,),
        in_specs=[pl.BlockSpec((nb, F), lambda i: (i, 0))] + u_specs + [
            _full((F, H)), _full((1, H)),
            _full((F, H)), _full((1, H)),
            _full((H, F)), _full((1, F)),
            _full((F, F)), _full((1, F)),
        ],
        out_specs=pl.BlockSpec((nb, F), lambda i: (i, 0)),
        out_shape=jax.ShapeDtypeStruct((N, F), f32),
    )(node_feat, upds[0], upds[0], upds[1], upds[1],
      Wpd, bpd.reshape(1, H), Wpu, bpu.reshape(1, H),
      Wt1, bt1.reshape(1, F), Wt2, bt2.reshape(1, F))
    return out

# --- scband reference (transcript-rebuilt; emitter-appended) ---
"""Pipeline reference for scband-gnnlayer-32736240730704 (READ-ONLY COPY).

The authoritative reference and input builder live on the scoring server;
editing this copy changes nothing except your own understanding.
"""

import jax, jax.numpy as jnp
import numpy as np

N = 10000
E = 320000
F = 128
H = 64
OUT = 128
TH = 128


def _lin_init(k, fan_in, fan_out):
    k1, k2 = jax.random.split(k)
    bound = 1.0 / np.sqrt(fan_in)
    W = jax.random.uniform(k1, (fan_in, fan_out), jnp.float32, -bound, bound)
    b = jax.random.uniform(k2, (fan_out,), jnp.float32, -bound, bound)
    return W, b


def setup_inputs(seed: int = 0):
    key = jax.random.key(seed)
    ks = jax.random.split(key, 12)
    inp = {}
    inp["node_feat"] = jax.random.normal(ks[0], (N, F), dtype=jnp.float32)
    inp["edge_index"] = jax.random.randint(ks[1], (2, E), 0, N, dtype=jnp.int32)
    inp["edge_feat"] = jax.random.normal(ks[2], (E, H), dtype=jnp.float32)
    inp["W_src"], inp["b_src"] = _lin_init(ks[3], F, H)
    inp["W_dst"], inp["b_dst"] = _lin_init(ks[4], F, H)
    inp["Wp1"], inp["bp1"] = _lin_init(ks[5], H, H)
    inp["Wp2"], inp["bp2"] = _lin_init(ks[6], H, H)
    inp["Wp3"], inp["bp3"] = _lin_init(ks[7], H, F)
    inp["Wpd"], inp["bpd"] = _lin_init(ks[8], F, H)
    inp["Wpu"], inp["bpu"] = _lin_init(ks[9], F, H)
    inp["Wt1"], inp["bt1"] = _lin_init(ks[10], H, TH)
    inp["Wt2"], inp["bt2"] = _lin_init(ks[11], TH, OUT)
    return inp


def reference(node_feat, edge_index, edge_feat, W_src, b_src, W_dst, b_dst, Wp1, bp1, Wp2, bp2, Wp3, bp3, Wpd, bpd, Wpu, bpu, Wt1, bt1, Wt2, bt2):
    h = node_feat
    src = edge_index[0]
    dst = edge_index[1]
    # edge-wise affine codes (gather node features per edge)
    src_code = jnp.take(h, src, axis=0) @ W_src + b_src
    dst_code = jnp.take(h, dst, axis=0) @ W_dst + b_dst
    t = edge_feat + src_code + dst_code
    # phi_function: MLP(H -> F), activation_first=True, n_hidden=2
    t = jax.nn.relu(t)
    t = jax.nn.relu(t @ Wp1 + bp1)
    t = jax.nn.relu(t @ Wp2 + bp2)
    e_emb = t @ Wp3 + bp3
    # update_all: u_mul_e('h','e_emb','m'), sum('m','h')
    m = jnp.take(h, src, axis=0) * e_emb
    upd = jax.ops.segment_sum(m, dst, num_segments=N)
    # theta(phi_dst_node(h) + phi_updated_node(upd)); theta: activation_first, n_hidden=1, hidden=128
    pre = (h @ Wpd + bpd) + (upd @ Wpu + bpu)
    z = jax.nn.relu(pre)
    z = jax.nn.relu(z @ Wt1 + bt1)
    out = z @ Wt2 + bt2
    return out

if __name__ == "__main__":
    import jax
    _d = setup_inputs()
    print(jax.jit(kernel)(*tuple(_d.values())))

</pallas_src>

<mosaic_0001>
#map = affine_map<(d0, d1) -> (0, 0)>
#map1 = affine_map<(d0, d1) -> (0, 0, 0)>
module attributes {stable_mosaic.version = 14 : i64} {
  func.func @_scatter_body(%arg0: i32, %arg1: i32, %arg2: memref<160000x128xf32, #tpu.memory_space<hbm>>, %arg3: memref<64x125x40xi32, #tpu.memory_space<hbm>>, %arg4: memref<10000x128xf32, #tpu.memory_space<hbm>>, %arg5: memref<20000x128xf32, #tpu.memory_space<hbm>>, %arg6: memref<10000x128xf32, #tpu.memory_space<vmem_shared>>, %arg7: memref<125x40xi32, #tpu.memory_space<vmem>>, %arg8: memref<40x128xf32, #tpu.memory_space<vmem>>, %arg9: memref<40x128xf32, #tpu.memory_space<vmem>>, %arg10: memref<!tpu.dma_semaphore, #tpu.memory_space<semaphore_mem>>, %arg11: memref<!tpu.dma_semaphore, #tpu.memory_space<semaphore_mem>>) attributes {dimension_semantics = [#tpu.dimension_semantics<core_parallel>, #tpu.dimension_semantics<subcore_parallel>], iteration_bounds = array<i64: 2, 16>, scalar_prefetch = 0 : i64, scratch_operands = 6 : i64, tpu.core_type = #tpu.core_type<sc_vector_subcore>, window_params = [{transform_indices = #map}, {transform_indices = #map1}, {transform_indices = #map}, {transform_indices = #map}]} {
    %mul3A = arith.constant 2 : i32
    %mul3A_0 = arith.muli %arg1, %mul3A : i32
    %add3A = arith.addi %mul3A_0, %arg0 : i32
    %mul3A_1 = arith.constant 5000 : i32
    %mul3A_2 = arith.muli %add3A, %mul3A_1 : i32
    %lt3A = arith.constant 10 : i32
    %lt3A_3 = arith.cmpi slt, %arg1, %lt3A : i32
    %convert_element_type3A = arith.extui %lt3A_3 : i1 to i32
    %cond3A = arith.constant 0 : i32
    %cond3A_4 = arith.cmpi ne, %convert_element_type3A, %cond3A : i32
    scf.if %cond3A_4 {
      %mul3A_29 = arith.constant 1000 : i32
      %mul3A_30 = arith.muli %arg1, %mul3A_29 : i32
      %mul3A_31 = arith.constant 1000 : i32
      %mul3A_32 = arith.muli %arg1, %mul3A_31 : i32
      "tpu.region"() ({
        %run_scoped3A_33 = tpu.sem_alloc : memref<!tpu.dma_semaphore, #tpu.memory_space<semaphore_mem>>
        %dma_start3A_34 = arith.constant 0 : i32
        %dma_start3A_35 = tpu.memref_slice %arg6[%mul3A_32, %dma_start3A_34] : memref<10000x128xf32, #tpu.memory_space<vmem_shared>> -> memref<1000x128xf32, #tpu.memory_space<vmem_shared>>
        %dma_start3A_36 = arith.constant 0 : i32
        %dma_start3A_37 = tpu.memref_slice %arg4[%mul3A_30, %dma_start3A_36] : memref<10000x128xf32, #tpu.memory_space<hbm>> -> memref<1000x128xf32, #tpu.memory_space<hbm>>
        tpu.enqueue_dma source(%dma_start3A_37 : memref<1000x128xf32, #tpu.memory_space<hbm>>) target(%dma_start3A_35 : memref<1000x128xf32, #tpu.memory_space<vmem_shared>>) target_semaphore(%run_scoped3A_33 : memref<!tpu.dma_semaphore, #tpu.memory_space<semaphore_mem>>)
        %dma_wait3A_38 = arith.constant 0 : i32
        %dma_wait3A_39 = tpu.memref_slice %arg6[%mul3A_32, %dma_wait3A_38] : memref<10000x128xf32, #tpu.memory_space<vmem_shared>> -> memref<1000x128xf32, #tpu.memory_space<vmem_shared>>
        %dma_wait3A_40 = arith.constant 0 : i32
        %dma_wait3A_41 = tpu.memref_slice %arg4[%mul3A_30, %dma_wait3A_40] : memref<10000x128xf32, #tpu.memory_space<hbm>> -> memref<1000x128xf32, #tpu.memory_space<hbm>>
        tpu.wait_dma2 semaphore(%run_scoped3A_33 : memref<!tpu.dma_semaphore, #tpu.memory_space<semaphore_mem>>) src(%dma_wait3A_41 : memref<1000x128xf32, #tpu.memory_space<hbm>>) dst(%dma_wait3A_39 : memref<1000x128xf32, #tpu.memory_space<vmem_shared>>)
        tpu.yield
      }) : () -> ()
    } else {
    }
    %add3A_5 = arith.constant 0 : i32
    %add3A_6 = arith.addi %add3A_5, %add3A : i32
    "tpu.region"() ({
      %run_scoped3A_29 = tpu.sem_alloc : memref<!tpu.dma_semaphore, #tpu.memory_space<semaphore_mem>>
      %dma_start3A_30 = arith.constant 0 : i32
      %dma_start3A_31 = arith.constant 0 : i32
      %dma_start3A_32 = tpu.memref_slice %arg3[%add3A_6, %dma_start3A_30, %dma_start3A_31] : memref<64x125x40xi32, #tpu.memory_space<hbm>> -> memref<1x125x40xi32, #tpu.memory_space<hbm>>
      %dma_start3A_33 = tpu.memref_squeeze %dma_start3A_32 : memref<1x125x40xi32, #tpu.memory_space<hbm>> -> memref<125x40xi32, #tpu.memory_space<hbm>>
      %dma_start3A_34 = arith.constant 0 : i32
      %dma_start3A_35 = arith.constant 0 : i32
      %dma_start3A_36 = tpu.memref_slice %arg3[%add3A_6, %dma_start3A_34, %dma_start3A_35] : memref<64x125x40xi32, #tpu.memory_space<hbm>> -> memref<1x125x40xi32, #tpu.memory_space<hbm>>
      %dma_start3A_37 = tpu.memref_squeeze %dma_start3A_36 : memref<1x125x40xi32, #tpu.memory_space<hbm>> -> memref<125x40xi32, #tpu.memory_space<hbm>>
      tpu.enqueue_dma source(%dma_start3A_37 : memref<125x40xi32, #tpu.memory_space<hbm>>) target(%arg7 : memref<125x40xi32, #tpu.memory_space<vmem>>) target_semaphore(%run_scoped3A_29 : memref<!tpu.dma_semaphore, #tpu.memory_space<semaphore_mem>>)
      %dma_wait3A_38 = arith.constant 0 : i32
      %dma_wait3A_39 = arith.constant 0 : i32
      %dma_wait3A_40 = tpu.memref_slice %arg3[%add3A_6, %dma_wait3A_38, %dma_wait3A_39] : memref<64x125x40xi32, #tpu.memory_space<hbm>> -> memref<1x125x40xi32, #tpu.memory_space<hbm>>
      %dma_wait3A_41 = tpu.memref_squeeze %dma_wait3A_40 : memref<1x125x40xi32, #tpu.memory_space<hbm>> -> memref<125x40xi32, #tpu.memory_space<hbm>>
      %dma_wait3A_42 = arith.constant 0 : i32
      %dma_wait3A_43 = arith.constant 0 : i32
      %dma_wait3A_44 = tpu.memref_slice %arg3[%add3A_6, %dma_wait3A_42, %dma_wait3A_43] : memref<64x125x40xi32, #tpu.memory_space<hbm>> -> memref<1x125x40xi32, #tpu.memory_space<hbm>>
      %dma_wait3A_45 = tpu.memref_squeeze %dma_wait3A_44 : memref<1x125x40xi32, #tpu.memory_space<hbm>> -> memref<125x40xi32, #tpu.memory_space<hbm>>
      tpu.wait_dma2 semaphore(%run_scoped3A_29 : memref<!tpu.dma_semaphore, #tpu.memory_space<semaphore_mem>>) src(%dma_wait3A_45 : memref<125x40xi32, #tpu.memory_space<hbm>>) dst(%arg7 : memref<125x40xi32, #tpu.memory_space<vmem>>)
      tpu.yield
    }) : () -> ()
    %barrier3A = arith.constant 0 : index
    tpu.barrier barrier_id(%barrier3A)
    %add3A_7 = arith.constant 0 : i32
    %add3A_8 = arith.addi %mul3A_2, %add3A_7 : i32
    %dma_start3A = arith.constant 0 : i32
    %dma_start3A_9 = tpu.memref_slice %arg2[%add3A_8, %dma_start3A] : memref<160000x128xf32, #tpu.memory_space<hbm>> -> memref<40x128xf32, #tpu.memory_space<hbm>>
    %dma_start3A_10 = arith.constant 0 : i32
    %dma_start3A_11 = tpu.memref_slice %arg2[%add3A_8, %dma_start3A_10] : memref<160000x128xf32, #tpu.memory_space<hbm>> -> memref<40x128xf32, #tpu.memory_space<hbm>>
    tpu.enqueue_dma source(%dma_start3A_11 : memref<40x128xf32, #tpu.memory_space<hbm>>) target(%arg8 : memref<40x128xf32, #tpu.memory_space<vmem>>) target_semaphore(%arg10 : memref<!tpu.dma_semaphore, #tpu.memory_space<semaphore_mem>>)
    %scan3A = arith.constant 0 : i32
    %scan3A_12 = arith.constant 0 : i32
    %scan3A_13 = arith.constant 62 : i32
    %scan3A_14 = arith.addi %scan3A_12, %scan3A_13 : i32
    %scan3A_15 = arith.constant 1 : i32
    %scan3A_16 = scf.for %scan3A_29 = %scan3A_12 to %scan3A_14 step %scan3A_15 iter_args(%scan3A_30 = %scan3A) -> (i32)  : i32 {
      %mul3A_31 = arith.constant 2 : i32
      %mul3A_32 = arith.muli %mul3A_31, %scan3A_29 : i32
      %mul3A_33 = arith.constant 40 : i32
      %mul3A_34 = arith.muli %mul3A_32, %mul3A_33 : i32
      %add3A_35 = arith.addi %mul3A_2, %mul3A_34 : i32
      %dma_wait3A_36 = arith.constant 0 : i32
      %dma_wait3A_37 = tpu.memref_slice %arg2[%add3A_35, %dma_wait3A_36] : memref<160000x128xf32, #tpu.memory_space<hbm>> -> memref<40x128xf32, #tpu.memory_space<hbm>>
      %dma_wait3A_38 = arith.constant 0 : i32
      %dma_wait3A_39 = tpu.memref_slice %arg2[%add3A_35, %dma_wait3A_38] : memref<160000x128xf32, #tpu.memory_space<hbm>> -> memref<40x128xf32, #tpu.memory_space<hbm>>
      tpu.wait_dma2 semaphore(%arg10 : memref<!tpu.dma_semaphore, #tpu.memory_space<semaphore_mem>>) src(%dma_wait3A_39 : memref<40x128xf32, #tpu.memory_space<hbm>>) dst(%arg8 : memref<40x128xf32, #tpu.memory_space<vmem>>)
      %add3A_40 = arith.constant 1 : i32
      %add3A_41 = arith.addi %mul3A_32, %add3A_40 : i32
      %mul3A_42 = arith.constant 40 : i32
      %mul3A_43 = arith.muli %add3A_41, %mul3A_42 : i32
      %add3A_44 = arith.addi %mul3A_2, %mul3A_43 : i32
      %dma_start3A_45 = arith.constant 0 : i32
      %dma_start3A_46 = tpu.memref_slice %arg2[%add3A_44, %dma_start3A_45] : memref<160000x128xf32, #tpu.memory_space<hbm>> -> memref<40x128xf32, #tpu.memory_space<hbm>>
      %dma_start3A_47 = arith.constant 0 : i32
      %dma_start3A_48 = tpu.memref_slice %arg2[%add3A_44, %dma_start3A_47] : memref<160000x128xf32, #tpu.memory_space<hbm>> -> memref<40x128xf32, #tpu.memory_space<hbm>>
      tpu.enqueue_dma source(%dma_start3A_48 : memref<40x128xf32, #tpu.memory_space<hbm>>) target(%arg9 : memref<40x128xf32, #tpu.memory_space<vmem>>) target_semaphore(%arg11 : memref<!tpu.dma_semaphore, #tpu.memory_space<semaphore_mem>>)
      "tpu.region"() ({
        %run_scoped3A_70 = tpu.sem_alloc : memref<!tpu.dma_semaphore, #tpu.memory_space<semaphore_mem>>
        %dma_start3A_71 = arith.constant 0 : i32
        %dma_start3A_72 = tpu.memref_slice %arg7[%mul3A_32, %dma_start3A_71] : memref<125x40xi32, #tpu.memory_space<vmem>> -> memref<1x40xi32, #tpu.memory_space<vmem>>
        %dma_start3A_73 = tpu.memref_squeeze %dma_start3A_72 : memref<1x40xi32, #tpu.memory_space<vmem>> -> memref<40xi32, #tpu.memory_space<vmem>>
        %dma_start3A_74 = arith.constant 0 : i32
        %dma_start3A_75 = arith.constant 0 : i32
        %dma_start3A_76 = tpu.memref_slice %arg6[%dma_start3A_74, %dma_start3A_75] : memref<10000x128xf32, #tpu.memory_space<vmem_shared>> -> memref<10000x128xf32, #tpu.memory_space<vmem_shared>>
        tpu.enqueue_indirect_dma source(%arg8 : memref<40x128xf32, #tpu.memory_space<vmem>>) target(%dma_start3A_76 : memref<10000x128xf32, #tpu.memory_space<vmem_shared>>) offsets(%dma_start3A_73 : memref<40xi32, #tpu.memory_space<vmem>>) semaphore(%run_scoped3A_70 : memref<!tpu.dma_semaphore, #tpu.memory_space<semaphore_mem>>) {add = true}
        %dma_wait3A_77 = arith.constant 0 : i32
        %dma_wait3A_78 = tpu.memref_slice %arg7[%mul3A_32, %dma_wait3A_77] : memref<125x40xi32, #tpu.memory_space<vmem>> -> memref<1x40xi32, #tpu.memory_space<vmem>>
        %dma_wait3A_79 = tpu.memref_squeeze %dma_wait3A_78 : memref<1x40xi32, #tpu.memory_space<vmem>> -> memref<40xi32, #tpu.memory_space<vmem>>
        %dma_wait3A_80 = arith.constant 0 : i32
        %dma_wait3A_81 = arith.constant 0 : i32
        %dma_wait3A_82 = tpu.memref_slice %arg6[%dma_wait3A_80, %dma_wait3A_81] : memref<10000x128xf32, #tpu.memory_space<vmem_shared>> -> memref<10000x128xf32, #tpu.memory_space<vmem_shared>>
        tpu.wait_indirect_dma semaphore(%run_scoped3A_70 : memref<!tpu.dma_semaphore, #tpu.memory_space<semaphore_mem>>) src(%arg8 : memref<40x128xf32, #tpu.memory_space<vmem>>) dst(%dma_wait3A_82 : memref<10000x128xf32, #tpu.memory_space<vmem_shared>>)
        tpu.yield
      }) : () -> ()
      %add3A_49 = arith.constant 1 : i32
      %add3A_50 = arith.addi %mul3A_32, %add3A_49 : i32
      %mul3A_51 = arith.constant 40 : i32
      %mul3A_52 = arith.muli %add3A_50, %mul3A_51 : i32
      %add3A_53 = arith.addi %mul3A_2, %mul3A_52 : i32
      %dma_wait3A_54 = arith.constant 0 : i32
      %dma_wait3A_55 = tpu.memref_slice %arg2[%add3A_53, %dma_wait3A_54] : memref<160000x128xf32, #tpu.memory_space<hbm>> -> memref<40x128xf32, #tpu.memory_space<hbm>>
      %dma_wait3A_56 = arith.constant 0 : i32
      %dma_wait3A_57 = tpu.memref_slice %arg2[%add3A_53, %dma_wait3A_56] : memref<160000x128xf32, #tpu.memory_space<hbm>> -> memref<40x128xf32, #tpu.memory_space<hbm>>
      tpu.wait_dma2 semaphore(%arg11 : memref<!tpu.dma_semaphore, #tpu.memory_space<semaphore_mem>>) src(%dma_wait3A_57 : memref<40x128xf32, #tpu.memory_space<hbm>>) dst(%arg9 : memref<40x128xf32, #tpu.memory_space<vmem>>)
      %add3A_58 = arith.constant 2 : i32
      %add3A_59 = arith.addi %mul3A_32, %add3A_58 : i32
      %mul3A_60 = arith.constant 40 : i32
      %mul3A_61 = arith.muli %add3A_59, %mul3A_60 : i32
      %add3A_62 = arith.addi %mul3A_2, %mul3A_61 : i32
      %dma_start3A_63 = arith.constant 0 : i32
      %dma_start3A_64 = tpu.memref_slice %arg2[%add3A_62, %dma_start3A_63] : memref<160000x128xf32, #tpu.memory_space<hbm>> -> memref<40x128xf32, #tpu.memory_space<hbm>>
      %dma_start3A_65 = arith.constant 0 : i32
      %dma_start3A_66 = tpu.memref_slice %arg2[%add3A_62, %dma_start3A_65] : memref<160000x128xf32, #tpu.memory_space<hbm>> -> memref<40x128xf32, #tpu.memory_space<hbm>>
      tpu.enqueue_dma source(%dma_start3A_66 : memref<40x128xf32, #tpu.memory_space<hbm>>) target(%arg8 : memref<40x128xf32, #tpu.memory_space<vmem>>) target_semaphore(%arg10 : memref<!tpu.dma_semaphore, #tpu.memory_space<semaphore_mem>>)
      %add3A_67 = arith.constant 1 : i32
      %add3A_68 = arith.addi %mul3A_32, %add3A_67 : i32
      "tpu.region"() ({
        %run_scoped3A_70 = tpu.sem_alloc : memref<!tpu.dma_semaphore, #tpu.memory_space<semaphore_mem>>
        %dma_start3A_71 = arith.constant 0 : i32
        %dma_start3A_72 = tpu.memref_slice %arg7[%add3A_68, %dma_start3A_71] : memref<125x40xi32, #tpu.memory_space<vmem>> -> memref<1x40xi32, #tpu.memory_space<vmem>>
        %dma_start3A_73 = tpu.memref_squeeze %dma_start3A_72 : memref<1x40xi32, #tpu.memory_space<vmem>> -> memref<40xi32, #tpu.memory_space<vmem>>
        %dma_start3A_74 = arith.constant 0 : i32
        %dma_start3A_75 = arith.constant 0 : i32
        %dma_start3A_76 = tpu.memref_slice %arg6[%dma_start3A_74, %dma_start3A_75] : memref<10000x128xf32, #tpu.memory_space<vmem_shared>> -> memref<10000x128xf32, #tpu.memory_space<vmem_shared>>
        tpu.enqueue_indirect_dma source(%arg9 : memref<40x128xf32, #tpu.memory_space<vmem>>) target(%dma_start3A_76 : memref<10000x128xf32, #tpu.memory_space<vmem_shared>>) offsets(%dma_start3A_73 : memref<40xi32, #tpu.memory_space<vmem>>) semaphore(%run_scoped3A_70 : memref<!tpu.dma_semaphore, #tpu.memory_space<semaphore_mem>>) {add = true}
        %dma_wait3A_77 = arith.constant 0 : i32
        %dma_wait3A_78 = tpu.memref_slice %arg7[%add3A_68, %dma_wait3A_77] : memref<125x40xi32, #tpu.memory_space<vmem>> -> memref<1x40xi32, #tpu.memory_space<vmem>>
        %dma_wait3A_79 = tpu.memref_squeeze %dma_wait3A_78 : memref<1x40xi32, #tpu.memory_space<vmem>> -> memref<40xi32, #tpu.memory_space<vmem>>
        %dma_wait3A_80 = arith.constant 0 : i32
        %dma_wait3A_81 = arith.constant 0 : i32
        %dma_wait3A_82 = tpu.memref_slice %arg6[%dma_wait3A_80, %dma_wait3A_81] : memref<10000x128xf32, #tpu.memory_space<vmem_shared>> -> memref<10000x128xf32, #tpu.memory_space<vmem_shared>>
        tpu.wait_indirect_dma semaphore(%run_scoped3A_70 : memref<!tpu.dma_semaphore, #tpu.memory_space<semaphore_mem>>) src(%arg9 : memref<40x128xf32, #tpu.memory_space<vmem>>) dst(%dma_wait3A_82 : memref<10000x128xf32, #tpu.memory_space<vmem_shared>>)
        tpu.yield
      }) : () -> ()
      %scan3A_69 = arith.constant 0 : i32
      scf.yield %scan3A_69 : i32
    }
    %scan3A_17 = arith.constant 62 : i32
    %add3A_18 = arith.constant 4960 : i32
    %add3A_19 = arith.addi %mul3A_2, %add3A_18 : i32
    %dma_wait3A = arith.constant 0 : i32
    %dma_wait3A_20 = tpu.memref_slice %arg2[%add3A_19, %dma_wait3A] : memref<160000x128xf32, #tpu.memory_space<hbm>> -> memref<40x128xf32, #tpu.memory_space<hbm>>
    %dma_wait3A_21 = arith.constant 0 : i32
    %dma_wait3A_22 = tpu.memref_slice %arg2[%add3A_19, %dma_wait3A_21] : memref<160000x128xf32, #tpu.memory_space<hbm>> -> memref<40x128xf32, #tpu.memory_space<hbm>>
    tpu.wait_dma2 semaphore(%arg10 : memref<!tpu.dma_semaphore, #tpu.memory_space<semaphore_mem>>) src(%dma_wait3A_22 : memref<40x128xf32, #tpu.memory_space<hbm>>) dst(%arg8 : memref<40x128xf32, #tpu.memory_space<vmem>>)
    %run_scoped3A = arith.constant 124 : i32
    "tpu.region"() ({
      %run_scoped3A_29 = tpu.sem_alloc : memref<!tpu.dma_semaphore, #tpu.memory_space<semaphore_mem>>
      %dma_start3A_30 = arith.constant 0 : i32
      %dma_start3A_31 = tpu.memref_slice %arg7[%run_scoped3A, %dma_start3A_30] : memref<125x40xi32, #tpu.memory_space<vmem>> -> memref<1x40xi32, #tpu.memory_space<vmem>>
      %dma_start3A_32 = tpu.memref_squeeze %dma_start3A_31 : memref<1x40xi32, #tpu.memory_space<vmem>> -> memref<40xi32, #tpu.memory_space<vmem>>
      %dma_start3A_33 = arith.constant 0 : i32
      %dma_start3A_34 = arith.constant 0 : i32
      %dma_start3A_35 = tpu.memref_slice %arg6[%dma_start3A_33, %dma_start3A_34] : memref<10000x128xf32, #tpu.memory_space<vmem_shared>> -> memref<10000x128xf32, #tpu.memory_space<vmem_shared>>
      tpu.enqueue_indirect_dma source(%arg8 : memref<40x128xf32, #tpu.memory_space<vmem>>) target(%dma_start3A_35 : memref<10000x128xf32, #tpu.memory_space<vmem_shared>>) offsets(%dma_start3A_32 : memref<40xi32, #tpu.memory_space<vmem>>) semaphore(%run_scoped3A_29 : memref<!tpu.dma_semaphore, #tpu.memory_space<semaphore_mem>>) {add = true}
      %dma_wait3A_36 = arith.constant 0 : i32
      %dma_wait3A_37 = tpu.memref_slice %arg7[%run_scoped3A, %dma_wait3A_36] : memref<125x40xi32, #tpu.memory_space<vmem>> -> memref<1x40xi32, #tpu.memory_space<vmem>>
      %dma_wait3A_38 = tpu.memref_squeeze %dma_wait3A_37 : memref<1x40xi32, #tpu.memory_space<vmem>> -> memref<40xi32, #tpu.memory_space<vmem>>
      %dma_wait3A_39 = arith.constant 0 : i32
      %dma_wait3A_40 = arith.constant 0 : i32
      %dma_wait3A_41 = tpu.memref_slice %arg6[%dma_wait3A_39, %dma_wait3A_40] : memref<10000x128xf32, #tpu.memory_space<vmem_shared>> -> memref<10000x128xf32, #tpu.memory_space<vmem_shared>>
      tpu.wait_indirect_dma semaphore(%run_scoped3A_29 : memref<!tpu.dma_semaphore, #tpu.memory_space<semaphore_mem>>) src(%arg8 : memref<40x128xf32, #tpu.memory_space<vmem>>) dst(%dma_wait3A_41 : memref<10000x128xf32, #tpu.memory_space<vmem_shared>>)
      tpu.yield
    }) : () -> ()
    %barrier3A_23 = arith.constant 0 : index
    tpu.barrier barrier_id(%barrier3A_23)
    %lt3A_24 = arith.constant 10 : i32
    %lt3A_25 = arith.cmpi slt, %arg1, %lt3A_24 : i32
    %convert_element_type3A_26 = arith.extui %lt3A_25 : i1 to i32
    %cond3A_27 = arith.constant 0 : i32
    %cond3A_28 = arith.cmpi ne, %convert_element_type3A_26, %cond3A_27 : i32
    scf.if %cond3A_28 {
      %mul3A_29 = arith.constant 1000 : i32
      %mul3A_30 = arith.muli %arg1, %mul3A_29 : i32
      %mul3A_31 = arith.constant 10000 : i32
      %mul3A_32 = arith.muli %arg0, %mul3A_31 : i32
      %mul3A_33 = arith.constant 1000 : i32
      %mul3A_34 = arith.muli %arg1, %mul3A_33 : i32
      %add3A_35 = arith.addi %mul3A_32, %mul3A_34 : i32
      "tpu.region"() ({
        %run_scoped3A_36 = tpu.sem_alloc : memref<!tpu.dma_semaphore, #tpu.memory_space<semaphore_mem>>
        %dma_start3A_37 = arith.constant 0 : i32
        %dma_start3A_38 = tpu.memref_slice %arg5[%add3A_35, %dma_start3A_37] : memref<20000x128xf32, #tpu.memory_space<hbm>> -> memref<1000x128xf32, #tpu.memory_space<hbm>>
        %dma_start3A_39 = arith.constant 0 : i32
        %dma_start3A_40 = tpu.memref_slice %arg6[%mul3A_30, %dma_start3A_39] : memref<10000x128xf32, #tpu.memory_space<vmem_shared>> -> memref<1000x128xf32, #tpu.memory_space<vmem_shared>>
        tpu.enqueue_dma source(%dma_start3A_40 : memref<1000x128xf32, #tpu.memory_space<vmem_shared>>) target(%dma_start3A_38 : memref<1000x128xf32, #tpu.memory_space<hbm>>) target_semaphore(%run_scoped3A_36 : memref<!tpu.dma_semaphore, #tpu.memory_space<semaphore_mem>>)
        %dma_wait3A_41 = arith.constant 0 : i32
        %dma_wait3A_42 = tpu.memref_slice %arg5[%add3A_35, %dma_wait3A_41] : memref<20000x128xf32, #tpu.memory_space<hbm>> -> memref<1000x128xf32, #tpu.memory_space<hbm>>
        %dma_wait3A_43 = arith.constant 0 : i32
        %dma_wait3A_44 = tpu.memref_slice %arg6[%mul3A_30, %dma_wait3A_43] : memref<10000x128xf32, #tpu.memory_space<vmem_shared>> -> memref<1000x128xf32, #tpu.memory_space<vmem_shared>>
        tpu.wait_dma2 semaphore(%run_scoped3A_36 : memref<!tpu.dma_semaphore, #tpu.memory_space<semaphore_mem>>) src(%dma_wait3A_44 : memref<1000x128xf32, #tpu.memory_space<vmem_shared>>) dst(%dma_wait3A_42 : memref<1000x128xf32, #tpu.memory_space<hbm>>)
        tpu.yield
      }) : () -> ()
    } else {
    }
    return
  }
}

#map = affine_map<(d0, d1) -> (0, 0)>
#map1 = affine_map<(d0, d1) -> (0, 0, 0)>
module attributes {stable_mosaic.version = 14 : i64} {
  func.func @_gather_body(%arg0: i32, %arg1: i32, %arg2: memref<10000x128xf32, #tpu.memory_space<hbm>>, %arg3: memref<10000x64xf32, #tpu.memory_space<hbm>>, %arg4: memref<64x50x100xi32, #tpu.memory_space<hbm>>, %arg5: memref<64x50x100xi32, #tpu.memory_space<hbm>>, %arg6: memref<160000x128xf32, #tpu.memory_space<hbm>>, %arg7: memref<160000x64xf32, #tpu.memory_space<hbm>>, %arg8: memref<50x100xi32, #tpu.memory_space<vmem>>, %arg9: memref<200x128xf32, #tpu.memory_space<vmem>>, %arg10: memref<200x128xf32, #tpu.memory_space<vmem>>, %arg11: memref<200x64xf32, #tpu.memory_space<vmem>>, %arg12: memref<200x64xf32, #tpu.memory_space<vmem>>, %arg13: memref<!tpu.dma_semaphore, #tpu.memory_space<semaphore_mem>>, %arg14: memref<!tpu.dma_semaphore, #tpu.memory_space<semaphore_mem>>) attributes {dimension_semantics = [#tpu.dimension_semantics<core_parallel>, #tpu.dimension_semantics<subcore_parallel>], iteration_bounds = array<i64: 2, 16>, scalar_prefetch = 0 : i64, scratch_operands = 7 : i64, tpu.core_type = #tpu.core_type<sc_vector_subcore>, window_params = [{transform_indices = #map}, {transform_indices = #map}, {transform_indices = #map1}, {transform_indices = #map1}, {transform_indices = #map}, {transform_indices = #map}]} {
    %mul3A = arith.constant 2 : i32
    %mul3A_0 = arith.muli %arg1, %mul3A : i32
    %add3A = arith.addi %mul3A_0, %arg0 : i32
    %mul3A_1 = arith.constant 5000 : i32
    %mul3A_2 = arith.muli %add3A, %mul3A_1 : i32
    %add3A_3 = arith.constant 32 : i32
    %add3A_4 = arith.addi %add3A_3, %add3A : i32
    "tpu.region"() ({
      %run_scoped3A = tpu.sem_alloc : memref<!tpu.dma_semaphore, #tpu.memory_space<semaphore_mem>>
      %dma_start3A_102 = arith.constant 0 : i32
      %dma_start3A_103 = arith.constant 0 : i32
      %dma_start3A_104 = tpu.memref_slice %arg4[%add3A_4, %dma_start3A_102, %dma_start3A_103] : memref<64x50x100xi32, #tpu.memory_space<hbm>> -> memref<1x50x100xi32, #tpu.memory_space<hbm>>
      %dma_start3A_105 = tpu.memref_squeeze %dma_start3A_104 : memref<1x50x100xi32, #tpu.memory_space<hbm>> -> memref<50x100xi32, #tpu.memory_space<hbm>>
      %dma_start3A_106 = arith.constant 0 : i32
      %dma_start3A_107 = arith.constant 0 : i32
      %dma_start3A_108 = tpu.memref_slice %arg4[%add3A_4, %dma_start3A_106, %dma_start3A_107] : memref<64x50x100xi32, #tpu.memory_space<hbm>> -> memref<1x50x100xi32, #tpu.memory_space<hbm>>
      %dma_start3A_109 = tpu.memref_squeeze %dma_start3A_108 : memref<1x50x100xi32, #tpu.memory_space<hbm>> -> memref<50x100xi32, #tpu.memory_space<hbm>>
      tpu.enqueue_dma source(%dma_start3A_109 : memref<50x100xi32, #tpu.memory_space<hbm>>) target(%arg8 : memref<50x100xi32, #tpu.memory_space<vmem>>) target_semaphore(%run_scoped3A : memref<!tpu.dma_semaphore, #tpu.memory_space<semaphore_mem>>)
      %dma_wait3A_110 = arith.constant 0 : i32
      %dma_wait3A_111 = arith.constant 0 : i32
      %dma_wait3A_112 = tpu.memref_slice %arg4[%add3A_4, %dma_wait3A_110, %dma_wait3A_111] : memref<64x50x100xi32, #tpu.memory_space<hbm>> -> memref<1x50x100xi32, #tpu.memory_space<hbm>>
      %dma_wait3A_113 = tpu.memref_squeeze %dma_wait3A_112 : memref<1x50x100xi32, #tpu.memory_space<hbm>> -> memref<50x100xi32, #tpu.memory_space<hbm>>
      %dma_wait3A_114 = arith.constant 0 : i32
      %dma_wait3A_115 = arith.constant 0 : i32
      %dma_wait3A_116 = tpu.memref_slice %arg4[%add3A_4, %dma_wait3A_114, %dma_wait3A_115] : memref<64x50x100xi32, #tpu.memory_space<hbm>> -> memref<1x50x100xi32, #tpu.memory_space<hbm>>
      %dma_wait3A_117 = tpu.memref_squeeze %dma_wait3A_116 : memref<1x50x100xi32, #tpu.memory_space<hbm>> -> memref<50x100xi32, #tpu.memory_space<hbm>>
      tpu.wait_dma2 semaphore(%run_scoped3A : memref<!tpu.dma_semaphore, #tpu.memory_space<semaphore_mem>>) src(%dma_wait3A_117 : memref<50x100xi32, #tpu.memory_space<hbm>>) dst(%arg8 : memref<50x100xi32, #tpu.memory_space<vmem>>)
      tpu.yield
    }) : () -> ()
    %dma_start3A = arith.constant 0 : i32
    %dma_start3A_5 = arith.constant 0 : i32
    %dma_start3A_6 = arith.constant 0 : i32
    %dma_start3A_7 = tpu.memref_slice %arg9[%dma_start3A_5, %dma_start3A_6] : memref<200x128xf32, #tpu.memory_space<vmem>> -> memref<100x128xf32, #tpu.memory_space<vmem>>
    %dma_start3A_8 = arith.constant 0 : i32
    %dma_start3A_9 = tpu.memref_slice %arg8[%dma_start3A, %dma_start3A_8] : memref<50x100xi32, #tpu.memory_space<vmem>> -> memref<1x100xi32, #tpu.memory_space<vmem>>
    %dma_start3A_10 = tpu.memref_squeeze %dma_start3A_9 : memref<1x100xi32, #tpu.memory_space<vmem>> -> memref<100xi32, #tpu.memory_space<vmem>>
    %dma_start3A_11 = arith.constant 0 : i32
    %dma_start3A_12 = arith.constant 0 : i32
    %dma_start3A_13 = tpu.memref_slice %arg2[%dma_start3A_11, %dma_start3A_12] : memref<10000x128xf32, #tpu.memory_space<hbm>> -> memref<10000x128xf32, #tpu.memory_space<hbm>>
    tpu.enqueue_indirect_dma source(%dma_start3A_13 : memref<10000x128xf32, #tpu.memory_space<hbm>>) target(%dma_start3A_7 : memref<100x128xf32, #tpu.memory_space<vmem>>) offsets(%dma_start3A_10 : memref<100xi32, #tpu.memory_space<vmem>>) semaphore(%arg13 : memref<!tpu.dma_semaphore, #tpu.memory_space<semaphore_mem>>)
    %dma_start3A_14 = arith.constant 1 : i32
    %dma_start3A_15 = arith.constant 100 : i32
    %dma_start3A_16 = arith.constant 0 : i32
    %dma_start3A_17 = tpu.memref_slice %arg9[%dma_start3A_15, %dma_start3A_16] : memref<200x128xf32, #tpu.memory_space<vmem>> -> memref<100x128xf32, #tpu.memory_space<vmem>>
    %dma_start3A_18 = arith.constant 0 : i32
    %dma_start3A_19 = tpu.memref_slice %arg8[%dma_start3A_14, %dma_start3A_18] : memref<50x100xi32, #tpu.memory_space<vmem>> -> memref<1x100xi32, #tpu.memory_space<vmem>>
    %dma_start3A_20 = tpu.memref_squeeze %dma_start3A_19 : memref<1x100xi32, #tpu.memory_space<vmem>> -> memref<100xi32, #tpu.memory_space<vmem>>
    %dma_start3A_21 = arith.constant 0 : i32
    %dma_start3A_22 = arith.constant 0 : i32
    %dma_start3A_23 = tpu.memref_slice %arg2[%dma_start3A_21, %dma_start3A_22] : memref<10000x128xf32, #tpu.memory_space<hbm>> -> memref<10000x128xf32, #tpu.memory_space<hbm>>
    tpu.enqueue_indirect_dma source(%dma_start3A_23 : memref<10000x128xf32, #tpu.memory_space<hbm>>) target(%dma_start3A_17 : memref<100x128xf32, #tpu.memory_space<vmem>>) offsets(%dma_start3A_20 : memref<100xi32, #tpu.memory_space<vmem>>) semaphore(%arg13 : memref<!tpu.dma_semaphore, #tpu.memory_space<semaphore_mem>>)
    %scan3A = arith.constant 0 : i32
    %scan3A_24 = arith.constant 0 : i32
    %scan3A_25 = arith.constant 12 : i32
    %scan3A_26 = arith.addi %scan3A_24, %scan3A_25 : i32
    %scan3A_27 = arith.constant 1 : i32
    %scan3A_28 = scf.for %scan3A_102 = %scan3A_24 to %scan3A_26 step %scan3A_27 iter_args(%scan3A_103 = %scan3A) -> (i32)  : i32 {
      %mul3A_104 = arith.constant 2 : i32
      %mul3A_105 = arith.muli %mul3A_104, %scan3A_102 : i32
      %mul3A_106 = arith.constant 2 : i32
      %mul3A_107 = arith.muli %mul3A_105, %mul3A_106 : i32
      %add3A_108 = arith.constant 0 : i32
      %add3A_109 = arith.addi %mul3A_107, %add3A_108 : i32
      %dma_wait3A_110 = arith.constant 0 : i32
      %dma_wait3A_111 = arith.constant 0 : i32
      %dma_wait3A_112 = tpu.memref_slice %arg9[%dma_wait3A_110, %dma_wait3A_111] : memref<200x128xf32, #tpu.memory_space<vmem>> -> memref<100x128xf32, #tpu.memory_space<vmem>>
      %dma_wait3A_113 = arith.constant 0 : i32
      %dma_wait3A_114 = tpu.memref_slice %arg8[%add3A_109, %dma_wait3A_113] : memref<50x100xi32, #tpu.memory_space<vmem>> -> memref<1x100xi32, #tpu.memory_space<vmem>>
      %dma_wait3A_115 = tpu.memref_squeeze %dma_wait3A_114 : memref<1x100xi32, #tpu.memory_space<vmem>> -> memref<100xi32, #tpu.memory_space<vmem>>
      %dma_wait3A_116 = arith.constant 0 : i32
      %dma_wait3A_117 = arith.constant 0 : i32
      %dma_wait3A_118 = tpu.memref_slice %arg2[%dma_wait3A_116, %dma_wait3A_117] : memref<10000x128xf32, #tpu.memory_space<hbm>> -> memref<10000x128xf32, #tpu.memory_space<hbm>>
      tpu.wait_indirect_dma semaphore(%arg13 : memref<!tpu.dma_semaphore, #tpu.memory_space<semaphore_mem>>) src(%dma_wait3A_118 : memref<10000x128xf32, #tpu.memory_space<hbm>>) dst(%dma_wait3A_112 : memref<100x128xf32, #tpu.memory_space<vmem>>)
      %mul3A_119 = arith.constant 2 : i32
      %mul3A_120 = arith.muli %mul3A_105, %mul3A_119 : i32
      %add3A_121 = arith.constant 1 : i32
      %add3A_122 = arith.addi %mul3A_120, %add3A_121 : i32
      %dma_wait3A_123 = arith.constant 100 : i32
      %dma_wait3A_124 = arith.constant 0 : i32
      %dma_wait3A_125 = tpu.memref_slice %arg9[%dma_wait3A_123, %dma_wait3A_124] : memref<200x128xf32, #tpu.memory_space<vmem>> -> memref<100x128xf32, #tpu.memory_space<vmem>>
      %dma_wait3A_126 = arith.constant 0 : i32
      %dma_wait3A_127 = tpu.memref_slice %arg8[%add3A_122, %dma_wait3A_126] : memref<50x100xi32, #tpu.memory_space<vmem>> -> memref<1x100xi32, #tpu.memory_space<vmem>>
      %dma_wait3A_128 = tpu.memref_squeeze %dma_wait3A_127 : memref<1x100xi32, #tpu.memory_space<vmem>> -> memref<100xi32, #tpu.memory_space<vmem>>
      %dma_wait3A_129 = arith.constant 0 : i32
      %dma_wait3A_130 = arith.constant 0 : i32
      %dma_wait3A_131 = tpu.memref_slice %arg2[%dma_wait3A_129, %dma_wait3A_130] : memref<10000x128xf32, #tpu.memory_space<hbm>> -> memref<10000x128xf32, #tpu.memory_space<hbm>>
      tpu.wait_indirect_dma semaphore(%arg13 : memref<!tpu.dma_semaphore, #tpu.memory_space<semaphore_mem>>) src(%dma_wait3A_131 : memref<10000x128xf32, #tpu.memory_space<hbm>>) dst(%dma_wait3A_125 : memref<100x128xf32, #tpu.memory_space<vmem>>)
      %add3A_132 = arith.constant 1 : i32
      %add3A_133 = arith.addi %mul3A_105, %add3A_132 : i32
      %mul3A_134 = arith.constant 2 : i32
      %mul3A_135 = arith.muli %add3A_133, %mul3A_134 : i32
      %add3A_136 = arith.constant 0 : i32
      %add3A_137 = arith.addi %mul3A_135, %add3A_136 : i32
      %dma_start3A_138 = arith.constant 0 : i32
      %dma_start3A_139 = arith.constant 0 : i32
      %dma_start3A_140 = tpu.memref_slice %arg10[%dma_start3A_138, %dma_start3A_139] : memref<200x128xf32, #tpu.memory_space<vmem>> -> memref<100x128xf32, #tpu.memory_space<vmem>>
      %dma_start3A_141 = arith.constant 0 : i32
      %dma_start3A_142 = tpu.memref_slice %arg8[%add3A_137, %dma_start3A_141] : memref<50x100xi32, #tpu.memory_space<vmem>> -> memref<1x100xi32, #tpu.memory_space<vmem>>
      %dma_start3A_143 = tpu.memref_squeeze %dma_start3A_142 : memref<1x100xi32, #tpu.memory_space<vmem>> -> memref<100xi32, #tpu.memory_space<vmem>>
      %dma_start3A_144 = arith.constant 0 : i32
      %dma_start3A_145 = arith.constant 0 : i32
      %dma_start3A_146 = tpu.memref_slice %arg2[%dma_start3A_144, %dma_start3A_145] : memref<10000x128xf32, #tpu.memory_space<hbm>> -> memref<10000x128xf32, #tpu.memory_space<hbm>>
      tpu.enqueue_indirect_dma source(%dma_start3A_146 : memref<10000x128xf32, #tpu.memory_space<hbm>>) target(%dma_start3A_140 : memref<100x128xf32, #tpu.memory_space<vmem>>) offsets(%dma_start3A_143 : memref<100xi32, #tpu.memory_space<vmem>>) semaphore(%arg14 : memref<!tpu.dma_semaphore, #tpu.memory_space<semaphore_mem>>)
      %mul3A_147 = arith.constant 2 : i32
      %mul3A_148 = arith.muli %add3A_133, %mul3A_147 : i32
      %add3A_149 = arith.constant 1 : i32
      %add3A_150 = arith.addi %mul3A_148, %add3A_149 : i32
      %dma_start3A_151 = arith.constant 100 : i32
      %dma_start3A_152 = arith.constant 0 : i32
      %dma_start3A_153 = tpu.memref_slice %arg10[%dma_start3A_151, %dma_start3A_152] : memref<200x128xf32, #tpu.memory_space<vmem>> -> memref<100x128xf32, #tpu.memory_space<vmem>>
      %dma_start3A_154 = arith.constant 0 : i32
      %dma_start3A_155 = tpu.memref_slice %arg8[%add3A_150, %dma_start3A_154] : memref<50x100xi32, #tpu.memory_space<vmem>> -> memref<1x100xi32, #tpu.memory_space<vmem>>
      %dma_start3A_156 = tpu.memref_squeeze %dma_start3A_155 : memref<1x100xi32, #tpu.memory_space<vmem>> -> memref<100xi32, #tpu.memory_space<vmem>>
      %dma_start3A_157 = arith.constant 0 : i32
      %dma_start3A_158 = arith.constant 0 : i32
      %dma_start3A_159 = tpu.memref_slice %arg2[%dma_start3A_157, %dma_start3A_158] : memref<10000x128xf32, #tpu.memory_space<hbm>> -> memref<10000x128xf32, #tpu.memory_space<hbm>>
      tpu.enqueue_indirect_dma source(%dma_start3A_159 : memref<10000x128xf32, #tpu.memory_space<hbm>>) target(%dma_start3A_153 : memref<100x128xf32, #tpu.memory_space<vmem>>) offsets(%dma_start3A_156 : memref<100xi32, #tpu.memory_space<vmem>>) semaphore(%arg14 : memref<!tpu.dma_semaphore, #tpu.memory_space<semaphore_mem>>)
      %mul3A_160 = arith.constant 200 : i32
      %mul3A_161 = arith.muli %mul3A_105, %mul3A_160 : i32
      %add3A_162 = arith.addi %mul3A_2, %mul3A_161 : i32
      "tpu.region"() ({
        %run_scoped3A = tpu.sem_alloc : memref<!tpu.dma_semaphore, #tpu.memory_space<semaphore_mem>>
        %dma_start3A_225 = arith.constant 0 : i32
        %dma_start3A_226 = tpu.memref_slice %arg6[%add3A_162, %dma_start3A_225] : memref<160000x128xf32, #tpu.memory_space<hbm>> -> memref<200x128xf32, #tpu.memory_space<hbm>>
        %dma_start3A_227 = arith.constant 0 : i32
        %dma_start3A_228 = tpu.memref_slice %arg6[%add3A_162, %dma_start3A_227] : memref<160000x128xf32, #tpu.memory_space<hbm>> -> memref<200x128xf32, #tpu.memory_space<hbm>>
        tpu.enqueue_dma source(%arg9 : memref<200x128xf32, #tpu.memory_space<vmem>>) target(%dma_start3A_228 : memref<200x128xf32, #tpu.memory_space<hbm>>) target_semaphore(%run_scoped3A : memref<!tpu.dma_semaphore, #tpu.memory_space<semaphore_mem>>)
        %dma_wait3A_229 = arith.constant 0 : i32
        %dma_wait3A_230 = tpu.memref_slice %arg6[%add3A_162, %dma_wait3A_229] : memref<160000x128xf32, #tpu.memory_space<hbm>> -> memref<200x128xf32, #tpu.memory_space<hbm>>
        %dma_wait3A_231 = arith.constant 0 : i32
        %dma_wait3A_232 = tpu.memref_slice %arg6[%add3A_162, %dma_wait3A_231] : memref<160000x128xf32, #tpu.memory_space<hbm>> -> memref<200x128xf32, #tpu.memory_space<hbm>>
        tpu.wait_dma2 semaphore(%run_scoped3A : memref<!tpu.dma_semaphore, #tpu.memory_space<semaphore_mem>>) src(%arg9 : memref<200x128xf32, #tpu.memory_space<vmem>>) dst(%dma_wait3A_232 : memref<200x128xf32, #tpu.memory_space<hbm>>)
        tpu.yield
      }) : () -> ()
      %add3A_163 = arith.constant 1 : i32
      %add3A_164 = arith.addi %mul3A_105, %add3A_163 : i32
      %mul3A_165 = arith.constant 2 : i32
      %mul3A_166 = arith.muli %add3A_164, %mul3A_165 : i32
      %add3A_167 = arith.constant 0 : i32
      %add3A_168 = arith.addi %mul3A_166, %add3A_167 : i32
      %dma_wait3A_169 = arith.constant 0 : i32
      %dma_wait3A_170 = arith.constant 0 : i32
      %dma_wait3A_171 = tpu.memref_slice %arg10[%dma_wait3A_169, %dma_wait3A_170] : memref<200x128xf32, #tpu.memory_space<vmem>> -> memref<100x128xf32, #tpu.memory_space<vmem>>
      %dma_wait3A_172 = arith.constant 0 : i32
      %dma_wait3A_173 = tpu.memref_slice %arg8[%add3A_168, %dma_wait3A_172] : memref<50x100xi32, #tpu.memory_space<vmem>> -> memref<1x100xi32, #tpu.memory_space<vmem>>
      %dma_wait3A_174 = tpu.memref_squeeze %dma_wait3A_173 : memref<1x100xi32, #tpu.memory_space<vmem>> -> memref<100xi32, #tpu.memory_space<vmem>>
      %dma_wait3A_175 = arith.constant 0 : i32
      %dma_wait3A_176 = arith.constant 0 : i32
      %dma_wait3A_177 = tpu.memref_slice %arg2[%dma_wait3A_175, %dma_wait3A_176] : memref<10000x128xf32, #tpu.memory_space<hbm>> -> memref<10000x128xf32, #tpu.memory_space<hbm>>
      tpu.wait_indirect_dma semaphore(%arg14 : memref<!tpu.dma_semaphore, #tpu.memory_space<semaphore_mem>>) src(%dma_wait3A_177 : memref<10000x128xf32, #tpu.memory_space<hbm>>) dst(%dma_wait3A_171 : memref<100x128xf32, #tpu.memory_space<vmem>>)
      %mul3A_178 = arith.constant 2 : i32
      %mul3A_179 = arith.muli %add3A_164, %mul3A_178 : i32
      %add3A_180 = arith.constant 1 : i32
      %add3A_181 = arith.addi %mul3A_179, %add3A_180 : i32
      %dma_wait3A_182 = arith.constant 100 : i32
      %dma_wait3A_183 = arith.constant 0 : i32
      %dma_wait3A_184 = tpu.memref_slice %arg10[%dma_wait3A_182, %dma_wait3A_183] : memref<200x128xf32, #tpu.memory_space<vmem>> -> memref<100x128xf32, #tpu.memory_space<vmem>>
      %dma_wait3A_185 = arith.constant 0 : i32
      %dma_wait3A_186 = tpu.memref_slice %arg8[%add3A_181, %dma_wait3A_185] : memref<50x100xi32, #tpu.memory_space<vmem>> -> memref<1x100xi32, #tpu.memory_space<vmem>>
      %dma_wait3A_187 = tpu.memref_squeeze %dma_wait3A_186 : memref<1x100xi32, #tpu.memory_space<vmem>> -> memref<100xi32, #tpu.memory_space<vmem>>
      %dma_wait3A_188 = arith.constant 0 : i32
      %dma_wait3A_189 = arith.constant 0 : i32
      %dma_wait3A_190 = tpu.memref_slice %arg2[%dma_wait3A_188, %dma_wait3A_189] : memref<10000x128xf32, #tpu.memory_space<hbm>> -> memref<10000x128xf32, #tpu.memory_space<hbm>>
      tpu.wait_indirect_dma semaphore(%arg14 : memref<!tpu.dma_semaphore, #tpu.memory_space<semaphore_mem>>) src(%dma_wait3A_190 : memref<10000x128xf32, #tpu.memory_space<hbm>>) dst(%dma_wait3A_184 : memref<100x128xf32, #tpu.memory_space<vmem>>)
      %add3A_191 = arith.constant 2 : i32
      %add3A_192 = arith.addi %mul3A_105, %add3A_191 : i32
      %mul3A_193 = arith.constant 2 : i32
      %mul3A_194 = arith.muli %add3A_192, %mul3A_193 : i32
      %add3A_195 = arith.constant 0 : i32
      %add3A_196 = arith.addi %mul3A_194, %add3A_195 : i32
      %dma_start3A_197 = arith.constant 0 : i32
      %dma_start3A_198 = arith.constant 0 : i32
      %dma_start3A_199 = tpu.memref_slice %arg9[%dma_start3A_197, %dma_start3A_198] : memref<200x128xf32, #tpu.memory_space<vmem>> -> memref<100x128xf32, #tpu.memory_space<vmem>>
      %dma_start3A_200 = arith.constant 0 : i32
      %dma_start3A_201 = tpu.memref_slice %arg8[%add3A_196, %dma_start3A_200] : memref<50x100xi32, #tpu.memory_space<vmem>> -> memref<1x100xi32, #tpu.memory_space<vmem>>
      %dma_start3A_202 = tpu.memref_squeeze %dma_start3A_201 : memref<1x100xi32, #tpu.memory_space<vmem>> -> memref<100xi32, #tpu.memory_space<vmem>>
      %dma_start3A_203 = arith.constant 0 : i32
      %dma_start3A_204 = arith.constant 0 : i32
      %dma_start3A_205 = tpu.memref_slice %arg2[%dma_start3A_203, %dma_start3A_204] : memref<10000x128xf32, #tpu.memory_space<hbm>> -> memref<10000x128xf32, #tpu.memory_space<hbm>>
      tpu.enqueue_indirect_dma source(%dma_start3A_205 : memref<10000x128xf32, #tpu.memory_space<hbm>>) target(%dma_start3A_199 : memref<100x128xf32, #tpu.memory_space<vmem>>) offsets(%dma_start3A_202 : memref<100xi32, #tpu.memory_space<vmem>>) semaphore(%arg13 : memref<!tpu.dma_semaphore, #tpu.memory_space<semaphore_mem>>)
      %mul3A_206 = arith.constant 2 : i32
      %mul3A_207 = arith.muli %add3A_192, %mul3A_206 : i32
      %add3A_208 = arith.constant 1 : i32
      %add3A_209 = arith.addi %mul3A_207, %add3A_208 : i32
      %dma_start3A_210 = arith.constant 100 : i32
      %dma_start3A_211 = arith.constant 0 : i32
      %dma_start3A_212 = tpu.memref_slice %arg9[%dma_start3A_210, %dma_start3A_211] : memref<200x128xf32, #tpu.memory_space<vmem>> -> memref<100x128xf32, #tpu.memory_space<vmem>>
      %dma_start3A_213 = arith.constant 0 : i32
      %dma_start3A_214 = tpu.memref_slice %arg8[%add3A_209, %dma_start3A_213] : memref<50x100xi32, #tpu.memory_space<vmem>> -> memref<1x100xi32, #tpu.memory_space<vmem>>
      %dma_start3A_215 = tpu.memref_squeeze %dma_start3A_214 : memref<1x100xi32, #tpu.memory_space<vmem>> -> memref<100xi32, #tpu.memory_space<vmem>>
      %dma_start3A_216 = arith.constant 0 : i32
      %dma_start3A_217 = arith.constant 0 : i32
      %dma_start3A_218 = tpu.memref_slice %arg2[%dma_start3A_216, %dma_start3A_217] : memref<10000x128xf32, #tpu.memory_space<hbm>> -> memref<10000x128xf32, #tpu.memory_space<hbm>>
      tpu.enqueue_indirect_dma source(%dma_start3A_218 : memref<10000x128xf32, #tpu.memory_space<hbm>>) target(%dma_start3A_212 : memref<100x128xf32, #tpu.memory_space<vmem>>) offsets(%dma_start3A_215 : memref<100xi32, #tpu.memory_space<vmem>>) semaphore(%arg13 : memref<!tpu.dma_semaphore, #tpu.memory_space<semaphore_mem>>)
      %add3A_219 = arith.constant 1 : i32
      %add3A_220 = arith.addi %mul3A_105, %add3A_219 : i32
      %mul3A_221 = arith.constant 200 : i32
      %mul3A_222 = arith.muli %add3A_220, %mul3A_221 : i32
      %add3A_223 = arith.addi %mul3A_2, %mul3A_222 : i32
      "tpu.region"() ({
        %run_scoped3A = tpu.sem_alloc : memref<!tpu.dma_semaphore, #tpu.memory_space<semaphore_mem>>
        %dma_start3A_225 = arith.constant 0 : i32
        %dma_start3A_226 = tpu.memref_slice %arg6[%add3A_223, %dma_start3A_225] : memref<160000x128xf32, #tpu.memory_space<hbm>> -> memref<200x128xf32, #tpu.memory_space<hbm>>
        %dma_start3A_227 = arith.constant 0 : i32
        %dma_start3A_228 = tpu.memref_slice %arg6[%add3A_223, %dma_start3A_227] : memref<160000x128xf32, #tpu.memory_space<hbm>> -> memref<200x128xf32, #tpu.memory_space<hbm>>
        tpu.enqueue_dma source(%arg10 : memref<200x128xf32, #tpu.memory_space<vmem>>) target(%dma_start3A_228 : memref<200x128xf32, #tpu.memory_space<hbm>>) target_semaphore(%run_scoped3A : memref<!tpu.dma_semaphore, #tpu.memory_space<semaphore_mem>>)
        %dma_wait3A_229 = arith.constant 0 : i32
        %dma_wait3A_230 = tpu.memref_slice %arg6[%add3A_223, %dma_wait3A_229] : memref<160000x128xf32, #tpu.memory_space<hbm>> -> memref<200x128xf32, #tpu.memory_space<hbm>>
        %dma_wait3A_231 = arith.constant 0 : i32
        %dma_wait3A_232 = tpu.memref_slice %arg6[%add3A_223, %dma_wait3A_231] : memref<160000x128xf32, #tpu.memory_space<hbm>> -> memref<200x128xf32, #tpu.memory_space<hbm>>
        tpu.wait_dma2 semaphore(%run_scoped3A : memref<!tpu.dma_semaphore, #tpu.memory_space<semaphore_mem>>) src(%arg10 : memref<200x128xf32, #tpu.memory_space<vmem>>) dst(%dma_wait3A_232 : memref<200x128xf32, #tpu.memory_space<hbm>>)
        tpu.yield
      }) : () -> ()
      %scan3A_224 = arith.constant 0 : i32
      scf.yield %scan3A_224 : i32
    }
    %scan3A_29 = arith.constant 12 : i32
    %dma_wait3A = arith.constant 48 : i32
    %dma_wait3A_30 = arith.constant 0 : i32
    %dma_wait3A_31 = arith.constant 0 : i32
    %dma_wait3A_32 = tpu.memref_slice %arg9[%dma_wait3A_30, %dma_wait3A_31] : memref<200x128xf32, #tpu.memory_space<vmem>> -> memref<100x128xf32, #tpu.memory_space<vmem>>
    %dma_wait3A_33 = arith.constant 0 : i32
    %dma_wait3A_34 = tpu.memref_slice %arg8[%dma_wait3A, %dma_wait3A_33] : memref<50x100xi32, #tpu.memory_space<vmem>> -> memref<1x100xi32, #tpu.memory_space<vmem>>
    %dma_wait3A_35 = tpu.memref_squeeze %dma_wait3A_34 : memref<1x100xi32, #tpu.memory_space<vmem>> -> memref<100xi32, #tpu.memory_space<vmem>>
    %dma_wait3A_36 = arith.constant 0 : i32
    %dma_wait3A_37 = arith.constant 0 : i32
    %dma_wait3A_38 = tpu.memref_slice %arg2[%dma_wait3A_36, %dma_wait3A_37] : memref<10000x128xf32, #tpu.memory_space<hbm>> -> memref<10000x128xf32, #tpu.memory_space<hbm>>
    tpu.wait_indirect_dma semaphore(%arg13 : memref<!tpu.dma_semaphore, #tpu.memory_space<semaphore_mem>>) src(%dma_wait3A_38 : memref<10000x128xf32, #tpu.memory_space<hbm>>) dst(%dma_wait3A_32 : memref<100x128xf32, #tpu.memory_space<vmem>>)
    %dma_wait3A_39 = arith.constant 49 : i32
    %dma_wait3A_40 = arith.constant 100 : i32
    %dma_wait3A_41 = arith.constant 0 : i32
    %dma_wait3A_42 = tpu.memref_slice %arg9[%dma_wait3A_40, %dma_wait3A_41] : memref<200x128xf32, #tpu.memory_space<vmem>> -> memref<100x128xf32, #tpu.memory_space<vmem>>
    %dma_wait3A_43 = arith.constant 0 : i32
    %dma_wait3A_44 = tpu.memref_slice %arg8[%dma_wait3A_39, %dma_wait3A_43] : memref<50x100xi32, #tpu.memory_space<vmem>> -> memref<1x100xi32, #tpu.memory_space<vmem>>
    %dma_wait3A_45 = tpu.memref_squeeze %dma_wait3A_44 : memref<1x100xi32, #tpu.memory_space<vmem>> -> memref<100xi32, #tpu.memory_space<vmem>>
    %dma_wait3A_46 = arith.constant 0 : i32
    %dma_wait3A_47 = arith.constant 0 : i32
    %dma_wait3A_48 = tpu.memref_slice %arg2[%dma_wait3A_46, %dma_wait3A_47] : memref<10000x128xf32, #tpu.memory_space<hbm>> -> memref<10000x128xf32, #tpu.memory_space<hbm>>
    tpu.wait_indirect_dma semaphore(%arg13 : memref<!tpu.dma_semaphore, #tpu.memory_space<semaphore_mem>>) src(%dma_wait3A_48 : memref<10000x128xf32, #tpu.memory_space<hbm>>) dst(%dma_wait3A_42 : memref<100x128xf32, #tpu.memory_space<vmem>>)
    %add3A_49 = arith.constant 4800 : i32
    %add3A_50 = arith.addi %mul3A_2, %add3A_49 : i32
    "tpu.region"() ({
      %run_scoped3A = tpu.sem_alloc : memref<!tpu.dma_semaphore, #tpu.memory_space<semaphore_mem>>
      %dma_start3A_102 = arith.constant 0 : i32
      %dma_start3A_103 = tpu.memref_slice %arg6[%add3A_50, %dma_start3A_102] : memref<160000x128xf32, #tpu.memory_space<hbm>> -> memref<200x128xf32, #tpu.memory_space<hbm>>
      %dma_start3A_104 = arith.constant 0 : i32
      %dma_start3A_105 = tpu.memref_slice %arg6[%add3A_50, %dma_start3A_104] : memref<160000x128xf32, #tpu.memory_space<hbm>> -> memref<200x128xf32, #tpu.memory_space<hbm>>
      tpu.enqueue_dma source(%arg9 : memref<200x128xf32, #tpu.memory_space<vmem>>) target(%dma_start3A_105 : memref<200x128xf32, #tpu.memory_space<hbm>>) target_semaphore(%run_scoped3A : memref<!tpu.dma_semaphore, #tpu.memory_space<semaphore_mem>>)
      %dma_wait3A_106 = arith.constant 0 : i32
      %dma_wait3A_107 = tpu.memref_slice %arg6[%add3A_50, %dma_wait3A_106] : memref<160000x128xf32, #tpu.memory_space<hbm>> -> memref<200x128xf32, #tpu.memory_space<hbm>>
      %dma_wait3A_108 = arith.constant 0 : i32
      %dma_wait3A_109 = tpu.memref_slice %arg6[%add3A_50, %dma_wait3A_108] : memref<160000x128xf32, #tpu.memory_space<hbm>> -> memref<200x128xf32, #tpu.memory_space<hbm>>
      tpu.wait_dma2 semaphore(%run_scoped3A : memref<!tpu.dma_semaphore, #tpu.memory_space<semaphore_mem>>) src(%arg9 : memref<200x128xf32, #tpu.memory_space<vmem>>) dst(%dma_wait3A_109 : memref<200x128xf32, #tpu.memory_space<hbm>>)
      tpu.yield
    }) : () -> ()
    %add3A_51 = arith.constant 32 : i32
    %add3A_52 = arith.addi %add3A_51, %add3A : i32
    "tpu.region"() ({
      %run_scoped3A = tpu.sem_alloc : memref<!tpu.dma_semaphore, #tpu.memory_space<semaphore_mem>>
      %dma_start3A_102 = arith.constant 0 : i32
      %dma_start3A_103 = arith.constant 0 : i32
      %dma_start3A_104 = tpu.memref_slice %arg5[%add3A_52, %dma_start3A_102, %dma_start3A_103] : memref<64x50x100xi32, #tpu.memory_space<hbm>> -> memref<1x50x100xi32, #tpu.memory_space<hbm>>
      %dma_start3A_105 = tpu.memref_squeeze %dma_start3A_104 : memref<1x50x100xi32, #tpu.memory_space<hbm>> -> memref<50x100xi32, #tpu.memory_space<hbm>>
      %dma_start3A_106 = arith.constant 0 : i32
      %dma_start3A_107 = arith.constant 0 : i32
      %dma_start3A_108 = tpu.memref_slice %arg5[%add3A_52, %dma_start3A_106, %dma_start3A_107] : memref<64x50x100xi32, #tpu.memory_space<hbm>> -> memref<1x50x100xi32, #tpu.memory_space<hbm>>
      %dma_start3A_109 = tpu.memref_squeeze %dma_start3A_108 : memref<1x50x100xi32, #tpu.memory_space<hbm>> -> memref<50x100xi32, #tpu.memory_space<hbm>>
      tpu.enqueue_dma source(%dma_start3A_109 : memref<50x100xi32, #tpu.memory_space<hbm>>) target(%arg8 : memref<50x100xi32, #tpu.memory_space<vmem>>) target_semaphore(%run_scoped3A : memref<!tpu.dma_semaphore, #tpu.memory_space<semaphore_mem>>)
      %dma_wait3A_110 = arith.constant 0 : i32
      %dma_wait3A_111 = arith.constant 0 : i32
      %dma_wait3A_112 = tpu.memref_slice %arg5[%add3A_52, %dma_wait3A_110, %dma_wait3A_111] : memref<64x50x100xi32, #tpu.memory_space<hbm>> -> memref<1x50x100xi32, #tpu.memory_space<hbm>>
      %dma_wait3A_113 = tpu.memref_squeeze %dma_wait3A_112 : memref<1x50x100xi32, #tpu.memory_space<hbm>> -> memref<50x100xi32, #tpu.memory_space<hbm>>
      %dma_wait3A_114 = arith.constant 0 : i32
      %dma_wait3A_115 = arith.constant 0 : i32
      %dma_wait3A_116 = tpu.memref_slice %arg5[%add3A_52, %dma_wait3A_114, %dma_wait3A_115] : memref<64x50x100xi32, #tpu.memory_space<hbm>> -> memref<1x50x100xi32, #tpu.memory_space<hbm>>
      %dma_wait3A_117 = tpu.memref_squeeze %dma_wait3A_116 : memref<1x50x100xi32, #tpu.memory_space<hbm>> -> memref<50x100xi32, #tpu.memory_space<hbm>>
      tpu.wait_dma2 semaphore(%run_scoped3A : memref<!tpu.dma_semaphore, #tpu.memory_space<semaphore_mem>>) src(%dma_wait3A_117 : memref<50x100xi32, #tpu.memory_space<hbm>>) dst(%arg8 : memref<50x100xi32, #tpu.memory_space<vmem>>)
      tpu.yield
    }) : () -> ()
    %dma_start3A_53 = arith.constant 0 : i32
    %dma_start3A_54 = arith.constant 0 : i32
    %dma_start3A_55 = arith.constant 0 : i32
    %dma_start3A_56 = tpu.memref_slice %arg11[%dma_start3A_54, %dma_start3A_55] : memref<200x64xf32, #tpu.memory_space<vmem>> -> memref<100x64xf32, #tpu.memory_space<vmem>>
    %dma_start3A_57 = arith.constant 0 : i32
    %dma_start3A_58 = tpu.memref_slice %arg8[%dma_start3A_53, %dma_start3A_57] : memref<50x100xi32, #tpu.memory_space<vmem>> -> memref<1x100xi32, #tpu.memory_space<vmem>>
    %dma_start3A_59 = tpu.memref_squeeze %dma_start3A_58 : memref<1x100xi32, #tpu.memory_space<vmem>> -> memref<100xi32, #tpu.memory_space<vmem>>
    %dma_start3A_60 = arith.constant 0 : i32
    %dma_start3A_61 = arith.constant 0 : i32
    %dma_start3A_62 = tpu.memref_slice %arg3[%dma_start3A_60, %dma_start3A_61] : memref<10000x64xf32, #tpu.memory_space<hbm>> -> memref<10000x64xf32, #tpu.memory_space<hbm>>
    tpu.enqueue_indirect_dma source(%dma_start3A_62 : memref<10000x64xf32, #tpu.memory_space<hbm>>) target(%dma_start3A_56 : memref<100x64xf32, #tpu.memory_space<vmem>>) offsets(%dma_start3A_59 : memref<100xi32, #tpu.memory_space<vmem>>) semaphore(%arg13 : memref<!tpu.dma_semaphore, #tpu.memory_space<semaphore_mem>>)
    %dma_start3A_63 = arith.constant 1 : i32
    %dma_start3A_64 = arith.constant 100 : i32
    %dma_start3A_65 = arith.constant 0 : i32
    %dma_start3A_66 = tpu.memref_slice %arg11[%dma_start3A_64, %dma_start3A_65] : memref<200x64xf32, #tpu.memory_space<vmem>> -> memref<100x64xf32, #tpu.memory_space<vmem>>
    %dma_start3A_67 = arith.constant 0 : i32
    %dma_start3A_68 = tpu.memref_slice %arg8[%dma_start3A_63, %dma_start3A_67] : memref<50x100xi32, #tpu.memory_space<vmem>> -> memref<1x100xi32, #tpu.memory_space<vmem>>
    %dma_start3A_69 = tpu.memref_squeeze %dma_start3A_68 : memref<1x100xi32, #tpu.memory_space<vmem>> -> memref<100xi32, #tpu.memory_space<vmem>>
    %dma_start3A_70 = arith.constant 0 : i32
    %dma_start3A_71 = arith.constant 0 : i32
    %dma_start3A_72 = tpu.memref_slice %arg3[%dma_start3A_70, %dma_start3A_71] : memref<10000x64xf32, #tpu.memory_space<hbm>> -> memref<10000x64xf32, #tpu.memory_space<hbm>>
    tpu.enqueue_indirect_dma source(%dma_start3A_72 : memref<10000x64xf32, #tpu.memory_space<hbm>>) target(%dma_start3A_66 : memref<100x64xf32, #tpu.memory_space<vmem>>) offsets(%dma_start3A_69 : memref<100xi32, #tpu.memory_space<vmem>>) semaphore(%arg13 : memref<!tpu.dma_semaphore, #tpu.memory_space<semaphore_mem>>)
    %scan3A_73 = arith.constant 0 : i32
    %scan3A_74 = arith.constant 0 : i32
    %scan3A_75 = arith.constant 12 : i32
    %scan3A_76 = arith.addi %scan3A_74, %scan3A_75 : i32
    %scan3A_77 = arith.constant 1 : i32
    %scan3A_78 = scf.for %scan3A_102 = %scan3A_74 to %scan3A_76 step %scan3A_77 iter_args(%scan3A_103 = %scan3A_73) -> (i32)  : i32 {
      %mul3A_104 = arith.constant 2 : i32
      %mul3A_105 = arith.muli %mul3A_104, %scan3A_102 : i32
      %mul3A_106 = arith.constant 2 : i32
      %mul3A_107 = arith.muli %mul3A_105, %mul3A_106 : i32
      %add3A_108 = arith.constant 0 : i32
      %add3A_109 = arith.addi %mul3A_107, %add3A_108 : i32
      %dma_wait3A_110 = arith.constant 0 : i32
      %dma_wait3A_111 = arith.constant 0 : i32
      %dma_wait3A_112 = tpu.memref_slice %arg11[%dma_wait3A_110, %dma_wait3A_111] : memref<200x64xf32, #tpu.memory_space<vmem>> -> memref<100x64xf32, #tpu.memory_space<vmem>>
      %dma_wait3A_113 = arith.constant 0 : i32
      %dma_wait3A_114 = tpu.memref_slice %arg8[%add3A_109, %dma_wait3A_113] : memref<50x100xi32, #tpu.memory_space<vmem>> -> memref<1x100xi32, #tpu.memory_space<vmem>>
      %dma_wait3A_115 = tpu.memref_squeeze %dma_wait3A_114 : memref<1x100xi32, #tpu.memory_space<vmem>> -> memref<100xi32, #tpu.memory_space<vmem>>
      %dma_wait3A_116 = arith.constant 0 : i32
      %dma_wait3A_117 = arith.constant 0 : i32
      %dma_wait3A_118 = tpu.memref_slice %arg3[%dma_wait3A_116, %dma_wait3A_117] : memref<10000x64xf32, #tpu.memory_space<hbm>> -> memref<10000x64xf32, #tpu.memory_space<hbm>>
      tpu.wait_indirect_dma semaphore(%arg13 : memref<!tpu.dma_semaphore, #tpu.memory_space<semaphore_mem>>) src(%dma_wait3A_118 : memref<10000x64xf32, #tpu.memory_space<hbm>>) dst(%dma_wait3A_112 : memref<100x64xf32, #tpu.memory_space<vmem>>)
      %mul3A_119 = arith.constant 2 : i32
      %mul3A_120 = arith.muli %mul3A_105, %mul3A_119 : i32
      %add3A_121 = arith.constant 1 : i32
      %add3A_122 = arith.addi %mul3A_120, %add3A_121 : i32
      %dma_wait3A_123 = arith.constant 100 : i32
      %dma_wait3A_124 = arith.constant 0 : i32
      %dma_wait3A_125 = tpu.memref_slice %arg11[%dma_wait3A_123, %dma_wait3A_124] : memref<200x64xf32, #tpu.memory_space<vmem>> -> memref<100x64xf32, #tpu.memory_space<vmem>>
      %dma_wait3A_126 = arith.constant 0 : i32
      %dma_wait3A_127 = tpu.memref_slice %arg8[%add3A_122, %dma_wait3A_126] : memref<50x100xi32, #tpu.memory_space<vmem>> -> memref<1x100xi32, #tpu.memory_space<vmem>>
      %dma_wait3A_128 = tpu.memref_squeeze %dma_wait3A_127 : memref<1x100xi32, #tpu.memory_space<vmem>> -> memref<100xi32, #tpu.memory_space<vmem>>
      %dma_wait3A_129 = arith.constant 0 : i32
      %dma_wait3A_130 = arith.constant 0 : i32
      %dma_wait3A_131 = tpu.memref_slice %arg3[%dma_wait3A_129, %dma_wait3A_130] : memref<10000x64xf32, #tpu.memory_space<hbm>> -> memref<10000x64xf32, #tpu.memory_space<hbm>>
      tpu.wait_indirect_dma semaphore(%arg13 : memref<!tpu.dma_semaphore, #tpu.memory_space<semaphore_mem>>) src(%dma_wait3A_131 : memref<10000x64xf32, #tpu.memory_space<hbm>>) dst(%dma_wait3A_125 : memref<100x64xf32, #tpu.memory_space<vmem>>)
      %add3A_132 = arith.constant 1 : i32
      %add3A_133 = arith.addi %mul3A_105, %add3A_132 : i32
      %mul3A_134 = arith.constant 2 : i32
      %mul3A_135 = arith.muli %add3A_133, %mul3A_134 : i32
      %add3A_136 = arith.constant 0 : i32
      %add3A_137 = arith.addi %mul3A_135, %add3A_136 : i32
      %dma_start3A_138 = arith.constant 0 : i32
      %dma_start3A_139 = arith.constant 0 : i32
      %dma_start3A_140 = tpu.memref_slice %arg12[%dma_start3A_138, %dma_start3A_139] : memref<200x64xf32, #tpu.memory_space<vmem>> -> memref<100x64xf32, #tpu.memory_space<vmem>>
      %dma_start3A_141 = arith.constant 0 : i32
      %dma_start3A_142 = tpu.memref_slice %arg8[%add3A_137, %dma_start3A_141] : memref<50x100xi32, #tpu.memory_space<vmem>> -> memref<1x100xi32, #tpu.memory_space<vmem>>
      %dma_start3A_143 = tpu.memref_squeeze %dma_start3A_142 : memref<1x100xi32, #tpu.memory_space<vmem>> -> memref<100xi32, #tpu.memory_space<vmem>>
      %dma_start3A_144 = arith.constant 0 : i32
      %dma_start3A_145 = arith.constant 0 : i32
      %dma_start3A_146 = tpu.memref_slice %arg3[%dma_start3A_144, %dma_start3A_145] : memref<10000x64xf32, #tpu.memory_space<hbm>> -> memref<10000x64xf32, #tpu.memory_space<hbm>>
      tpu.enqueue_indirect_dma source(%dma_start3A_146 : memref<10000x64xf32, #tpu.memory_space<hbm>>) target(%dma_start3A_140 : memref<100x64xf32, #tpu.memory_space<vmem>>) offsets(%dma_start3A_143 : memref<100xi32, #tpu.memory_space<vmem>>) semaphore(%arg14 : memref<!tpu.dma_semaphore, #tpu.memory_space<semaphore_mem>>)
      %mul3A_147 = arith.constant 2 : i32
      %mul3A_148 = arith.muli %add3A_133, %mul3A_147 : i32
      %add3A_149 = arith.constant 1 : i32
      %add3A_150 = arith.addi %mul3A_148, %add3A_149 : i32
      %dma_start3A_151 = arith.constant 100 : i32
      %dma_start3A_152 = arith.constant 0 : i32
      %dma_start3A_153 = tpu.memref_slice %arg12[%dma_start3A_151, %dma_start3A_152] : memref<200x64xf32, #tpu.memory_space<vmem>> -> memref<100x64xf32, #tpu.memory_space<vmem>>
      %dma_start3A_154 = arith.constant 0 : i32
      %dma_start3A_155 = tpu.memref_slice %arg8[%add3A_150, %dma_start3A_154] : memref<50x100xi32, #tpu.memory_space<vmem>> -> memref<1x100xi32, #tpu.memory_space<vmem>>
      %dma_start3A_156 = tpu.memref_squeeze %dma_start3A_155 : memref<1x100xi32, #tpu.memory_space<vmem>> -> memref<100xi32, #tpu.memory_space<vmem>>
      %dma_start3A_157 = arith.constant 0 : i32
      %dma_start3A_158 = arith.constant 0 : i32
      %dma_start3A_159 = tpu.memref_slice %arg3[%dma_start3A_157, %dma_start3A_158] : memref<10000x64xf32, #tpu.memory_space<hbm>> -> memref<10000x64xf32, #tpu.memory_space<hbm>>
      tpu.enqueue_indirect_dma source(%dma_start3A_159 : memref<10000x64xf32, #tpu.memory_space<hbm>>) target(%dma_start3A_153 : memref<100x64xf32, #tpu.memory_space<vmem>>) offsets(%dma_start3A_156 : memref<100xi32, #tpu.memory_space<vmem>>) semaphore(%arg14 : memref<!tpu.dma_semaphore, #tpu.memory_space<semaphore_mem>>)
      %mul3A_160 = arith.constant 200 : i32
      %mul3A_161 = arith.muli %mul3A_105, %mul3A_160 : i32
      %add3A_162 = arith.addi %mul3A_2, %mul3A_161 : i32
      "tpu.region"() ({
        %run_scoped3A = tpu.sem_alloc : memref<!tpu.dma_semaphore, #tpu.memory_space<semaphore_mem>>
        %dma_start3A_225 = arith.constant 0 : i32
        %dma_start3A_226 = tpu.memref_slice %arg7[%add3A_162, %dma_start3A_225] : memref<160000x64xf32, #tpu.memory_space<hbm>> -> memref<200x64xf32, #tpu.memory_space<hbm>>
        %dma_start3A_227 = arith.constant 0 : i32
        %dma_start3A_228 = tpu.memref_slice %arg7[%add3A_162, %dma_start3A_227] : memref<160000x64xf32, #tpu.memory_space<hbm>> -> memref<200x64xf32, #tpu.memory_space<hbm>>
        tpu.enqueue_dma source(%arg11 : memref<200x64xf32, #tpu.memory_space<vmem>>) target(%dma_start3A_228 : memref<200x64xf32, #tpu.memory_space<hbm>>) target_semaphore(%run_scoped3A : memref<!tpu.dma_semaphore, #tpu.memory_space<semaphore_mem>>)
        %dma_wait3A_229 = arith.constant 0 : i32
        %dma_wait3A_230 = tpu.memref_slice %arg7[%add3A_162, %dma_wait3A_229] : memref<160000x64xf32, #tpu.memory_space<hbm>> -> memref<200x64xf32, #tpu.memory_space<hbm>>
        %dma_wait3A_231 = arith.constant 0 : i32
        %dma_wait3A_232 = tpu.memref_slice %arg7[%add3A_162, %dma_wait3A_231] : memref<160000x64xf32, #tpu.memory_space<hbm>> -> memref<200x64xf32, #tpu.memory_space<hbm>>
        tpu.wait_dma2 semaphore(%run_scoped3A : memref<!tpu.dma_semaphore, #tpu.memory_space<semaphore_mem>>) src(%arg11 : memref<200x64xf32, #tpu.memory_space<vmem>>) dst(%dma_wait3A_232 : memref<200x64xf32, #tpu.memory_space<hbm>>)
        tpu.yield
      }) : () -> ()
      %add3A_163 = arith.constant 1 : i32
      %add3A_164 = arith.addi %mul3A_105, %add3A_163 : i32
      %mul3A_165 = arith.constant 2 : i32
      %mul3A_166 = arith.muli %add3A_164, %mul3A_165 : i32
      %add3A_167 = arith.constant 0 : i32
      %add3A_168 = arith.addi %mul3A_166, %add3A_167 : i32
      %dma_wait3A_169 = arith.constant 0 : i32
      %dma_wait3A_170 = arith.constant 0 : i32
      %dma_wait3A_171 = tpu.memref_slice %arg12[%dma_wait3A_169, %dma_wait3A_170] : memref<200x64xf32, #tpu.memory_space<vmem>> -> memref<100x64xf32, #tpu.memory_space<vmem>>
      %dma_wait3A_172 = arith.constant 0 : i32
      %dma_wait3A_173 = tpu.memref_slice %arg8[%add3A_168, %dma_wait3A_172] : memref<50x100xi32, #tpu.memory_space<vmem>> -> memref<1x100xi32, #tpu.memory_space<vmem>>
      %dma_wait3A_174 = tpu.memref_squeeze %dma_wait3A_173 : memref<1x100xi32, #tpu.memory_space<vmem>> -> memref<100xi32, #tpu.memory_space<vmem>>
      %dma_wait3A_175 = arith.constant 0 : i32
      %dma_wait3A_176 = arith.constant 0 : i32
      %dma_wait3A_177 = tpu.memref_slice %arg3[%dma_wait3A_175, %dma_wait3A_176] : memref<10000x64xf32, #tpu.memory_space<hbm>> -> memref<10000x64xf32, #tpu.memory_space<hbm>>
      tpu.wait_indirect_dma semaphore(%arg14 : memref<!tpu.dma_semaphore, #tpu.memory_space<semaphore_mem>>) src(%dma_wait3A_177 : memref<10000x64xf32, #tpu.memory_space<hbm>>) dst(%dma_wait3A_171 : memref<100x64xf32, #tpu.memory_space<vmem>>)
      %mul3A_178 = arith.constant 2 : i32
      %mul3A_179 = arith.muli %add3A_164, %mul3A_178 : i32
      %add3A_180 = arith.constant 1 : i32
      %add3A_181 = arith.addi %mul3A_179, %add3A_180 : i32
      %dma_wait3A_182 = arith.constant 100 : i32
      %dma_wait3A_183 = arith.constant 0 : i32
      %dma_wait3A_184 = tpu.memref_slice %arg12[%dma_wait3A_182, %dma_wait3A_183] : memref<200x64xf32, #tpu.memory_space<vmem>> -> memref<100x64xf32, #tpu.memory_space<vmem>>
      %dma_wait3A_185 = arith.constant 0 : i32
      %dma_wait3A_186 = tpu.memref_slice %arg8[%add3A_181, %dma_wait3A_185] : memref<50x100xi32, #tpu.memory_space<vmem>> -> memref<1x100xi32, #tpu.memory_space<vmem>>
      %dma_wait3A_187 = tpu.memref_squeeze %dma_wait3A_186 : memref<1x100xi32, #tpu.memory_space<vmem>> -> memref<100xi32, #tpu.memory_space<vmem>>
      %dma_wait3A_188 = arith.constant 0 : i32
      %dma_wait3A_189 = arith.constant 0 : i32
      %dma_wait3A_190 = tpu.memref_slice %arg3[%dma_wait3A_188, %dma_wait3A_189] : memref<10000x64xf32, #tpu.memory_space<hbm>> -> memref<10000x64xf32, #tpu.memory_space<hbm>>
      tpu.wait_indirect_dma semaphore(%arg14 : memref<!tpu.dma_semaphore, #tpu.memory_space<semaphore_mem>>) src(%dma_wait3A_190 : memref<10000x64xf32, #tpu.memory_space<hbm>>) dst(%dma_wait3A_184 : memref<100x64xf32, #tpu.memory_space<vmem>>)
      %add3A_191 = arith.constant 2 : i32
      %add3A_192 = arith.addi %mul3A_105, %add3A_191 : i32
      %mul3A_193 = arith.constant 2 : i32
      %mul3A_194 = arith.muli %add3A_192, %mul3A_193 : i32
      %add3A_195 = arith.constant 0 : i32
      %add3A_196 = arith.addi %mul3A_194, %add3A_195 : i32
      %dma_start3A_197 = arith.constant 0 : i32
      %dma_start3A_198 = arith.constant 0 : i32
      %dma_start3A_199 = tpu.memref_slice %arg11[%dma_start3A_197, %dma_start3A_198] : memref<200x64xf32, #tpu.memory_space<vmem>> -> memref<100x64xf32, #tpu.memory_space<vmem>>
      %dma_start3A_200 = arith.constant 0 : i32
      %dma_start3A_201 = tpu.memref_slice %arg8[%add3A_196, %dma_start3A_200] : memref<50x100xi32, #tpu.memory_space<vmem>> -> memref<1x100xi32, #tpu.memory_space<vmem>>
      %dma_start3A_202 = tpu.memref_squeeze %dma_start3A_201 : memref<1x100xi32, #tpu.memory_space<vmem>> -> memref<100xi32, #tpu.memory_space<vmem>>
      %dma_start3A_203 = arith.constant 0 : i32
      %dma_start3A_204 = arith.constant 0 : i32
      %dma_start3A_205 = tpu.memref_slice %arg3[%dma_start3A_203, %dma_start3A_204] : memref<10000x64xf32, #tpu.memory_space<hbm>> -> memref<10000x64xf32, #tpu.memory_space<hbm>>
      tpu.enqueue_indirect_dma source(%dma_start3A_205 : memref<10000x64xf32, #tpu.memory_space<hbm>>) target(%dma_start3A_199 : memref<100x64xf32, #tpu.memory_space<vmem>>) offsets(%dma_start3A_202 : memref<100xi32, #tpu.memory_space<vmem>>) semaphore(%arg13 : memref<!tpu.dma_semaphore, #tpu.memory_space<semaphore_mem>>)
      %mul3A_206 = arith.constant 2 : i32
      %mul3A_207 = arith.muli %add3A_192, %mul3A_206 : i32
      %add3A_208 = arith.constant 1 : i32
      %add3A_209 = arith.addi %mul3A_207, %add3A_208 : i32
      %dma_start3A_210 = arith.constant 100 : i32
      %dma_start3A_211 = arith.constant 0 : i32
      %dma_start3A_212 = tpu.memref_slice %arg11[%dma_start3A_210, %dma_start3A_211] : memref<200x64xf32, #tpu.memory_space<vmem>> -> memref<100x64xf32, #tpu.memory_space<vmem>>
      %dma_start3A_213 = arith.constant 0 : i32
      %dma_start3A_214 = tpu.memref_slice %arg8[%add3A_209, %dma_start3A_213] : memref<50x100xi32, #tpu.memory_space<vmem>> -> memref<1x100xi32, #tpu.memory_space<vmem>>
      %dma_start3A_215 = tpu.memref_squeeze %dma_start3A_214 : memref<1x100xi32, #tpu.memory_space<vmem>> -> memref<100xi32, #tpu.memory_space<vmem>>
      %dma_start3A_216 = arith.constant 0 : i32
      %dma_start3A_217 = arith.constant 0 : i32
      %dma_start3A_218 = tpu.memref_slice %arg3[%dma_start3A_216, %dma_start3A_217] : memref<10000x64xf32, #tpu.memory_space<hbm>> -> memref<10000x64xf32, #tpu.memory_space<hbm>>
      tpu.enqueue_indirect_dma source(%dma_start3A_218 : memref<10000x64xf32, #tpu.memory_space<hbm>>) target(%dma_start3A_212 : memref<100x64xf32, #tpu.memory_space<vmem>>) offsets(%dma_start3A_215 : memref<100xi32, #tpu.memory_space<vmem>>) semaphore(%arg13 : memref<!tpu.dma_semaphore, #tpu.memory_space<semaphore_mem>>)
      %add3A_219 = arith.constant 1 : i32
      %add3A_220 = arith.addi %mul3A_105, %add3A_219 : i32
      %mul3A_221 = arith.constant 200 : i32
      %mul3A_222 = arith.muli %add3A_220, %mul3A_221 : i32
      %add3A_223 = arith.addi %mul3A_2, %mul3A_222 : i32
      "tpu.region"() ({
        %run_scoped3A = tpu.sem_alloc : memref<!tpu.dma_semaphore, #tpu.memory_space<semaphore_mem>>
        %dma_start3A_225 = arith.constant 0 : i32
        %dma_start3A_226 = tpu.memref_slice %arg7[%add3A_223, %dma_start3A_225] : memref<160000x64xf32, #tpu.memory_space<hbm>> -> memref<200x64xf32, #tpu.memory_space<hbm>>
        %dma_start3A_227 = arith.constant 0 : i32
        %dma_start3A_228 = tpu.memref_slice %arg7[%add3A_223, %dma_start3A_227] : memref<160000x64xf32, #tpu.memory_space<hbm>> -> memref<200x64xf32, #tpu.memory_space<hbm>>
        tpu.enqueue_dma source(%arg12 : memref<200x64xf32, #tpu.memory_space<vmem>>) target(%dma_start3A_228 : memref<200x64xf32, #tpu.memory_space<hbm>>) target_semaphore(%run_scoped3A : memref<!tpu.dma_semaphore, #tpu.memory_space<semaphore_mem>>)
        %dma_wait3A_229 = arith.constant 0 : i32
        %dma_wait3A_230 = tpu.memref_slice %arg7[%add3A_223, %dma_wait3A_229] : memref<160000x64xf32, #tpu.memory_space<hbm>> -> memref<200x64xf32, #tpu.memory_space<hbm>>
        %dma_wait3A_231 = arith.constant 0 : i32
        %dma_wait3A_232 = tpu.memref_slice %arg7[%add3A_223, %dma_wait3A_231] : memref<160000x64xf32, #tpu.memory_space<hbm>> -> memref<200x64xf32, #tpu.memory_space<hbm>>
        tpu.wait_dma2 semaphore(%run_scoped3A : memref<!tpu.dma_semaphore, #tpu.memory_space<semaphore_mem>>) src(%arg12 : memref<200x64xf32, #tpu.memory_space<vmem>>) dst(%dma_wait3A_232 : memref<200x64xf32, #tpu.memory_space<hbm>>)
        tpu.yield
      }) : () -> ()
      %scan3A_224 = arith.constant 0 : i32
      scf.yield %scan3A_224 : i32
    }
    %scan3A_79 = arith.constant 12 : i32
    %dma_wait3A_80 = arith.constant 48 : i32
    %dma_wait3A_81 = arith.constant 0 : i32
    %dma_wait3A_82 = arith.constant 0 : i32
    %dma_wait3A_83 = tpu.memref_slice %arg11[%dma_wait3A_81, %dma_wait3A_82] : memref<200x64xf32, #tpu.memory_space<vmem>> -> memref<100x64xf32, #tpu.memory_space<vmem>>
    %dma_wait3A_84 = arith.constant 0 : i32
    %dma_wait3A_85 = tpu.memref_slice %arg8[%dma_wait3A_80, %dma_wait3A_84] : memref<50x100xi32, #tpu.memory_space<vmem>> -> memref<1x100xi32, #tpu.memory_space<vmem>>
    %dma_wait3A_86 = tpu.memref_squeeze %dma_wait3A_85 : memref<1x100xi32, #tpu.memory_space<vmem>> -> memref<100xi32, #tpu.memory_space<vmem>>
    %dma_wait3A_87 = arith.constant 0 : i32
    %dma_wait3A_88 = arith.constant 0 : i32
    %dma_wait3A_89 = tpu.memref_slice %arg3[%dma_wait3A_87, %dma_wait3A_88] : memref<10000x64xf32, #tpu.memory_space<hbm>> -> memref<10000x64xf32, #tpu.memory_space<hbm>>
    tpu.wait_indirect_dma semaphore(%arg13 : memref<!tpu.dma_semaphore, #tpu.memory_space<semaphore_mem>>) src(%dma_wait3A_89 : memref<10000x64xf32, #tpu.memory_space<hbm>>) dst(%dma_wait3A_83 : memref<100x64xf32, #tpu.memory_space<vmem>>)
    %dma_wait3A_90 = arith.constant 49 : i32
    %dma_wait3A_91 = arith.constant 100 : i32
    %dma_wait3A_92 = arith.constant 0 : i32
    %dma_wait3A_93 = tpu.memref_slice %arg11[%dma_wait3A_91, %dma_wait3A_92] : memref<200x64xf32, #tpu.memory_space<vmem>> -> memref<100x64xf32, #tpu.memory_space<vmem>>
    %dma_wait3A_94 = arith.constant 0 : i32
    %dma_wait3A_95 = tpu.memref_slice %arg8[%dma_wait3A_90, %dma_wait3A_94] : memref<50x100xi32, #tpu.memory_space<vmem>> -> memref<1x100xi32, #tpu.memory_space<vmem>>
    %dma_wait3A_96 = tpu.memref_squeeze %dma_wait3A_95 : memref<1x100xi32, #tpu.memory_space<vmem>> -> memref<100xi32, #tpu.memory_space<vmem>>
    %dma_wait3A_97 = arith.constant 0 : i32
    %dma_wait3A_98 = arith.constant 0 : i32
    %dma_wait3A_99 = tpu.memref_slice %arg3[%dma_wait3A_97, %dma_wait3A_98] : memref<10000x64xf32, #tpu.memory_space<hbm>> -> memref<10000x64xf32, #tpu.memory_space<hbm>>
    tpu.wait_indirect_dma semaphore(%arg13 : memref<!tpu.dma_semaphore, #tpu.memory_space<semaphore_mem>>) src(%dma_wait3A_99 : memref<10000x64xf32, #tpu.memory_space<hbm>>) dst(%dma_wait3A_93 : memref<100x64xf32, #tpu.memory_space<vmem>>)
    %add3A_100 = arith.constant 4800 : i32
    %add3A_101 = arith.addi %mul3A_2, %add3A_100 : i32
    "tpu.region"() ({
      %run_scoped3A = tpu.sem_alloc : memref<!tpu.dma_semaphore, #tpu.memory_space<semaphore_mem>>
      %dma_start3A_102 = arith.constant 0 : i32
      %dma_start3A_103 = tpu.memref_slice %arg7[%add3A_101, %dma_start3A_102] : memref<160000x64xf32, #tpu.memory_space<hbm>> -> memref<200x64xf32, #tpu.memory_space<hbm>>
      %dma_start3A_104 = arith.constant 0 : i32
      %dma_start3A_105 = tpu.memref_slice %arg7[%add3A_101, %dma_start3A_104] : memref<160000x64xf32, #tpu.memory_space<hbm>> -> memref<200x64xf32, #tpu.memory_space<hbm>>
      tpu.enqueue_dma source(%arg11 : memref<200x64xf32, #tpu.memory_space<vmem>>) target(%dma_start3A_105 : memref<200x64xf32, #tpu.memory_space<hbm>>) target_semaphore(%run_scoped3A : memref<!tpu.dma_semaphore, #tpu.memory_space<semaphore_mem>>)
      %dma_wait3A_106 = arith.constant 0 : i32
      %dma_wait3A_107 = tpu.memref_slice %arg7[%add3A_101, %dma_wait3A_106] : memref<160000x64xf32, #tpu.memory_space<hbm>> -> memref<200x64xf32, #tpu.memory_space<hbm>>
      %dma_wait3A_108 = arith.constant 0 : i32
      %dma_wait3A_109 = tpu.memref_slice %arg7[%add3A_101, %dma_wait3A_108] : memref<160000x64xf32, #tpu.memory_space<hbm>> -> memref<200x64xf32, #tpu.memory_space<hbm>>
      tpu.wait_dma2 semaphore(%run_scoped3A : memref<!tpu.dma_semaphore, #tpu.memory_space<semaphore_mem>>) src(%arg11 : memref<200x64xf32, #tpu.memory_space<vmem>>) dst(%dma_wait3A_109 : memref<200x64xf32, #tpu.memory_space<hbm>>)
      tpu.yield
    }) : () -> ()
    return
  }
}

#map = affine_map<(d0, d1) -> (0, 0)>
#map1 = affine_map<(d0, d1) -> (0, 0, 0)>
module attributes {stable_mosaic.version = 14 : i64} {
  func.func @_gather_body(%arg0: i32, %arg1: i32, %arg2: memref<10000x128xf32, #tpu.memory_space<hbm>>, %arg3: memref<10000x64xf32, #tpu.memory_space<hbm>>, %arg4: memref<64x50x100xi32, #tpu.memory_space<hbm>>, %arg5: memref<64x50x100xi32, #tpu.memory_space<hbm>>, %arg6: memref<160000x128xf32, #tpu.memory_space<hbm>>, %arg7: memref<160000x64xf32, #tpu.memory_space<hbm>>, %arg8: memref<50x100xi32, #tpu.memory_space<vmem>>, %arg9: memref<200x128xf32, #tpu.memory_space<vmem>>, %arg10: memref<200x128xf32, #tpu.memory_space<vmem>>, %arg11: memref<200x64xf32, #tpu.memory_space<vmem>>, %arg12: memref<200x64xf32, #tpu.memory_space<vmem>>, %arg13: memref<!tpu.dma_semaphore, #tpu.memory_space<semaphore_mem>>, %arg14: memref<!tpu.dma_semaphore, #tpu.memory_space<semaphore_mem>>) attributes {dimension_semantics = [#tpu.dimension_semantics<core_parallel>, #tpu.dimension_semantics<subcore_parallel>], iteration_bounds = array<i64: 2, 16>, scalar_prefetch = 0 : i64, scratch_operands = 7 : i64, tpu.core_type = #tpu.core_type<sc_vector_subcore>, window_params = [{transform_indices = #map}, {transform_indices = #map}, {transform_indices = #map1}, {transform_indices = #map1}, {transform_indices = #map}, {transform_indices = #map}]} {
    %mul3A = arith.constant 2 : i32
    %mul3A_0 = arith.muli %arg1, %mul3A : i32
    %add3A = arith.addi %mul3A_0, %arg0 : i32
    %mul3A_1 = arith.constant 5000 : i32
    %mul3A_2 = arith.muli %add3A, %mul3A_1 : i32
    %add3A_3 = arith.constant 0 : i32
    %add3A_4 = arith.addi %add3A_3, %add3A : i32
    "tpu.region"() ({
      %run_scoped3A = tpu.sem_alloc : memref<!tpu.dma_semaphore, #tpu.memory_space<semaphore_mem>>
      %dma_start3A_102 = arith.constant 0 : i32
      %dma_start3A_103 = arith.constant 0 : i32
      %dma_start3A_104 = tpu.memref_slice %arg4[%add3A_4, %dma_start3A_102, %dma_start3A_103] : memref<64x50x100xi32, #tpu.memory_space<hbm>> -> memref<1x50x100xi32, #tpu.memory_space<hbm>>
      %dma_start3A_105 = tpu.memref_squeeze %dma_start3A_104 : memref<1x50x100xi32, #tpu.memory_space<hbm>> -> memref<50x100xi32, #tpu.memory_space<hbm>>
      %dma_start3A_106 = arith.constant 0 : i32
      %dma_start3A_107 = arith.constant 0 : i32
      %dma_start3A_108 = tpu.memref_slice %arg4[%add3A_4, %dma_start3A_106, %dma_start3A_107] : memref<64x50x100xi32, #tpu.memory_space<hbm>> -> memref<1x50x100xi32, #tpu.memory_space<hbm>>
      %dma_start3A_109 = tpu.memref_squeeze %dma_start3A_108 : memref<1x50x100xi32, #tpu.memory_space<hbm>> -> memref<50x100xi32, #tpu.memory_space<hbm>>
      tpu.enqueue_dma source(%dma_start3A_109 : memref<50x100xi32, #tpu.memory_space<hbm>>) target(%arg8 : memref<50x100xi32, #tpu.memory_space<vmem>>) target_semaphore(%run_scoped3A : memref<!tpu.dma_semaphore, #tpu.memory_space<semaphore_mem>>)
      %dma_wait3A_110 = arith.constant 0 : i32
      %dma_wait3A_111 = arith.constant 0 : i32
      %dma_wait3A_112 = tpu.memref_slice %arg4[%add3A_4, %dma_wait3A_110, %dma_wait3A_111] : memref<64x50x100xi32, #tpu.memory_space<hbm>> -> memref<1x50x100xi32, #tpu.memory_space<hbm>>
      %dma_wait3A_113 = tpu.memref_squeeze %dma_wait3A_112 : memref<1x50x100xi32, #tpu.memory_space<hbm>> -> memref<50x100xi32, #tpu.memory_space<hbm>>
      %dma_wait3A_114 = arith.constant 0 : i32
      %dma_wait3A_115 = arith.constant 0 : i32
      %dma_wait3A_116 = tpu.memref_slice %arg4[%add3A_4, %dma_wait3A_114, %dma_wait3A_115] : memref<64x50x100xi32, #tpu.memory_space<hbm>> -> memref<1x50x100xi32, #tpu.memory_space<hbm>>
      %dma_wait3A_117 = tpu.memref_squeeze %dma_wait3A_116 : memref<1x50x100xi32, #tpu.memory_space<hbm>> -> memref<50x100xi32, #tpu.memory_space<hbm>>
      tpu.wait_dma2 semaphore(%run_scoped3A : memref<!tpu.dma_semaphore, #tpu.memory_space<semaphore_mem>>) src(%dma_wait3A_117 : memref<50x100xi32, #tpu.memory_space<hbm>>) dst(%arg8 : memref<50x100xi32, #tpu.memory_space<vmem>>)
      tpu.yield
    }) : () -> ()
    %dma_start3A = arith.constant 0 : i32
    %dma_start3A_5 = arith.constant 0 : i32
    %dma_start3A_6 = arith.constant 0 : i32
    %dma_start3A_7 = tpu.memref_slice %arg9[%dma_start3A_5, %dma_start3A_6] : memref<200x128xf32, #tpu.memory_space<vmem>> -> memref<100x128xf32, #tpu.memory_space<vmem>>
    %dma_start3A_8 = arith.constant 0 : i32
    %dma_start3A_9 = tpu.memref_slice %arg8[%dma_start3A, %dma_start3A_8] : memref<50x100xi32, #tpu.memory_space<vmem>> -> memref<1x100xi32, #tpu.memory_space<vmem>>
    %dma_start3A_10 = tpu.memref_squeeze %dma_start3A_9 : memref<1x100xi32, #tpu.memory_space<vmem>> -> memref<100xi32, #tpu.memory_space<vmem>>
    %dma_start3A_11 = arith.constant 0 : i32
    %dma_start3A_12 = arith.constant 0 : i32
    %dma_start3A_13 = tpu.memref_slice %arg2[%dma_start3A_11, %dma_start3A_12] : memref<10000x128xf32, #tpu.memory_space<hbm>> -> memref<10000x128xf32, #tpu.memory_space<hbm>>
    tpu.enqueue_indirect_dma source(%dma_start3A_13 : memref<10000x128xf32, #tpu.memory_space<hbm>>) target(%dma_start3A_7 : memref<100x128xf32, #tpu.memory_space<vmem>>) offsets(%dma_start3A_10 : memref<100xi32, #tpu.memory_space<vmem>>) semaphore(%arg13 : memref<!tpu.dma_semaphore, #tpu.memory_space<semaphore_mem>>)
    %dma_start3A_14 = arith.constant 1 : i32
    %dma_start3A_15 = arith.constant 100 : i32
    %dma_start3A_16 = arith.constant 0 : i32
    %dma_start3A_17 = tpu.memref_slice %arg9[%dma_start3A_15, %dma_start3A_16] : memref<200x128xf32, #tpu.memory_space<vmem>> -> memref<100x128xf32, #tpu.memory_space<vmem>>
    %dma_start3A_18 = arith.constant 0 : i32
    %dma_start3A_19 = tpu.memref_slice %arg8[%dma_start3A_14, %dma_start3A_18] : memref<50x100xi32, #tpu.memory_space<vmem>> -> memref<1x100xi32, #tpu.memory_space<vmem>>
    %dma_start3A_20 = tpu.memref_squeeze %dma_start3A_19 : memref<1x100xi32, #tpu.memory_space<vmem>> -> memref<100xi32, #tpu.memory_space<vmem>>
    %dma_start3A_21 = arith.constant 0 : i32
    %dma_start3A_22 = arith.constant 0 : i32
    %dma_start3A_23 = tpu.memref_slice %arg2[%dma_start3A_21, %dma_start3A_22] : memref<10000x128xf32, #tpu.memory_space<hbm>> -> memref<10000x128xf32, #tpu.memory_space<hbm>>
    tpu.enqueue_indirect_dma source(%dma_start3A_23 : memref<10000x128xf32, #tpu.memory_space<hbm>>) target(%dma_start3A_17 : memref<100x128xf32, #tpu.memory_space<vmem>>) offsets(%dma_start3A_20 : memref<100xi32, #tpu.memory_space<vmem>>) semaphore(%arg13 : memref<!tpu.dma_semaphore, #tpu.memory_space<semaphore_mem>>)
    %scan3A = arith.constant 0 : i32
    %scan3A_24 = arith.constant 0 : i32
    %scan3A_25 = arith.constant 12 : i32
    %scan3A_26 = arith.addi %scan3A_24, %scan3A_25 : i32
    %scan3A_27 = arith.constant 1 : i32
    %scan3A_28 = scf.for %scan3A_102 = %scan3A_24 to %scan3A_26 step %scan3A_27 iter_args(%scan3A_103 = %scan3A) -> (i32)  : i32 {
      %mul3A_104 = arith.constant 2 : i32
      %mul3A_105 = arith.muli %mul3A_104, %scan3A_102 : i32
      %mul3A_106 = arith.constant 2 : i32
      %mul3A_107 = arith.muli %mul3A_105, %mul3A_106 : i32
      %add3A_108 = arith.constant 0 : i32
      %add3A_109 = arith.addi %mul3A_107, %add3A_108 : i32
      %dma_wait3A_110 = arith.constant 0 : i32
      %dma_wait3A_111 = arith.constant 0 : i32
      %dma_wait3A_112 = tpu.memref_slice %arg9[%dma_wait3A_110, %dma_wait3A_111] : memref<200x128xf32, #tpu.memory_space<vmem>> -> memref<100x128xf32, #tpu.memory_space<vmem>>
      %dma_wait3A_113 = arith.constant 0 : i32
      %dma_wait3A_114 = tpu.memref_slice %arg8[%add3A_109, %dma_wait3A_113] : memref<50x100xi32, #tpu.memory_space<vmem>> -> memref<1x100xi32, #tpu.memory_space<vmem>>
      %dma_wait3A_115 = tpu.memref_squeeze %dma_wait3A_114 : memref<1x100xi32, #tpu.memory_space<vmem>> -> memref<100xi32, #tpu.memory_space<vmem>>
      %dma_wait3A_116 = arith.constant 0 : i32
      %dma_wait3A_117 = arith.constant 0 : i32
      %dma_wait3A_118 = tpu.memref_slice %arg2[%dma_wait3A_116, %dma_wait3A_117] : memref<10000x128xf32, #tpu.memory_space<hbm>> -> memref<10000x128xf32, #tpu.memory_space<hbm>>
      tpu.wait_indirect_dma semaphore(%arg13 : memref<!tpu.dma_semaphore, #tpu.memory_space<semaphore_mem>>) src(%dma_wait3A_118 : memref<10000x128xf32, #tpu.memory_space<hbm>>) dst(%dma_wait3A_112 : memref<100x128xf32, #tpu.memory_space<vmem>>)
      %mul3A_119 = arith.constant 2 : i32
      %mul3A_120 = arith.muli %mul3A_105, %mul3A_119 : i32
      %add3A_121 = arith.constant 1 : i32
      %add3A_122 = arith.addi %mul3A_120, %add3A_121 : i32
      %dma_wait3A_123 = arith.constant 100 : i32
      %dma_wait3A_124 = arith.constant 0 : i32
      %dma_wait3A_125 = tpu.memref_slice %arg9[%dma_wait3A_123, %dma_wait3A_124] : memref<200x128xf32, #tpu.memory_space<vmem>> -> memref<100x128xf32, #tpu.memory_space<vmem>>
      %dma_wait3A_126 = arith.constant 0 : i32
      %dma_wait3A_127 = tpu.memref_slice %arg8[%add3A_122, %dma_wait3A_126] : memref<50x100xi32, #tpu.memory_space<vmem>> -> memref<1x100xi32, #tpu.memory_space<vmem>>
      %dma_wait3A_128 = tpu.memref_squeeze %dma_wait3A_127 : memref<1x100xi32, #tpu.memory_space<vmem>> -> memref<100xi32, #tpu.memory_space<vmem>>
      %dma_wait3A_129 = arith.constant 0 : i32
      %dma_wait3A_130 = arith.constant 0 : i32
      %dma_wait3A_131 = tpu.memref_slice %arg2[%dma_wait3A_129, %dma_wait3A_130] : memref<10000x128xf32, #tpu.memory_space<hbm>> -> memref<10000x128xf32, #tpu.memory_space<hbm>>
      tpu.wait_indirect_dma semaphore(%arg13 : memref<!tpu.dma_semaphore, #tpu.memory_space<semaphore_mem>>) src(%dma_wait3A_131 : memref<10000x128xf32, #tpu.memory_space<hbm>>) dst(%dma_wait3A_125 : memref<100x128xf32, #tpu.memory_space<vmem>>)
      %add3A_132 = arith.constant 1 : i32
      %add3A_133 = arith.addi %mul3A_105, %add3A_132 : i32
      %mul3A_134 = arith.constant 2 : i32
      %mul3A_135 = arith.muli %add3A_133, %mul3A_134 : i32
      %add3A_136 = arith.constant 0 : i32
      %add3A_137 = arith.addi %mul3A_135, %add3A_136 : i32
      %dma_start3A_138 = arith.constant 0 : i32
      %dma_start3A_139 = arith.constant 0 : i32
      %dma_start3A_140 = tpu.memref_slice %arg10[%dma_start3A_138, %dma_start3A_139] : memref<200x128xf32, #tpu.memory_space<vmem>> -> memref<100x128xf32, #tpu.memory_space<vmem>>
      %dma_start3A_141 = arith.constant 0 : i32
      %dma_start3A_142 = tpu.memref_slice %arg8[%add3A_137, %dma_start3A_141] : memref<50x100xi32, #tpu.memory_space<vmem>> -> memref<1x100xi32, #tpu.memory_space<vmem>>
      %dma_start3A_143 = tpu.memref_squeeze %dma_start3A_142 : memref<1x100xi32, #tpu.memory_space<vmem>> -> memref<100xi32, #tpu.memory_space<vmem>>
      %dma_start3A_144 = arith.constant 0 : i32
      %dma_start3A_145 = arith.constant 0 : i32
      %dma_start3A_146 = tpu.memref_slice %arg2[%dma_start3A_144, %dma_start3A_145] : memref<10000x128xf32, #tpu.memory_space<hbm>> -> memref<10000x128xf32, #tpu.memory_space<hbm>>
      tpu.enqueue_indirect_dma source(%dma_start3A_146 : memref<10000x128xf32, #tpu.memory_space<hbm>>) target(%dma_start3A_140 : memref<100x128xf32, #tpu.memory_space<vmem>>) offsets(%dma_start3A_143 : memref<100xi32, #tpu.memory_space<vmem>>) semaphore(%arg14 : memref<!tpu.dma_semaphore, #tpu.memory_space<semaphore_mem>>)
      %mul3A_147 = arith.constant 2 : i32
      %mul3A_148 = arith.muli %add3A_133, %mul3A_147 : i32
      %add3A_149 = arith.constant 1 : i32
      %add3A_150 = arith.addi %mul3A_148, %add3A_149 : i32
      %dma_start3A_151 = arith.constant 100 : i32
      %dma_start3A_152 = arith.constant 0 : i32
      %dma_start3A_153 = tpu.memref_slice %arg10[%dma_start3A_151, %dma_start3A_152] : memref<200x128xf32, #tpu.memory_space<vmem>> -> memref<100x128xf32, #tpu.memory_space<vmem>>
      %dma_start3A_154 = arith.constant 0 : i32
      %dma_start3A_155 = tpu.memref_slice %arg8[%add3A_150, %dma_start3A_154] : memref<50x100xi32, #tpu.memory_space<vmem>> -> memref<1x100xi32, #tpu.memory_space<vmem>>
      %dma_start3A_156 = tpu.memref_squeeze %dma_start3A_155 : memref<1x100xi32, #tpu.memory_space<vmem>> -> memref<100xi32, #tpu.memory_space<vmem>>
      %dma_start3A_157 = arith.constant 0 : i32
      %dma_start3A_158 = arith.constant 0 : i32
      %dma_start3A_159 = tpu.memref_slice %arg2[%dma_start3A_157, %dma_start3A_158] : memref<10000x128xf32, #tpu.memory_space<hbm>> -> memref<10000x128xf32, #tpu.memory_space<hbm>>
      tpu.enqueue_indirect_dma source(%dma_start3A_159 : memref<10000x128xf32, #tpu.memory_space<hbm>>) target(%dma_start3A_153 : memref<100x128xf32, #tpu.memory_space<vmem>>) offsets(%dma_start3A_156 : memref<100xi32, #tpu.memory_space<vmem>>) semaphore(%arg14 : memref<!tpu.dma_semaphore, #tpu.memory_space<semaphore_mem>>)
      %mul3A_160 = arith.constant 200 : i32
      %mul3A_161 = arith.muli %mul3A_105, %mul3A_160 : i32
      %add3A_162 = arith.addi %mul3A_2, %mul3A_161 : i32
      "tpu.region"() ({
        %run_scoped3A = tpu.sem_alloc : memref<!tpu.dma_semaphore, #tpu.memory_space<semaphore_mem>>
        %dma_start3A_225 = arith.constant 0 : i32
        %dma_start3A_226 = tpu.memref_slice %arg6[%add3A_162, %dma_start3A_225] : memref<160000x128xf32, #tpu.memory_space<hbm>> -> memref<200x128xf32, #tpu.memory_space<hbm>>
        %dma_start3A_227 = arith.constant 0 : i32
        %dma_start3A_228 = tpu.memref_slice %arg6[%add3A_162, %dma_start3A_227] : memref<160000x128xf32, #tpu.memory_space<hbm>> -> memref<200x128xf32, #tpu.memory_space<hbm>>
        tpu.enqueue_dma source(%arg9 : memref<200x128xf32, #tpu.memory_space<vmem>>) target(%dma_start3A_228 : memref<200x128xf32, #tpu.memory_space<hbm>>) target_semaphore(%run_scoped3A : memref<!tpu.dma_semaphore, #tpu.memory_space<semaphore_mem>>)
        %dma_wait3A_229 = arith.constant 0 : i32
        %dma_wait3A_230 = tpu.memref_slice %arg6[%add3A_162, %dma_wait3A_229] : memref<160000x128xf32, #tpu.memory_space<hbm>> -> memref<200x128xf32, #tpu.memory_space<hbm>>
        %dma_wait3A_231 = arith.constant 0 : i32
        %dma_wait3A_232 = tpu.memref_slice %arg6[%add3A_162, %dma_wait3A_231] : memref<160000x128xf32, #tpu.memory_space<hbm>> -> memref<200x128xf32, #tpu.memory_space<hbm>>
        tpu.wait_dma2 semaphore(%run_scoped3A : memref<!tpu.dma_semaphore, #tpu.memory_space<semaphore_mem>>) src(%arg9 : memref<200x128xf32, #tpu.memory_space<vmem>>) dst(%dma_wait3A_232 : memref<200x128xf32, #tpu.memory_space<hbm>>)
        tpu.yield
      }) : () -> ()
      %add3A_163 = arith.constant 1 : i32
      %add3A_164 = arith.addi %mul3A_105, %add3A_163 : i32
      %mul3A_165 = arith.constant 2 : i32
      %mul3A_166 = arith.muli %add3A_164, %mul3A_165 : i32
      %add3A_167 = arith.constant 0 : i32
      %add3A_168 = arith.addi %mul3A_166, %add3A_167 : i32
      %dma_wait3A_169 = arith.constant 0 : i32
      %dma_wait3A_170 = arith.constant 0 : i32
      %dma_wait3A_171 = tpu.memref_slice %arg10[%dma_wait3A_169, %dma_wait3A_170] : memref<200x128xf32, #tpu.memory_space<vmem>> -> memref<100x128xf32, #tpu.memory_space<vmem>>
      %dma_wait3A_172 = arith.constant 0 : i32
      %dma_wait3A_173 = tpu.memref_slice %arg8[%add3A_168, %dma_wait3A_172] : memref<50x100xi32, #tpu.memory_space<vmem>> -> memref<1x100xi32, #tpu.memory_space<vmem>>
      %dma_wait3A_174 = tpu.memref_squeeze %dma_wait3A_173 : memref<1x100xi32, #tpu.memory_space<vmem>> -> memref<100xi32, #tpu.memory_space<vmem>>
      %dma_wait3A_175 = arith.constant 0 : i32
      %dma_wait3A_176 = arith.constant 0 : i32
      %dma_wait3A_177 = tpu.memref_slice %arg2[%dma_wait3A_175, %dma_wait3A_176] : memref<10000x128xf32, #tpu.memory_space<hbm>> -> memref<10000x128xf32, #tpu.memory_space<hbm>>
      tpu.wait_indirect_dma semaphore(%arg14 : memref<!tpu.dma_semaphore, #tpu.memory_space<semaphore_mem>>) src(%dma_wait3A_177 : memref<10000x128xf32, #tpu.memory_space<hbm>>) dst(%dma_wait3A_171 : memref<100x128xf32, #tpu.memory_space<vmem>>)
      %mul3A_178 = arith.constant 2 : i32
      %mul3A_179 = arith.muli %add3A_164, %mul3A_178 : i32
      %add3A_180 = arith.constant 1 : i32
      %add3A_181 = arith.addi %mul3A_179, %add3A_180 : i32
      %dma_wait3A_182 = arith.constant 100 : i32
      %dma_wait3A_183 = arith.constant 0 : i32
      %dma_wait3A_184 = tpu.memref_slice %arg10[%dma_wait3A_182, %dma_wait3A_183] : memref<200x128xf32, #tpu.memory_space<vmem>> -> memref<100x128xf32, #tpu.memory_space<vmem>>
      %dma_wait3A_185 = arith.constant 0 : i32
      %dma_wait3A_186 = tpu.memref_slice %arg8[%add3A_181, %dma_wait3A_185] : memref<50x100xi32, #tpu.memory_space<vmem>> -> memref<1x100xi32, #tpu.memory_space<vmem>>
      %dma_wait3A_187 = tpu.memref_squeeze %dma_wait3A_186 : memref<1x100xi32, #tpu.memory_space<vmem>> -> memref<100xi32, #tpu.memory_space<vmem>>
      %dma_wait3A_188 = arith.constant 0 : i32
      %dma_wait3A_189 = arith.constant 0 : i32
      %dma_wait3A_190 = tpu.memref_slice %arg2[%dma_wait3A_188, %dma_wait3A_189] : memref<10000x128xf32, #tpu.memory_space<hbm>> -> memref<10000x128xf32, #tpu.memory_space<hbm>>
      tpu.wait_indirect_dma semaphore(%arg14 : memref<!tpu.dma_semaphore, #tpu.memory_space<semaphore_mem>>) src(%dma_wait3A_190 : memref<10000x128xf32, #tpu.memory_space<hbm>>) dst(%dma_wait3A_184 : memref<100x128xf32, #tpu.memory_space<vmem>>)
      %add3A_191 = arith.constant 2 : i32
      %add3A_192 = arith.addi %mul3A_105, %add3A_191 : i32
      %mul3A_193 = arith.constant 2 : i32
      %mul3A_194 = arith.muli %add3A_192, %mul3A_193 : i32
      %add3A_195 = arith.constant 0 : i32
      %add3A_196 = arith.addi %mul3A_194, %add3A_195 : i32
      %dma_start3A_197 = arith.constant 0 : i32
      %dma_start3A_198 = arith.constant 0 : i32
      %dma_start3A_199 = tpu.memref_slice %arg9[%dma_start3A_197, %dma_start3A_198] : memref<200x128xf32, #tpu.memory_space<vmem>> -> memref<100x128xf32, #tpu.memory_space<vmem>>
      %dma_start3A_200 = arith.constant 0 : i32
      %dma_start3A_201 = tpu.memref_slice %arg8[%add3A_196, %dma_start3A_200] : memref<50x100xi32, #tpu.memory_space<vmem>> -> memref<1x100xi32, #tpu.memory_space<vmem>>
      %dma_start3A_202 = tpu.memref_squeeze %dma_start3A_201 : memref<1x100xi32, #tpu.memory_space<vmem>> -> memref<100xi32, #tpu.memory_space<vmem>>
      %dma_start3A_203 = arith.constant 0 : i32
      %dma_start3A_204 = arith.constant 0 : i32
      %dma_start3A_205 = tpu.memref_slice %arg2[%dma_start3A_203, %dma_start3A_204] : memref<10000x128xf32, #tpu.memory_space<hbm>> -> memref<10000x128xf32, #tpu.memory_space<hbm>>
      tpu.enqueue_indirect_dma source(%dma_start3A_205 : memref<10000x128xf32, #tpu.memory_space<hbm>>) target(%dma_start3A_199 : memref<100x128xf32, #tpu.memory_space<vmem>>) offsets(%dma_start3A_202 : memref<100xi32, #tpu.memory_space<vmem>>) semaphore(%arg13 : memref<!tpu.dma_semaphore, #tpu.memory_space<semaphore_mem>>)
      %mul3A_206 = arith.constant 2 : i32
      %mul3A_207 = arith.muli %add3A_192, %mul3A_206 : i32
      %add3A_208 = arith.constant 1 : i32
      %add3A_209 = arith.addi %mul3A_207, %add3A_208 : i32
      %dma_start3A_210 = arith.constant 100 : i32
      %dma_start3A_211 = arith.constant 0 : i32
      %dma_start3A_212 = tpu.memref_slice %arg9[%dma_start3A_210, %dma_start3A_211] : memref<200x128xf32, #tpu.memory_space<vmem>> -> memref<100x128xf32, #tpu.memory_space<vmem>>
      %dma_start3A_213 = arith.constant 0 : i32
      %dma_start3A_214 = tpu.memref_slice %arg8[%add3A_209, %dma_start3A_213] : memref<50x100xi32, #tpu.memory_space<vmem>> -> memref<1x100xi32, #tpu.memory_space<vmem>>
      %dma_start3A_215 = tpu.memref_squeeze %dma_start3A_214 : memref<1x100xi32, #tpu.memory_space<vmem>> -> memref<100xi32, #tpu.memory_space<vmem>>
      %dma_start3A_216 = arith.constant 0 : i32
      %dma_start3A_217 = arith.constant 0 : i32
      %dma_start3A_218 = tpu.memref_slice %arg2[%dma_start3A_216, %dma_start3A_217] : memref<10000x128xf32, #tpu.memory_space<hbm>> -> memref<10000x128xf32, #tpu.memory_space<hbm>>
      tpu.enqueue_indirect_dma source(%dma_start3A_218 : memref<10000x128xf32, #tpu.memory_space<hbm>>) target(%dma_start3A_212 : memref<100x128xf32, #tpu.memory_space<vmem>>) offsets(%dma_start3A_215 : memref<100xi32, #tpu.memory_space<vmem>>) semaphore(%arg13 : memref<!tpu.dma_semaphore, #tpu.memory_space<semaphore_mem>>)
      %add3A_219 = arith.constant 1 : i32
      %add3A_220 = arith.addi %mul3A_105, %add3A_219 : i32
      %mul3A_221 = arith.constant 200 : i32
      %mul3A_222 = arith.muli %add3A_220, %mul3A_221 : i32
      %add3A_223 = arith.addi %mul3A_2, %mul3A_222 : i32
      "tpu.region"() ({
        %run_scoped3A = tpu.sem_alloc : memref<!tpu.dma_semaphore, #tpu.memory_space<semaphore_mem>>
        %dma_start3A_225 = arith.constant 0 : i32
        %dma_start3A_226 = tpu.memref_slice %arg6[%add3A_223, %dma_start3A_225] : memref<160000x128xf32, #tpu.memory_space<hbm>> -> memref<200x128xf32, #tpu.memory_space<hbm>>
        %dma_start3A_227 = arith.constant 0 : i32
        %dma_start3A_228 = tpu.memref_slice %arg6[%add3A_223, %dma_start3A_227] : memref<160000x128xf32, #tpu.memory_space<hbm>> -> memref<200x128xf32, #tpu.memory_space<hbm>>
        tpu.enqueue_dma source(%arg10 : memref<200x128xf32, #tpu.memory_space<vmem>>) target(%dma_start3A_228 : memref<200x128xf32, #tpu.memory_space<hbm>>) target_semaphore(%run_scoped3A : memref<!tpu.dma_semaphore, #tpu.memory_space<semaphore_mem>>)
        %dma_wait3A_229 = arith.constant 0 : i32
        %dma_wait3A_230 = tpu.memref_slice %arg6[%add3A_223, %dma_wait3A_229] : memref<160000x128xf32, #tpu.memory_space<hbm>> -> memref<200x128xf32, #tpu.memory_space<hbm>>
        %dma_wait3A_231 = arith.constant 0 : i32
        %dma_wait3A_232 = tpu.memref_slice %arg6[%add3A_223, %dma_wait3A_231] : memref<160000x128xf32, #tpu.memory_space<hbm>> -> memref<200x128xf32, #tpu.memory_space<hbm>>
        tpu.wait_dma2 semaphore(%run_scoped3A : memref<!tpu.dma_semaphore, #tpu.memory_space<semaphore_mem>>) src(%arg10 : memref<200x128xf32, #tpu.memory_space<vmem>>) dst(%dma_wait3A_232 : memref<200x128xf32, #tpu.memory_space<hbm>>)
        tpu.yield
      }) : () -> ()
      %scan3A_224 = arith.constant 0 : i32
      scf.yield %scan3A_224 : i32
    }
    %scan3A_29 = arith.constant 12 : i32
    %dma_wait3A = arith.constant 48 : i32
    %dma_wait3A_30 = arith.constant 0 : i32
    %dma_wait3A_31 = arith.constant 0 : i32
    %dma_wait3A_32 = tpu.memref_slice %arg9[%dma_wait3A_30, %dma_wait3A_31] : memref<200x128xf32, #tpu.memory_space<vmem>> -> memref<100x128xf32, #tpu.memory_space<vmem>>
    %dma_wait3A_33 = arith.constant 0 : i32
    %dma_wait3A_34 = tpu.memref_slice %arg8[%dma_wait3A, %dma_wait3A_33] : memref<50x100xi32, #tpu.memory_space<vmem>> -> memref<1x100xi32, #tpu.memory_space<vmem>>
    %dma_wait3A_35 = tpu.memref_squeeze %dma_wait3A_34 : memref<1x100xi32, #tpu.memory_space<vmem>> -> memref<100xi32, #tpu.memory_space<vmem>>
    %dma_wait3A_36 = arith.constant 0 : i32
    %dma_wait3A_37 = arith.constant 0 : i32
    %dma_wait3A_38 = tpu.memref_slice %arg2[%dma_wait3A_36, %dma_wait3A_37] : memref<10000x128xf32, #tpu.memory_space<hbm>> -> memref<10000x128xf32, #tpu.memory_space<hbm>>
    tpu.wait_indirect_dma semaphore(%arg13 : memref<!tpu.dma_semaphore, #tpu.memory_space<semaphore_mem>>) src(%dma_wait3A_38 : memref<10000x128xf32, #tpu.memory_space<hbm>>) dst(%dma_wait3A_32 : memref<100x128xf32, #tpu.memory_space<vmem>>)
    %dma_wait3A_39 = arith.constant 49 : i32
    %dma_wait3A_40 = arith.constant 100 : i32
    %dma_wait3A_41 = arith.constant 0 : i32
    %dma_wait3A_42 = tpu.memref_slice %arg9[%dma_wait3A_40, %dma_wait3A_41] : memref<200x128xf32, #tpu.memory_space<vmem>> -> memref<100x128xf32, #tpu.memory_space<vmem>>
    %dma_wait3A_43 = arith.constant 0 : i32
    %dma_wait3A_44 = tpu.memref_slice %arg8[%dma_wait3A_39, %dma_wait3A_43] : memref<50x100xi32, #tpu.memory_space<vmem>> -> memref<1x100xi32, #tpu.memory_space<vmem>>
    %dma_wait3A_45 = tpu.memref_squeeze %dma_wait3A_44 : memref<1x100xi32, #tpu.memory_space<vmem>> -> memref<100xi32, #tpu.memory_space<vmem>>
    %dma_wait3A_46 = arith.constant 0 : i32
    %dma_wait3A_47 = arith.constant 0 : i32
    %dma_wait3A_48 = tpu.memref_slice %arg2[%dma_wait3A_46, %dma_wait3A_47] : memref<10000x128xf32, #tpu.memory_space<hbm>> -> memref<10000x128xf32, #tpu.memory_space<hbm>>
    tpu.wait_indirect_dma semaphore(%arg13 : memref<!tpu.dma_semaphore, #tpu.memory_space<semaphore_mem>>) src(%dma_wait3A_48 : memref<10000x128xf32, #tpu.memory_space<hbm>>) dst(%dma_wait3A_42 : memref<100x128xf32, #tpu.memory_space<vmem>>)
    %add3A_49 = arith.constant 4800 : i32
    %add3A_50 = arith.addi %mul3A_2, %add3A_49 : i32
    "tpu.region"() ({
      %run_scoped3A = tpu.sem_alloc : memref<!tpu.dma_semaphore, #tpu.memory_space<semaphore_mem>>
      %dma_start3A_102 = arith.constant 0 : i32
      %dma_start3A_103 = tpu.memref_slice %arg6[%add3A_50, %dma_start3A_102] : memref<160000x128xf32, #tpu.memory_space<hbm>> -> memref<200x128xf32, #tpu.memory_space<hbm>>
      %dma_start3A_104 = arith.constant 0 : i32
      %dma_start3A_105 = tpu.memref_slice %arg6[%add3A_50, %dma_start3A_104] : memref<160000x128xf32, #tpu.memory_space<hbm>> -> memref<200x128xf32, #tpu.memory_space<hbm>>
      tpu.enqueue_dma source(%arg9 : memref<200x128xf32, #tpu.memory_space<vmem>>) target(%dma_start3A_105 : memref<200x128xf32, #tpu.memory_space<hbm>>) target_semaphore(%run_scoped3A : memref<!tpu.dma_semaphore, #tpu.memory_space<semaphore_mem>>)
      %dma_wait3A_106 = arith.constant 0 : i32
      %dma_wait3A_107 = tpu.memref_slice %arg6[%add3A_50, %dma_wait3A_106] : memref<160000x128xf32, #tpu.memory_space<hbm>> -> memref<200x128xf32, #tpu.memory_space<hbm>>
      %dma_wait3A_108 = arith.constant 0 : i32
      %dma_wait3A_109 = tpu.memref_slice %arg6[%add3A_50, %dma_wait3A_108] : memref<160000x128xf32, #tpu.memory_space<hbm>> -> memref<200x128xf32, #tpu.memory_space<hbm>>
      tpu.wait_dma2 semaphore(%run_scoped3A : memref<!tpu.dma_semaphore, #tpu.memory_space<semaphore_mem>>) src(%arg9 : memref<200x128xf32, #tpu.memory_space<vmem>>) dst(%dma_wait3A_109 : memref<200x128xf32, #tpu.memory_space<hbm>>)
      tpu.yield
    }) : () -> ()
    %add3A_51 = arith.constant 0 : i32
    %add3A_52 = arith.addi %add3A_51, %add3A : i32
    "tpu.region"() ({
      %run_scoped3A = tpu.sem_alloc : memref<!tpu.dma_semaphore, #tpu.memory_space<semaphore_mem>>
      %dma_start3A_102 = arith.constant 0 : i32
      %dma_start3A_103 = arith.constant 0 : i32
      %dma_start3A_104 = tpu.memref_slice %arg5[%add3A_52, %dma_start3A_102, %dma_start3A_103] : memref<64x50x100xi32, #tpu.memory_space<hbm>> -> memref<1x50x100xi32, #tpu.memory_space<hbm>>
      %dma_start3A_105 = tpu.memref_squeeze %dma_start3A_104 : memref<1x50x100xi32, #tpu.memory_space<hbm>> -> memref<50x100xi32, #tpu.memory_space<hbm>>
      %dma_start3A_106 = arith.constant 0 : i32
      %dma_start3A_107 = arith.constant 0 : i32
      %dma_start3A_108 = tpu.memref_slice %arg5[%add3A_52, %dma_start3A_106, %dma_start3A_107] : memref<64x50x100xi32, #tpu.memory_space<hbm>> -> memref<1x50x100xi32, #tpu.memory_space<hbm>>
      %dma_start3A_109 = tpu.memref_squeeze %dma_start3A_108 : memref<1x50x100xi32, #tpu.memory_space<hbm>> -> memref<50x100xi32, #tpu.memory_space<hbm>>
      tpu.enqueue_dma source(%dma_start3A_109 : memref<50x100xi32, #tpu.memory_space<hbm>>) target(%arg8 : memref<50x100xi32, #tpu.memory_space<vmem>>) target_semaphore(%run_scoped3A : memref<!tpu.dma_semaphore, #tpu.memory_space<semaphore_mem>>)
      %dma_wait3A_110 = arith.constant 0 : i32
      %dma_wait3A_111 = arith.constant 0 : i32
      %dma_wait3A_112 = tpu.memref_slice %arg5[%add3A_52, %dma_wait3A_110, %dma_wait3A_111] : memref<64x50x100xi32, #tpu.memory_space<hbm>> -> memref<1x50x100xi32, #tpu.memory_space<hbm>>
      %dma_wait3A_113 = tpu.memref_squeeze %dma_wait3A_112 : memref<1x50x100xi32, #tpu.memory_space<hbm>> -> memref<50x100xi32, #tpu.memory_space<hbm>>
      %dma_wait3A_114 = arith.constant 0 : i32
      %dma_wait3A_115 = arith.constant 0 : i32
      %dma_wait3A_116 = tpu.memref_slice %arg5[%add3A_52, %dma_wait3A_114, %dma_wait3A_115] : memref<64x50x100xi32, #tpu.memory_space<hbm>> -> memref<1x50x100xi32, #tpu.memory_space<hbm>>
      %dma_wait3A_117 = tpu.memref_squeeze %dma_wait3A_116 : memref<1x50x100xi32, #tpu.memory_space<hbm>> -> memref<50x100xi32, #tpu.memory_space<hbm>>
      tpu.wait_dma2 semaphore(%run_scoped3A : memref<!tpu.dma_semaphore, #tpu.memory_space<semaphore_mem>>) src(%dma_wait3A_117 : memref<50x100xi32, #tpu.memory_space<hbm>>) dst(%arg8 : memref<50x100xi32, #tpu.memory_space<vmem>>)
      tpu.yield
    }) : () -> ()
    %dma_start3A_53 = arith.constant 0 : i32
    %dma_start3A_54 = arith.constant 0 : i32
    %dma_start3A_55 = arith.constant 0 : i32
    %dma_start3A_56 = tpu.memref_slice %arg11[%dma_start3A_54, %dma_start3A_55] : memref<200x64xf32, #tpu.memory_space<vmem>> -> memref<100x64xf32, #tpu.memory_space<vmem>>
    %dma_start3A_57 = arith.constant 0 : i32
    %dma_start3A_58 = tpu.memref_slice %arg8[%dma_start3A_53, %dma_start3A_57] : memref<50x100xi32, #tpu.memory_space<vmem>> -> memref<1x100xi32, #tpu.memory_space<vmem>>
    %dma_start3A_59 = tpu.memref_squeeze %dma_start3A_58 : memref<1x100xi32, #tpu.memory_space<vmem>> -> memref<100xi32, #tpu.memory_space<vmem>>
    %dma_start3A_60 = arith.constant 0 : i32
    %dma_start3A_61 = arith.constant 0 : i32
    %dma_start3A_62 = tpu.memref_slice %arg3[%dma_start3A_60, %dma_start3A_61] : memref<10000x64xf32, #tpu.memory_space<hbm>> -> memref<10000x64xf32, #tpu.memory_space<hbm>>
    tpu.enqueue_indirect_dma source(%dma_start3A_62 : memref<10000x64xf32, #tpu.memory_space<hbm>>) target(%dma_start3A_56 : memref<100x64xf32, #tpu.memory_space<vmem>>) offsets(%dma_start3A_59 : memref<100xi32, #tpu.memory_space<vmem>>) semaphore(%arg13 : memref<!tpu.dma_semaphore, #tpu.memory_space<semaphore_mem>>)
    %dma_start3A_63 = arith.constant 1 : i32
    %dma_start3A_64 = arith.constant 100 : i32
    %dma_start3A_65 = arith.constant 0 : i32
    %dma_start3A_66 = tpu.memref_slice %arg11[%dma_start3A_64, %dma_start3A_65] : memref<200x64xf32, #tpu.memory_space<vmem>> -> memref<100x64xf32, #tpu.memory_space<vmem>>
    %dma_start3A_67 = arith.constant 0 : i32
    %dma_start3A_68 = tpu.memref_slice %arg8[%dma_start3A_63, %dma_start3A_67] : memref<50x100xi32, #tpu.memory_space<vmem>> -> memref<1x100xi32, #tpu.memory_space<vmem>>
    %dma_start3A_69 = tpu.memref_squeeze %dma_start3A_68 : memref<1x100xi32, #tpu.memory_space<vmem>> -> memref<100xi32, #tpu.memory_space<vmem>>
    %dma_start3A_70 = arith.constant 0 : i32
    %dma_start3A_71 = arith.constant 0 : i32
    %dma_start3A_72 = tpu.memref_slice %arg3[%dma_start3A_70, %dma_start3A_71] : memref<10000x64xf32, #tpu.memory_space<hbm>> -> memref<10000x64xf32, #tpu.memory_space<hbm>>
    tpu.enqueue_indirect_dma source(%dma_start3A_72 : memref<10000x64xf32, #tpu.memory_space<hbm>>) target(%dma_start3A_66 : memref<100x64xf32, #tpu.memory_space<vmem>>) offsets(%dma_start3A_69 : memref<100xi32, #tpu.memory_space<vmem>>) semaphore(%arg13 : memref<!tpu.dma_semaphore, #tpu.memory_space<semaphore_mem>>)
    %scan3A_73 = arith.constant 0 : i32
    %scan3A_74 = arith.constant 0 : i32
    %scan3A_75 = arith.constant 12 : i32
    %scan3A_76 = arith.addi %scan3A_74, %scan3A_75 : i32
    %scan3A_77 = arith.constant 1 : i32
    %scan3A_78 = scf.for %scan3A_102 = %scan3A_74 to %scan3A_76 step %scan3A_77 iter_args(%scan3A_103 = %scan3A_73) -> (i32)  : i32 {
      %mul3A_104 = arith.constant 2 : i32
      %mul3A_105 = arith.muli %mul3A_104, %scan3A_102 : i32
      %mul3A_106 = arith.constant 2 : i32
      %mul3A_107 = arith.muli %mul3A_105, %mul3A_106 : i32
      %add3A_108 = arith.constant 0 : i32
      %add3A_109 = arith.addi %mul3A_107, %add3A_108 : i32
      %dma_wait3A_110 = arith.constant 0 : i32
      %dma_wait3A_111 = arith.constant 0 : i32
      %dma_wait3A_112 = tpu.memref_slice %arg11[%dma_wait3A_110, %dma_wait3A_111] : memref<200x64xf32, #tpu.memory_space<vmem>> -> memref<100x64xf32, #tpu.memory_space<vmem>>
      %dma_wait3A_113 = arith.constant 0 : i32
      %dma_wait3A_114 = tpu.memref_slice %arg8[%add3A_109, %dma_wait3A_113] : memref<50x100xi32, #tpu.memory_space<vmem>> -> memref<1x100xi32, #tpu.memory_space<vmem>>
      %dma_wait3A_115 = tpu.memref_squeeze %dma_wait3A_114 : memref<1x100xi32, #tpu.memory_space<vmem>> -> memref<100xi32, #tpu.memory_space<vmem>>
      %dma_wait3A_116 = arith.constant 0 : i32
      %dma_wait3A_117 = arith.constant 0 : i32
      %dma_wait3A_118 = tpu.memref_slice %arg3[%dma_wait3A_116, %dma_wait3A_117] : memref<10000x64xf32, #tpu.memory_space<hbm>> -> memref<10000x64xf32, #tpu.memory_space<hbm>>
      tpu.wait_indirect_dma semaphore(%arg13 : memref<!tpu.dma_semaphore, #tpu.memory_space<semaphore_mem>>) src(%dma_wait3A_118 : memref<10000x64xf32, #tpu.memory_space<hbm>>) dst(%dma_wait3A_112 : memref<100x64xf32, #tpu.memory_space<vmem>>)
      %mul3A_119 = arith.constant 2 : i32
      %mul3A_120 = arith.muli %mul3A_105, %mul3A_119 : i32
      %add3A_121 = arith.constant 1 : i32
      %add3A_122 = arith.addi %mul3A_120, %add3A_121 : i32
      %dma_wait3A_123 = arith.constant 100 : i32
      %dma_wait3A_124 = arith.constant 0 : i32
      %dma_wait3A_125 = tpu.memref_slice %arg11[%dma_wait3A_123, %dma_wait3A_124] : memref<200x64xf32, #tpu.memory_space<vmem>> -> memref<100x64xf32, #tpu.memory_space<vmem>>
      %dma_wait3A_126 = arith.constant 0 : i32
      %dma_wait3A_127 = tpu.memref_slice %arg8[%add3A_122, %dma_wait3A_126] : memref<50x100xi32, #tpu.memory_space<vmem>> -> memref<1x100xi32, #tpu.memory_space<vmem>>
      %dma_wait3A_128 = tpu.memref_squeeze %dma_wait3A_127 : memref<1x100xi32, #tpu.memory_space<vmem>> -> memref<100xi32, #tpu.memory_space<vmem>>
      %dma_wait3A_129 = arith.constant 0 : i32
      %dma_wait3A_130 = arith.constant 0 : i32
      %dma_wait3A_131 = tpu.memref_slice %arg3[%dma_wait3A_129, %dma_wait3A_130] : memref<10000x64xf32, #tpu.memory_space<hbm>> -> memref<10000x64xf32, #tpu.memory_space<hbm>>
      tpu.wait_indirect_dma semaphore(%arg13 : memref<!tpu.dma_semaphore, #tpu.memory_space<semaphore_mem>>) src(%dma_wait3A_131 : memref<10000x64xf32, #tpu.memory_space<hbm>>) dst(%dma_wait3A_125 : memref<100x64xf32, #tpu.memory_space<vmem>>)
      %add3A_132 = arith.constant 1 : i32
      %add3A_133 = arith.addi %mul3A_105, %add3A_132 : i32
      %mul3A_134 = arith.constant 2 : i32
      %mul3A_135 = arith.muli %add3A_133, %mul3A_134 : i32
      %add3A_136 = arith.constant 0 : i32
      %add3A_137 = arith.addi %mul3A_135, %add3A_136 : i32
      %dma_start3A_138 = arith.constant 0 : i32
      %dma_start3A_139 = arith.constant 0 : i32
      %dma_start3A_140 = tpu.memref_slice %arg12[%dma_start3A_138, %dma_start3A_139] : memref<200x64xf32, #tpu.memory_space<vmem>> -> memref<100x64xf32, #tpu.memory_space<vmem>>
      %dma_start3A_141 = arith.constant 0 : i32
      %dma_start3A_142 = tpu.memref_slice %arg8[%add3A_137, %dma_start3A_141] : memref<50x100xi32, #tpu.memory_space<vmem>> -> memref<1x100xi32, #tpu.memory_space<vmem>>
      %dma_start3A_143 = tpu.memref_squeeze %dma_start3A_142 : memref<1x100xi32, #tpu.memory_space<vmem>> -> memref<100xi32, #tpu.memory_space<vmem>>
      %dma_start3A_144 = arith.constant 0 : i32
      %dma_start3A_145 = arith.constant 0 : i32
      %dma_start3A_146 = tpu.memref_slice %arg3[%dma_start3A_144, %dma_start3A_145] : memref<10000x64xf32, #tpu.memory_space<hbm>> -> memref<10000x64xf32, #tpu.memory_space<hbm>>
      tpu.enqueue_indirect_dma source(%dma_start3A_146 : memref<10000x64xf32, #tpu.memory_space<hbm>>) target(%dma_start3A_140 : memref<100x64xf32, #tpu.memory_space<vmem>>) offsets(%dma_start3A_143 : memref<100xi32, #tpu.memory_space<vmem>>) semaphore(%arg14 : memref<!tpu.dma_semaphore, #tpu.memory_space<semaphore_mem>>)
      %mul3A_147 = arith.constant 2 : i32
      %mul3A_148 = arith.muli %add3A_133, %mul3A_147 : i32
      %add3A_149 = arith.constant 1 : i32
      %add3A_150 = arith.addi %mul3A_148, %add3A_149 : i32
      %dma_start3A_151 = arith.constant 100 : i32
      %dma_start3A_152 = arith.constant 0 : i32
      %dma_start3A_153 = tpu.memref_slice %arg12[%dma_start3A_151, %dma_start3A_152] : memref<200x64xf32, #tpu.memory_space<vmem>> -> memref<100x64xf32, #tpu.memory_space<vmem>>
      %dma_start3A_154 = arith.constant 0 : i32
      %dma_start3A_155 = tpu.memref_slice %arg8[%add3A_150, %dma_start3A_154] : memref<50x100xi32, #tpu.memory_space<vmem>> -> memref<1x100xi32, #tpu.memory_space<vmem>>
      %dma_start3A_156 = tpu.memref_squeeze %dma_start3A_155 : memref<1x100xi32, #tpu.memory_space<vmem>> -> memref<100xi32, #tpu.memory_space<vmem>>
      %dma_start3A_157 = arith.constant 0 : i32
      %dma_start3A_158 = arith.constant 0 : i32
      %dma_start3A_159 = tpu.memref_slice %arg3[%dma_start3A_157, %dma_start3A_158] : memref<10000x64xf32, #tpu.memory_space<hbm>> -> memref<10000x64xf32, #tpu.memory_space<hbm>>
      tpu.enqueue_indirect_dma source(%dma_start3A_159 : memref<10000x64xf32, #tpu.memory_space<hbm>>) target(%dma_start3A_153 : memref<100x64xf32, #tpu.memory_space<vmem>>) offsets(%dma_start3A_156 : memref<100xi32, #tpu.memory_space<vmem>>) semaphore(%arg14 : memref<!tpu.dma_semaphore, #tpu.memory_space<semaphore_mem>>)
      %mul3A_160 = arith.constant 200 : i32
      %mul3A_161 = arith.muli %mul3A_105, %mul3A_160 : i32
      %add3A_162 = arith.addi %mul3A_2, %mul3A_161 : i32
      "tpu.region"() ({
        %run_scoped3A = tpu.sem_alloc : memref<!tpu.dma_semaphore, #tpu.memory_space<semaphore_mem>>
        %dma_start3A_225 = arith.constant 0 : i32
        %dma_start3A_226 = tpu.memref_slice %arg7[%add3A_162, %dma_start3A_225] : memref<160000x64xf32, #tpu.memory_space<hbm>> -> memref<200x64xf32, #tpu.memory_space<hbm>>
        %dma_start3A_227 = arith.constant 0 : i32
        %dma_start3A_228 = tpu.memref_slice %arg7[%add3A_162, %dma_start3A_227] : memref<160000x64xf32, #tpu.memory_space<hbm>> -> memref<200x64xf32, #tpu.memory_space<hbm>>
        tpu.enqueue_dma source(%arg11 : memref<200x64xf32, #tpu.memory_space<vmem>>) target(%dma_start3A_228 : memref<200x64xf32, #tpu.memory_space<hbm>>) target_semaphore(%run_scoped3A : memref<!tpu.dma_semaphore, #tpu.memory_space<semaphore_mem>>)
        %dma_wait3A_229 = arith.constant 0 : i32
        %dma_wait3A_230 = tpu.memref_slice %arg7[%add3A_162, %dma_wait3A_229] : memref<160000x64xf32, #tpu.memory_space<hbm>> -> memref<200x64xf32, #tpu.memory_space<hbm>>
        %dma_wait3A_231 = arith.constant 0 : i32
        %dma_wait3A_232 = tpu.memref_slice %arg7[%add3A_162, %dma_wait3A_231] : memref<160000x64xf32, #tpu.memory_space<hbm>> -> memref<200x64xf32, #tpu.memory_space<hbm>>
        tpu.wait_dma2 semaphore(%run_scoped3A : memref<!tpu.dma_semaphore, #tpu.memory_space<semaphore_mem>>) src(%arg11 : memref<200x64xf32, #tpu.memory_space<vmem>>) dst(%dma_wait3A_232 : memref<200x64xf32, #tpu.memory_space<hbm>>)
        tpu.yield
      }) : () -> ()
      %add3A_163 = arith.constant 1 : i32
      %add3A_164 = arith.addi %mul3A_105, %add3A_163 : i32
      %mul3A_165 = arith.constant 2 : i32
      %mul3A_166 = arith.muli %add3A_164, %mul3A_165 : i32
      %add3A_167 = arith.constant 0 : i32
      %add3A_168 = arith.addi %mul3A_166, %add3A_167 : i32
      %dma_wait3A_169 = arith.constant 0 : i32
      %dma_wait3A_170 = arith.constant 0 : i32
      %dma_wait3A_171 = tpu.memref_slice %arg12[%dma_wait3A_169, %dma_wait3A_170] : memref<200x64xf32, #tpu.memory_space<vmem>> -> memref<100x64xf32, #tpu.memory_space<vmem>>
      %dma_wait3A_172 = arith.constant 0 : i32
      %dma_wait3A_173 = tpu.memref_slice %arg8[%add3A_168, %dma_wait3A_172] : memref<50x100xi32, #tpu.memory_space<vmem>> -> memref<1x100xi32, #tpu.memory_space<vmem>>
      %dma_wait3A_174 = tpu.memref_squeeze %dma_wait3A_173 : memref<1x100xi32, #tpu.memory_space<vmem>> -> memref<100xi32, #tpu.memory_space<vmem>>
      %dma_wait3A_175 = arith.constant 0 : i32
      %dma_wait3A_176 = arith.constant 0 : i32
      %dma_wait3A_177 = tpu.memref_slice %arg3[%dma_wait3A_175, %dma_wait3A_176] : memref<10000x64xf32, #tpu.memory_space<hbm>> -> memref<10000x64xf32, #tpu.memory_space<hbm>>
      tpu.wait_indirect_dma semaphore(%arg14 : memref<!tpu.dma_semaphore, #tpu.memory_space<semaphore_mem>>) src(%dma_wait3A_177 : memref<10000x64xf32, #tpu.memory_space<hbm>>) dst(%dma_wait3A_171 : memref<100x64xf32, #tpu.memory_space<vmem>>)
      %mul3A_178 = arith.constant 2 : i32
      %mul3A_179 = arith.muli %add3A_164, %mul3A_178 : i32
      %add3A_180 = arith.constant 1 : i32
      %add3A_181 = arith.addi %mul3A_179, %add3A_180 : i32
      %dma_wait3A_182 = arith.constant 100 : i32
      %dma_wait3A_183 = arith.constant 0 : i32
      %dma_wait3A_184 = tpu.memref_slice %arg12[%dma_wait3A_182, %dma_wait3A_183] : memref<200x64xf32, #tpu.memory_space<vmem>> -> memref<100x64xf32, #tpu.memory_space<vmem>>
      %dma_wait3A_185 = arith.constant 0 : i32
      %dma_wait3A_186 = tpu.memref_slice %arg8[%add3A_181, %dma_wait3A_185] : memref<50x100xi32, #tpu.memory_space<vmem>> -> memref<1x100xi32, #tpu.memory_space<vmem>>
      %dma_wait3A_187 = tpu.memref_squeeze %dma_wait3A_186 : memref<1x100xi32, #tpu.memory_space<vmem>> -> memref<100xi32, #tpu.memory_space<vmem>>
      %dma_wait3A_188 = arith.constant 0 : i32
      %dma_wait3A_189 = arith.constant 0 : i32
      %dma_wait3A_190 = tpu.memref_slice %arg3[%dma_wait3A_188, %dma_wait3A_189] : memref<10000x64xf32, #tpu.memory_space<hbm>> -> memref<10000x64xf32, #tpu.memory_space<hbm>>
      tpu.wait_indirect_dma semaphore(%arg14 : memref<!tpu.dma_semaphore, #tpu.memory_space<semaphore_mem>>) src(%dma_wait3A_190 : memref<10000x64xf32, #tpu.memory_space<hbm>>) dst(%dma_wait3A_184 : memref<100x64xf32, #tpu.memory_space<vmem>>)
      %add3A_191 = arith.constant 2 : i32
      %add3A_192 = arith.addi %mul3A_105, %add3A_191 : i32
      %mul3A_193 = arith.constant 2 : i32
      %mul3A_194 = arith.muli %add3A_192, %mul3A_193 : i32
      %add3A_195 = arith.constant 0 : i32
      %add3A_196 = arith.addi %mul3A_194, %add3A_195 : i32
      %dma_start3A_197 = arith.constant 0 : i32
      %dma_start3A_198 = arith.constant 0 : i32
      %dma_start3A_199 = tpu.memref_slice %arg11[%dma_start3A_197, %dma_start3A_198] : memref<200x64xf32, #tpu.memory_space<vmem>> -> memref<100x64xf32, #tpu.memory_space<vmem>>
      %dma_start3A_200 = arith.constant 0 : i32
      %dma_start3A_201 = tpu.memref_slice %arg8[%add3A_196, %dma_start3A_200] : memref<50x100xi32, #tpu.memory_space<vmem>> -> memref<1x100xi32, #tpu.memory_space<vmem>>
      %dma_start3A_202 = tpu.memref_squeeze %dma_start3A_201 : memref<1x100xi32, #tpu.memory_space<vmem>> -> memref<100xi32, #tpu.memory_space<vmem>>
      %dma_start3A_203 = arith.constant 0 : i32
      %dma_start3A_204 = arith.constant 0 : i32
      %dma_start3A_205 = tpu.memref_slice %arg3[%dma_start3A_203, %dma_start3A_204] : memref<10000x64xf32, #tpu.memory_space<hbm>> -> memref<10000x64xf32, #tpu.memory_space<hbm>>
      tpu.enqueue_indirect_dma source(%dma_start3A_205 : memref<10000x64xf32, #tpu.memory_space<hbm>>) target(%dma_start3A_199 : memref<100x64xf32, #tpu.memory_space<vmem>>) offsets(%dma_start3A_202 : memref<100xi32, #tpu.memory_space<vmem>>) semaphore(%arg13 : memref<!tpu.dma_semaphore, #tpu.memory_space<semaphore_mem>>)
      %mul3A_206 = arith.constant 2 : i32
      %mul3A_207 = arith.muli %add3A_192, %mul3A_206 : i32
      %add3A_208 = arith.constant 1 : i32
      %add3A_209 = arith.addi %mul3A_207, %add3A_208 : i32
      %dma_start3A_210 = arith.constant 100 : i32
      %dma_start3A_211 = arith.constant 0 : i32
      %dma_start3A_212 = tpu.memref_slice %arg11[%dma_start3A_210, %dma_start3A_211] : memref<200x64xf32, #tpu.memory_space<vmem>> -> memref<100x64xf32, #tpu.memory_space<vmem>>
      %dma_start3A_213 = arith.constant 0 : i32
      %dma_start3A_214 = tpu.memref_slice %arg8[%add3A_209, %dma_start3A_213] : memref<50x100xi32, #tpu.memory_space<vmem>> -> memref<1x100xi32, #tpu.memory_space<vmem>>
      %dma_start3A_215 = tpu.memref_squeeze %dma_start3A_214 : memref<1x100xi32, #tpu.memory_space<vmem>> -> memref<100xi32, #tpu.memory_space<vmem>>
      %dma_start3A_216 = arith.constant 0 : i32
      %dma_start3A_217 = arith.constant 0 : i32
      %dma_start3A_218 = tpu.memref_slice %arg3[%dma_start3A_216, %dma_start3A_217] : memref<10000x64xf32, #tpu.memory_space<hbm>> -> memref<10000x64xf32, #tpu.memory_space<hbm>>
      tpu.enqueue_indirect_dma source(%dma_start3A_218 : memref<10000x64xf32, #tpu.memory_space<hbm>>) target(%dma_start3A_212 : memref<100x64xf32, #tpu.memory_space<vmem>>) offsets(%dma_start3A_215 : memref<100xi32, #tpu.memory_space<vmem>>) semaphore(%arg13 : memref<!tpu.dma_semaphore, #tpu.memory_space<semaphore_mem>>)
      %add3A_219 = arith.constant 1 : i32
      %add3A_220 = arith.addi %mul3A_105, %add3A_219 : i32
      %mul3A_221 = arith.constant 200 : i32
      %mul3A_222 = arith.muli %add3A_220, %mul3A_221 : i32
      %add3A_223 = arith.addi %mul3A_2, %mul3A_222 : i32
      "tpu.region"() ({
        %run_scoped3A = tpu.sem_alloc : memref<!tpu.dma_semaphore, #tpu.memory_space<semaphore_mem>>
        %dma_start3A_225 = arith.constant 0 : i32
        %dma_start3A_226 = tpu.memref_slice %arg7[%add3A_223, %dma_start3A_225] : memref<160000x64xf32, #tpu.memory_space<hbm>> -> memref<200x64xf32, #tpu.memory_space<hbm>>
        %dma_start3A_227 = arith.constant 0 : i32
        %dma_start3A_228 = tpu.memref_slice %arg7[%add3A_223, %dma_start3A_227] : memref<160000x64xf32, #tpu.memory_space<hbm>> -> memref<200x64xf32, #tpu.memory_space<hbm>>
        tpu.enqueue_dma source(%arg12 : memref<200x64xf32, #tpu.memory_space<vmem>>) target(%dma_start3A_228 : memref<200x64xf32, #tpu.memory_space<hbm>>) target_semaphore(%run_scoped3A : memref<!tpu.dma_semaphore, #tpu.memory_space<semaphore_mem>>)
        %dma_wait3A_229 = arith.constant 0 : i32
        %dma_wait3A_230 = tpu.memref_slice %arg7[%add3A_223, %dma_wait3A_229] : memref<160000x64xf32, #tpu.memory_space<hbm>> -> memref<200x64xf32, #tpu.memory_space<hbm>>
        %dma_wait3A_231 = arith.constant 0 : i32
        %dma_wait3A_232 = tpu.memref_slice %arg7[%add3A_223, %dma_wait3A_231] : memref<160000x64xf32, #tpu.memory_space<hbm>> -> memref<200x64xf32, #tpu.memory_space<hbm>>
        tpu.wait_dma2 semaphore(%run_scoped3A : memref<!tpu.dma_semaphore, #tpu.memory_space<semaphore_mem>>) src(%arg12 : memref<200x64xf32, #tpu.memory_space<vmem>>) dst(%dma_wait3A_232 : memref<200x64xf32, #tpu.memory_space<hbm>>)
        tpu.yield
      }) : () -> ()
      %scan3A_224 = arith.constant 0 : i32
      scf.yield %scan3A_224 : i32
    }
    %scan3A_79 = arith.constant 12 : i32
    %dma_wait3A_80 = arith.constant 48 : i32
    %dma_wait3A_81 = arith.constant 0 : i32
    %dma_wait3A_82 = arith.constant 0 : i32
    %dma_wait3A_83 = tpu.memref_slice %arg11[%dma_wait3A_81, %dma_wait3A_82] : memref<200x64xf32, #tpu.memory_space<vmem>> -> memref<100x64xf32, #tpu.memory_space<vmem>>
    %dma_wait3A_84 = arith.constant 0 : i32
    %dma_wait3A_85 = tpu.memref_slice %arg8[%dma_wait3A_80, %dma_wait3A_84] : memref<50x100xi32, #tpu.memory_space<vmem>> -> memref<1x100xi32, #tpu.memory_space<vmem>>
    %dma_wait3A_86 = tpu.memref_squeeze %dma_wait3A_85 : memref<1x100xi32, #tpu.memory_space<vmem>> -> memref<100xi32, #tpu.memory_space<vmem>>
    %dma_wait3A_87 = arith.constant 0 : i32
    %dma_wait3A_88 = arith.constant 0 : i32
    %dma_wait3A_89 = tpu.memref_slice %arg3[%dma_wait3A_87, %dma_wait3A_88] : memref<10000x64xf32, #tpu.memory_space<hbm>> -> memref<10000x64xf32, #tpu.memory_space<hbm>>
    tpu.wait_indirect_dma semaphore(%arg13 : memref<!tpu.dma_semaphore, #tpu.memory_space<semaphore_mem>>) src(%dma_wait3A_89 : memref<10000x64xf32, #tpu.memory_space<hbm>>) dst(%dma_wait3A_83 : memref<100x64xf32, #tpu.memory_space<vmem>>)
    %dma_wait3A_90 = arith.constant 49 : i32
    %dma_wait3A_91 = arith.constant 100 : i32
    %dma_wait3A_92 = arith.constant 0 : i32
    %dma_wait3A_93 = tpu.memref_slice %arg11[%dma_wait3A_91, %dma_wait3A_92] : memref<200x64xf32, #tpu.memory_space<vmem>> -> memref<100x64xf32, #tpu.memory_space<vmem>>
    %dma_wait3A_94 = arith.constant 0 : i32
    %dma_wait3A_95 = tpu.memref_slice %arg8[%dma_wait3A_90, %dma_wait3A_94] : memref<50x100xi32, #tpu.memory_space<vmem>> -> memref<1x100xi32, #tpu.memory_space<vmem>>
    %dma_wait3A_96 = tpu.memref_squeeze %dma_wait3A_95 : memref<1x100xi32, #tpu.memory_space<vmem>> -> memref<100xi32, #tpu.memory_space<vmem>>
    %dma_wait3A_97 = arith.constant 0 : i32
    %dma_wait3A_98 = arith.constant 0 : i32
    %dma_wait3A_99 = tpu.memref_slice %arg3[%dma_wait3A_97, %dma_wait3A_98] : memref<10000x64xf32, #tpu.memory_space<hbm>> -> memref<10000x64xf32, #tpu.memory_space<hbm>>
    tpu.wait_indirect_dma semaphore(%arg13 : memref<!tpu.dma_semaphore, #tpu.memory_space<semaphore_mem>>) src(%dma_wait3A_99 : memref<10000x64xf32, #tpu.memory_space<hbm>>) dst(%dma_wait3A_93 : memref<100x64xf32, #tpu.memory_space<vmem>>)
    %add3A_100 = arith.constant 4800 : i32
    %add3A_101 = arith.addi %mul3A_2, %add3A_100 : i32
    "tpu.region"() ({
      %run_scoped3A = tpu.sem_alloc : memref<!tpu.dma_semaphore, #tpu.memory_space<semaphore_mem>>
      %dma_start3A_102 = arith.constant 0 : i32
      %dma_start3A_103 = tpu.memref_slice %arg7[%add3A_101, %dma_start3A_102] : memref<160000x64xf32, #tpu.memory_space<hbm>> -> memref<200x64xf32, #tpu.memory_space<hbm>>
      %dma_start3A_104 = arith.constant 0 : i32
      %dma_start3A_105 = tpu.memref_slice %arg7[%add3A_101, %dma_start3A_104] : memref<160000x64xf32, #tpu.memory_space<hbm>> -> memref<200x64xf32, #tpu.memory_space<hbm>>
      tpu.enqueue_dma source(%arg11 : memref<200x64xf32, #tpu.memory_space<vmem>>) target(%dma_start3A_105 : memref<200x64xf32, #tpu.memory_space<hbm>>) target_semaphore(%run_scoped3A : memref<!tpu.dma_semaphore, #tpu.memory_space<semaphore_mem>>)
      %dma_wait3A_106 = arith.constant 0 : i32
      %dma_wait3A_107 = tpu.memref_slice %arg7[%add3A_101, %dma_wait3A_106] : memref<160000x64xf32, #tpu.memory_space<hbm>> -> memref<200x64xf32, #tpu.memory_space<hbm>>
      %dma_wait3A_108 = arith.constant 0 : i32
      %dma_wait3A_109 = tpu.memref_slice %arg7[%add3A_101, %dma_wait3A_108] : memref<160000x64xf32, #tpu.memory_space<hbm>> -> memref<200x64xf32, #tpu.memory_space<hbm>>
      tpu.wait_dma2 semaphore(%run_scoped3A : memref<!tpu.dma_semaphore, #tpu.memory_space<semaphore_mem>>) src(%arg11 : memref<200x64xf32, #tpu.memory_space<vmem>>) dst(%dma_wait3A_109 : memref<200x64xf32, #tpu.memory_space<hbm>>)
      tpu.yield
    }) : () -> ()
    return
  }
}

#map = affine_map<(d0, d1) -> (0, 0)>
#map1 = affine_map<(d0, d1) -> (0, 0, 0)>
module attributes {stable_mosaic.version = 14 : i64} {
  func.func @_scatter_body(%arg0: i32, %arg1: i32, %arg2: memref<160000x128xf32, #tpu.memory_space<hbm>>, %arg3: memref<64x125x40xi32, #tpu.memory_space<hbm>>, %arg4: memref<10000x128xf32, #tpu.memory_space<hbm>>, %arg5: memref<20000x128xf32, #tpu.memory_space<hbm>>, %arg6: memref<10000x128xf32, #tpu.memory_space<vmem_shared>>, %arg7: memref<125x40xi32, #tpu.memory_space<vmem>>, %arg8: memref<40x128xf32, #tpu.memory_space<vmem>>, %arg9: memref<40x128xf32, #tpu.memory_space<vmem>>, %arg10: memref<!tpu.dma_semaphore, #tpu.memory_space<semaphore_mem>>, %arg11: memref<!tpu.dma_semaphore, #tpu.memory_space<semaphore_mem>>) attributes {dimension_semantics = [#tpu.dimension_semantics<core_parallel>, #tpu.dimension_semantics<subcore_parallel>], iteration_bounds = array<i64: 2, 16>, scalar_prefetch = 0 : i64, scratch_operands = 6 : i64, tpu.core_type = #tpu.core_type<sc_vector_subcore>, window_params = [{transform_indices = #map}, {transform_indices = #map1}, {transform_indices = #map}, {transform_indices = #map}]} {
    %mul3A = arith.constant 2 : i32
    %mul3A_0 = arith.muli %arg1, %mul3A : i32
    %add3A = arith.addi %mul3A_0, %arg0 : i32
    %mul3A_1 = arith.constant 5000 : i32
    %mul3A_2 = arith.muli %add3A, %mul3A_1 : i32
    %lt3A = arith.constant 10 : i32
    %lt3A_3 = arith.cmpi slt, %arg1, %lt3A : i32
    %convert_element_type3A = arith.extui %lt3A_3 : i1 to i32
    %cond3A = arith.constant 0 : i32
    %cond3A_4 = arith.cmpi ne, %convert_element_type3A, %cond3A : i32
    scf.if %cond3A_4 {
      %mul3A_29 = arith.constant 1000 : i32
      %mul3A_30 = arith.muli %arg1, %mul3A_29 : i32
      %mul3A_31 = arith.constant 1000 : i32
      %mul3A_32 = arith.muli %arg1, %mul3A_31 : i32
      "tpu.region"() ({
        %run_scoped3A_33 = tpu.sem_alloc : memref<!tpu.dma_semaphore, #tpu.memory_space<semaphore_mem>>
        %dma_start3A_34 = arith.constant 0 : i32
        %dma_start3A_35 = tpu.memref_slice %arg6[%mul3A_32, %dma_start3A_34] : memref<10000x128xf32, #tpu.memory_space<vmem_shared>> -> memref<1000x128xf32, #tpu.memory_space<vmem_shared>>
        %dma_start3A_36 = arith.constant 0 : i32
        %dma_start3A_37 = tpu.memref_slice %arg4[%mul3A_30, %dma_start3A_36] : memref<10000x128xf32, #tpu.memory_space<hbm>> -> memref<1000x128xf32, #tpu.memory_space<hbm>>
        tpu.enqueue_dma source(%dma_start3A_37 : memref<1000x128xf32, #tpu.memory_space<hbm>>) target(%dma_start3A_35 : memref<1000x128xf32, #tpu.memory_space<vmem_shared>>) target_semaphore(%run_scoped3A_33 : memref<!tpu.dma_semaphore, #tpu.memory_space<semaphore_mem>>)
        %dma_wait3A_38 = arith.constant 0 : i32
        %dma_wait3A_39 = tpu.memref_slice %arg6[%mul3A_32, %dma_wait3A_38] : memref<10000x128xf32, #tpu.memory_space<vmem_shared>> -> memref<1000x128xf32, #tpu.memory_space<vmem_shared>>
        %dma_wait3A_40 = arith.constant 0 : i32
        %dma_wait3A_41 = tpu.memref_slice %arg4[%mul3A_30, %dma_wait3A_40] : memref<10000x128xf32, #tpu.memory_space<hbm>> -> memref<1000x128xf32, #tpu.memory_space<hbm>>
        tpu.wait_dma2 semaphore(%run_scoped3A_33 : memref<!tpu.dma_semaphore, #tpu.memory_space<semaphore_mem>>) src(%dma_wait3A_41 : memref<1000x128xf32, #tpu.memory_space<hbm>>) dst(%dma_wait3A_39 : memref<1000x128xf32, #tpu.memory_space<vmem_shared>>)
        tpu.yield
      }) : () -> ()
    } else {
    }
    %add3A_5 = arith.constant 32 : i32
    %add3A_6 = arith.addi %add3A_5, %add3A : i32
    "tpu.region"() ({
      %run_scoped3A_29 = tpu.sem_alloc : memref<!tpu.dma_semaphore, #tpu.memory_space<semaphore_mem>>
      %dma_start3A_30 = arith.constant 0 : i32
      %dma_start3A_31 = arith.constant 0 : i32
      %dma_start3A_32 = tpu.memref_slice %arg3[%add3A_6, %dma_start3A_30, %dma_start3A_31] : memref<64x125x40xi32, #tpu.memory_space<hbm>> -> memref<1x125x40xi32, #tpu.memory_space<hbm>>
      %dma_start3A_33 = tpu.memref_squeeze %dma_start3A_32 : memref<1x125x40xi32, #tpu.memory_space<hbm>> -> memref<125x40xi32, #tpu.memory_space<hbm>>
      %dma_start3A_34 = arith.constant 0 : i32
      %dma_start3A_35 = arith.constant 0 : i32
      %dma_start3A_36 = tpu.memref_slice %arg3[%add3A_6, %dma_start3A_34, %dma_start3A_35] : memref<64x125x40xi32, #tpu.memory_space<hbm>> -> memref<1x125x40xi32, #tpu.memory_space<hbm>>
      %dma_start3A_37 = tpu.memref_squeeze %dma_start3A_36 : memref<1x125x40xi32, #tpu.memory_space<hbm>> -> memref<125x40xi32, #tpu.memory_space<hbm>>
      tpu.enqueue_dma source(%dma_start3A_37 : memref<125x40xi32, #tpu.memory_space<hbm>>) target(%arg7 : memref<125x40xi32, #tpu.memory_space<vmem>>) target_semaphore(%run_scoped3A_29 : memref<!tpu.dma_semaphore, #tpu.memory_space<semaphore_mem>>)
      %dma_wait3A_38 = arith.constant 0 : i32
      %dma_wait3A_39 = arith.constant 0 : i32
      %dma_wait3A_40 = tpu.memref_slice %arg3[%add3A_6, %dma_wait3A_38, %dma_wait3A_39] : memref<64x125x40xi32, #tpu.memory_space<hbm>> -> memref<1x125x40xi32, #tpu.memory_space<hbm>>
      %dma_wait3A_41 = tpu.memref_squeeze %dma_wait3A_40 : memref<1x125x40xi32, #tpu.memory_space<hbm>> -> memref<125x40xi32, #tpu.memory_space<hbm>>
      %dma_wait3A_42 = arith.constant 0 : i32
      %dma_wait3A_43 = arith.constant 0 : i32
      %dma_wait3A_44 = tpu.memref_slice %arg3[%add3A_6, %dma_wait3A_42, %dma_wait3A_43] : memref<64x125x40xi32, #tpu.memory_space<hbm>> -> memref<1x125x40xi32, #tpu.memory_space<hbm>>
      %dma_wait3A_45 = tpu.memref_squeeze %dma_wait3A_44 : memref<1x125x40xi32, #tpu.memory_space<hbm>> -> memref<125x40xi32, #tpu.memory_space<hbm>>
      tpu.wait_dma2 semaphore(%run_scoped3A_29 : memref<!tpu.dma_semaphore, #tpu.memory_space<semaphore_mem>>) src(%dma_wait3A_45 : memref<125x40xi32, #tpu.memory_space<hbm>>) dst(%arg7 : memref<125x40xi32, #tpu.memory_space<vmem>>)
      tpu.yield
    }) : () -> ()
    %barrier3A = arith.constant 0 : index
    tpu.barrier barrier_id(%barrier3A)
    %add3A_7 = arith.constant 0 : i32
    %add3A_8 = arith.addi %mul3A_2, %add3A_7 : i32
    %dma_start3A = arith.constant 0 : i32
    %dma_start3A_9 = tpu.memref_slice %arg2[%add3A_8, %dma_start3A] : memref<160000x128xf32, #tpu.memory_space<hbm>> -> memref<40x128xf32, #tpu.memory_space<hbm>>
    %dma_start3A_10 = arith.constant 0 : i32
    %dma_start3A_11 = tpu.memref_slice %arg2[%add3A_8, %dma_start3A_10] : memref<160000x128xf32, #tpu.memory_space<hbm>> -> memref<40x128xf32, #tpu.memory_space<hbm>>
    tpu.enqueue_dma source(%dma_start3A_11 : memref<40x128xf32, #tpu.memory_space<hbm>>) target(%arg8 : memref<40x128xf32, #tpu.memory_space<vmem>>) target_semaphore(%arg10 : memref<!tpu.dma_semaphore, #tpu.memory_space<semaphore_mem>>)
    %scan3A = arith.constant 0 : i32
    %scan3A_12 = arith.constant 0 : i32
    %scan3A_13 = arith.constant 62 : i32
    %scan3A_14 = arith.addi %scan3A_12, %scan3A_13 : i32
    %scan3A_15 = arith.constant 1 : i32
    %scan3A_16 = scf.for %scan3A_29 = %scan3A_12 to %scan3A_14 step %scan3A_15 iter_args(%scan3A_30 = %scan3A) -> (i32)  : i32 {
      %mul3A_31 = arith.constant 2 : i32
      %mul3A_32 = arith.muli %mul3A_31, %scan3A_29 : i32
      %mul3A_33 = arith.constant 40 : i32
      %mul3A_34 = arith.muli %mul3A_32, %mul3A_33 : i32
      %add3A_35 = arith.addi %mul3A_2, %mul3A_34 : i32
      %dma_wait3A_36 = arith.constant 0 : i32
      %dma_wait3A_37 = tpu.memref_slice %arg2[%add3A_35, %dma_wait3A_36] : memref<160000x128xf32, #tpu.memory_space<hbm>> -> memref<40x128xf32, #tpu.memory_space<hbm>>
      %dma_wait3A_38 = arith.constant 0 : i32
      %dma_wait3A_39 = tpu.memref_slice %arg2[%add3A_35, %dma_wait3A_38] : memref<160000x128xf32, #tpu.memory_space<hbm>> -> memref<40x128xf32, #tpu.memory_space<hbm>>
      tpu.wait_dma2 semaphore(%arg10 : memref<!tpu.dma_semaphore, #tpu.memory_space<semaphore_mem>>) src(%dma_wait3A_39 : memref<40x128xf32, #tpu.memory_space<hbm>>) dst(%arg8 : memref<40x128xf32, #tpu.memory_space<vmem>>)
      %add3A_40 = arith.constant 1 : i32
      %add3A_41 = arith.addi %mul3A_32, %add3A_40 : i32
      %mul3A_42 = arith.constant 40 : i32
      %mul3A_43 = arith.muli %add3A_41, %mul3A_42 : i32
      %add3A_44 = arith.addi %mul3A_2, %mul3A_43 : i32
      %dma_start3A_45 = arith.constant 0 : i32
      %dma_start3A_46 = tpu.memref_slice %arg2[%add3A_44, %dma_start3A_45] : memref<160000x128xf32, #tpu.memory_space<hbm>> -> memref<40x128xf32, #tpu.memory_space<hbm>>
      %dma_start3A_47 = arith.constant 0 : i32
      %dma_start3A_48 = tpu.memref_slice %arg2[%add3A_44, %dma_start3A_47] : memref<160000x128xf32, #tpu.memory_space<hbm>> -> memref<40x128xf32, #tpu.memory_space<hbm>>
      tpu.enqueue_dma source(%dma_start3A_48 : memref<40x128xf32, #tpu.memory_space<hbm>>) target(%arg9 : memref<40x128xf32, #tpu.memory_space<vmem>>) target_semaphore(%arg11 : memref<!tpu.dma_semaphore, #tpu.memory_space<semaphore_mem>>)
      "tpu.region"() ({
        %run_scoped3A_70 = tpu.sem_alloc : memref<!tpu.dma_semaphore, #tpu.memory_space<semaphore_mem>>
        %dma_start3A_71 = arith.constant 0 : i32
        %dma_start3A_72 = tpu.memref_slice %arg7[%mul3A_32, %dma_start3A_71] : memref<125x40xi32, #tpu.memory_space<vmem>> -> memref<1x40xi32, #tpu.memory_space<vmem>>
        %dma_start3A_73 = tpu.memref_squeeze %dma_start3A_72 : memref<1x40xi32, #tpu.memory_space<vmem>> -> memref<40xi32, #tpu.memory_space<vmem>>
        %dma_start3A_74 = arith.constant 0 : i32
        %dma_start3A_75 = arith.constant 0 : i32
        %dma_start3A_76 = tpu.memref_slice %arg6[%dma_start3A_74, %dma_start3A_75] : memref<10000x128xf32, #tpu.memory_space<vmem_shared>> -> memref<10000x128xf32, #tpu.memory_space<vmem_shared>>
        tpu.enqueue_indirect_dma source(%arg8 : memref<40x128xf32, #tpu.memory_space<vmem>>) target(%dma_start3A_76 : memref<10000x128xf32, #tpu.memory_space<vmem_shared>>) offsets(%dma_start3A_73 : memref<40xi32, #tpu.memory_space<vmem>>) semaphore(%run_scoped3A_70 : memref<!tpu.dma_semaphore, #tpu.memory_space<semaphore_mem>>) {add = true}
        %dma_wait3A_77 = arith.constant 0 : i32
        %dma_wait3A_78 = tpu.memref_slice %arg7[%mul3A_32, %dma_wait3A_77] : memref<125x40xi32, #tpu.memory_space<vmem>> -> memref<1x40xi32, #tpu.memory_space<vmem>>
        %dma_wait3A_79 = tpu.memref_squeeze %dma_wait3A_78 : memref<1x40xi32, #tpu.memory_space<vmem>> -> memref<40xi32, #tpu.memory_space<vmem>>
        %dma_wait3A_80 = arith.constant 0 : i32
        %dma_wait3A_81 = arith.constant 0 : i32
        %dma_wait3A_82 = tpu.memref_slice %arg6[%dma_wait3A_80, %dma_wait3A_81] : memref<10000x128xf32, #tpu.memory_space<vmem_shared>> -> memref<10000x128xf32, #tpu.memory_space<vmem_shared>>
        tpu.wait_indirect_dma semaphore(%run_scoped3A_70 : memref<!tpu.dma_semaphore, #tpu.memory_space<semaphore_mem>>) src(%arg8 : memref<40x128xf32, #tpu.memory_space<vmem>>) dst(%dma_wait3A_82 : memref<10000x128xf32, #tpu.memory_space<vmem_shared>>)
        tpu.yield
      }) : () -> ()
      %add3A_49 = arith.constant 1 : i32
      %add3A_50 = arith.addi %mul3A_32, %add3A_49 : i32
      %mul3A_51 = arith.constant 40 : i32
      %mul3A_52 = arith.muli %add3A_50, %mul3A_51 : i32
      %add3A_53 = arith.addi %mul3A_2, %mul3A_52 : i32
      %dma_wait3A_54 = arith.constant 0 : i32
      %dma_wait3A_55 = tpu.memref_slice %arg2[%add3A_53, %dma_wait3A_54] : memref<160000x128xf32, #tpu.memory_space<hbm>> -> memref<40x128xf32, #tpu.memory_space<hbm>>
      %dma_wait3A_56 = arith.constant 0 : i32
      %dma_wait3A_57 = tpu.memref_slice %arg2[%add3A_53, %dma_wait3A_56] : memref<160000x128xf32, #tpu.memory_space<hbm>> -> memref<40x128xf32, #tpu.memory_space<hbm>>
      tpu.wait_dma2 semaphore(%arg11 : memref<!tpu.dma_semaphore, #tpu.memory_space<semaphore_mem>>) src(%dma_wait3A_57 : memref<40x128xf32, #tpu.memory_space<hbm>>) dst(%arg9 : memref<40x128xf32, #tpu.memory_space<vmem>>)
      %add3A_58 = arith.constant 2 : i32
      %add3A_59 = arith.addi %mul3A_32, %add3A_58 : i32
      %mul3A_60 = arith.constant 40 : i32
      %mul3A_61 = arith.muli %add3A_59, %mul3A_60 : i32
      %add3A_62 = arith.addi %mul3A_2, %mul3A_61 : i32
      %dma_start3A_63 = arith.constant 0 : i32
      %dma_start3A_64 = tpu.memref_slice %arg2[%add3A_62, %dma_start3A_63] : memref<160000x128xf32, #tpu.memory_space<hbm>> -> memref<40x128xf32, #tpu.memory_space<hbm>>
      %dma_start3A_65 = arith.constant 0 : i32
      %dma_start3A_66 = tpu.memref_slice %arg2[%add3A_62, %dma_start3A_65] : memref<160000x128xf32, #tpu.memory_space<hbm>> -> memref<40x128xf32, #tpu.memory_space<hbm>>
      tpu.enqueue_dma source(%dma_start3A_66 : memref<40x128xf32, #tpu.memory_space<hbm>>) target(%arg8 : memref<40x128xf32, #tpu.memory_space<vmem>>) target_semaphore(%arg10 : memref<!tpu.dma_semaphore, #tpu.memory_space<semaphore_mem>>)
      %add3A_67 = arith.constant 1 : i32
      %add3A_68 = arith.addi %mul3A_32, %add3A_67 : i32
      "tpu.region"() ({
        %run_scoped3A_70 = tpu.sem_alloc : memref<!tpu.dma_semaphore, #tpu.memory_space<semaphore_mem>>
        %dma_start3A_71 = arith.constant 0 : i32
        %dma_start3A_72 = tpu.memref_slice %arg7[%add3A_68, %dma_start3A_71] : memref<125x40xi32, #tpu.memory_space<vmem>> -> memref<1x40xi32, #tpu.memory_space<vmem>>
        %dma_start3A_73 = tpu.memref_squeeze %dma_start3A_72 : memref<1x40xi32, #tpu.memory_space<vmem>> -> memref<40xi32, #tpu.memory_space<vmem>>
        %dma_start3A_74 = arith.constant 0 : i32
        %dma_start3A_75 = arith.constant 0 : i32
        %dma_start3A_76 = tpu.memref_slice %arg6[%dma_start3A_74, %dma_start3A_75] : memref<10000x128xf32, #tpu.memory_space<vmem_shared>> -> memref<10000x128xf32, #tpu.memory_space<vmem_shared>>
        tpu.enqueue_indirect_dma source(%arg9 : memref<40x128xf32, #tpu.memory_space<vmem>>) target(%dma_start3A_76 : memref<10000x128xf32, #tpu.memory_space<vmem_shared>>) offsets(%dma_start3A_73 : memref<40xi32, #tpu.memory_space<vmem>>) semaphore(%run_scoped3A_70 : memref<!tpu.dma_semaphore, #tpu.memory_space<semaphore_mem>>) {add = true}
        %dma_wait3A_77 = arith.constant 0 : i32
        %dma_wait3A_78 = tpu.memref_slice %arg7[%add3A_68, %dma_wait3A_77] : memref<125x40xi32, #tpu.memory_space<vmem>> -> memref<1x40xi32, #tpu.memory_space<vmem>>
        %dma_wait3A_79 = tpu.memref_squeeze %dma_wait3A_78 : memref<1x40xi32, #tpu.memory_space<vmem>> -> memref<40xi32, #tpu.memory_space<vmem>>
        %dma_wait3A_80 = arith.constant 0 : i32
        %dma_wait3A_81 = arith.constant 0 : i32
        %dma_wait3A_82 = tpu.memref_slice %arg6[%dma_wait3A_80, %dma_wait3A_81] : memref<10000x128xf32, #tpu.memory_space<vmem_shared>> -> memref<10000x128xf32, #tpu.memory_space<vmem_shared>>
        tpu.wait_indirect_dma semaphore(%run_scoped3A_70 : memref<!tpu.dma_semaphore, #tpu.memory_space<semaphore_mem>>) src(%arg9 : memref<40x128xf32, #tpu.memory_space<vmem>>) dst(%dma_wait3A_82 : memref<10000x128xf32, #tpu.memory_space<vmem_shared>>)
        tpu.yield
      }) : () -> ()
      %scan3A_69 = arith.constant 0 : i32
      scf.yield %scan3A_69 : i32
    }
    %scan3A_17 = arith.constant 62 : i32
    %add3A_18 = arith.constant 4960 : i32
    %add3A_19 = arith.addi %mul3A_2, %add3A_18 : i32
    %dma_wait3A = arith.constant 0 : i32
    %dma_wait3A_20 = tpu.memref_slice %arg2[%add3A_19, %dma_wait3A] : memref<160000x128xf32, #tpu.memory_space<hbm>> -> memref<40x128xf32, #tpu.memory_space<hbm>>
    %dma_wait3A_21 = arith.constant 0 : i32
    %dma_wait3A_22 = tpu.memref_slice %arg2[%add3A_19, %dma_wait3A_21] : memref<160000x128xf32, #tpu.memory_space<hbm>> -> memref<40x128xf32, #tpu.memory_space<hbm>>
    tpu.wait_dma2 semaphore(%arg10 : memref<!tpu.dma_semaphore, #tpu.memory_space<semaphore_mem>>) src(%dma_wait3A_22 : memref<40x128xf32, #tpu.memory_space<hbm>>) dst(%arg8 : memref<40x128xf32, #tpu.memory_space<vmem>>)
    %run_scoped3A = arith.constant 124 : i32
    "tpu.region"() ({
      %run_scoped3A_29 = tpu.sem_alloc : memref<!tpu.dma_semaphore, #tpu.memory_space<semaphore_mem>>
      %dma_start3A_30 = arith.constant 0 : i32
      %dma_start3A_31 = tpu.memref_slice %arg7[%run_scoped3A, %dma_start3A_30] : memref<125x40xi32, #tpu.memory_space<vmem>> -> memref<1x40xi32, #tpu.memory_space<vmem>>
      %dma_start3A_32 = tpu.memref_squeeze %dma_start3A_31 : memref<1x40xi32, #tpu.memory_space<vmem>> -> memref<40xi32, #tpu.memory_space<vmem>>
      %dma_start3A_33 = arith.constant 0 : i32
      %dma_start3A_34 = arith.constant 0 : i32
      %dma_start3A_35 = tpu.memref_slice %arg6[%dma_start3A_33, %dma_start3A_34] : memref<10000x128xf32, #tpu.memory_space<vmem_shared>> -> memref<10000x128xf32, #tpu.memory_space<vmem_shared>>
      tpu.enqueue_indirect_dma source(%arg8 : memref<40x128xf32, #tpu.memory_space<vmem>>) target(%dma_start3A_35 : memref<10000x128xf32, #tpu.memory_space<vmem_shared>>) offsets(%dma_start3A_32 : memref<40xi32, #tpu.memory_space<vmem>>) semaphore(%run_scoped3A_29 : memref<!tpu.dma_semaphore, #tpu.memory_space<semaphore_mem>>) {add = true}
      %dma_wait3A_36 = arith.constant 0 : i32
      %dma_wait3A_37 = tpu.memref_slice %arg7[%run_scoped3A, %dma_wait3A_36] : memref<125x40xi32, #tpu.memory_space<vmem>> -> memref<1x40xi32, #tpu.memory_space<vmem>>
      %dma_wait3A_38 = tpu.memref_squeeze %dma_wait3A_37 : memref<1x40xi32, #tpu.memory_space<vmem>> -> memref<40xi32, #tpu.memory_space<vmem>>
      %dma_wait3A_39 = arith.constant 0 : i32
      %dma_wait3A_40 = arith.constant 0 : i32
      %dma_wait3A_41 = tpu.memref_slice %arg6[%dma_wait3A_39, %dma_wait3A_40] : memref<10000x128xf32, #tpu.memory_space<vmem_shared>> -> memref<10000x128xf32, #tpu.memory_space<vmem_shared>>
      tpu.wait_indirect_dma semaphore(%run_scoped3A_29 : memref<!tpu.dma_semaphore, #tpu.memory_space<semaphore_mem>>) src(%arg8 : memref<40x128xf32, #tpu.memory_space<vmem>>) dst(%dma_wait3A_41 : memref<10000x128xf32, #tpu.memory_space<vmem_shared>>)
      tpu.yield
    }) : () -> ()
    %barrier3A_23 = arith.constant 0 : index
    tpu.barrier barrier_id(%barrier3A_23)
    %lt3A_24 = arith.constant 10 : i32
    %lt3A_25 = arith.cmpi slt, %arg1, %lt3A_24 : i32
    %convert_element_type3A_26 = arith.extui %lt3A_25 : i1 to i32
    %cond3A_27 = arith.constant 0 : i32
    %cond3A_28 = arith.cmpi ne, %convert_element_type3A_26, %cond3A_27 : i32
    scf.if %cond3A_28 {
      %mul3A_29 = arith.constant 1000 : i32
      %mul3A_30 = arith.muli %arg1, %mul3A_29 : i32
      %mul3A_31 = arith.constant 10000 : i32
      %mul3A_32 = arith.muli %arg0, %mul3A_31 : i32
      %mul3A_33 = arith.constant 1000 : i32
      %mul3A_34 = arith.muli %arg1, %mul3A_33 : i32
      %add3A_35 = arith.addi %mul3A_32, %mul3A_34 : i32
      "tpu.region"() ({
        %run_scoped3A_36 = tpu.sem_alloc : memref<!tpu.dma_semaphore, #tpu.memory_space<semaphore_mem>>
        %dma_start3A_37 = arith.constant 0 : i32
        %dma_start3A_38 = tpu.memref_slice %arg5[%add3A_35, %dma_start3A_37] : memref<20000x128xf32, #tpu.memory_space<hbm>> -> memref<1000x128xf32, #tpu.memory_space<hbm>>
        %dma_start3A_39 = arith.constant 0 : i32
        %dma_start3A_40 = tpu.memref_slice %arg6[%mul3A_30, %dma_start3A_39] : memref<10000x128xf32, #tpu.memory_space<vmem_shared>> -> memref<1000x128xf32, #tpu.memory_space<vmem_shared>>
        tpu.enqueue_dma source(%dma_start3A_40 : memref<1000x128xf32, #tpu.memory_space<vmem_shared>>) target(%dma_start3A_38 : memref<1000x128xf32, #tpu.memory_space<hbm>>) target_semaphore(%run_scoped3A_36 : memref<!tpu.dma_semaphore, #tpu.memory_space<semaphore_mem>>)
        %dma_wait3A_41 = arith.constant 0 : i32
        %dma_wait3A_42 = tpu.memref_slice %arg5[%add3A_35, %dma_wait3A_41] : memref<20000x128xf32, #tpu.memory_space<hbm>> -> memref<1000x128xf32, #tpu.memory_space<hbm>>
        %dma_wait3A_43 = arith.constant 0 : i32
        %dma_wait3A_44 = tpu.memref_slice %arg6[%mul3A_30, %dma_wait3A_43] : memref<10000x128xf32, #tpu.memory_space<vmem_shared>> -> memref<1000x128xf32, #tpu.memory_space<vmem_shared>>
        tpu.wait_dma2 semaphore(%run_scoped3A_36 : memref<!tpu.dma_semaphore, #tpu.memory_space<semaphore_mem>>) src(%dma_wait3A_44 : memref<1000x128xf32, #tpu.memory_space<vmem_shared>>) dst(%dma_wait3A_42 : memref<1000x128xf32, #tpu.memory_space<hbm>>)
        tpu.yield
      }) : () -> ()
    } else {
    }
    return
  }
}

module attributes {stable_mosaic.version = 14 : i64} {
  func.func @_pre_body(%arg0: i32, %arg1: memref<1000x128xf32, #tpu.memory_space<vmem>>, %arg2: memref<128x64xf32, #tpu.memory_space<vmem>>, %arg3: memref<1x64xf32, #tpu.memory_space<vmem>>, %arg4: memref<1000x64xf32, #tpu.memory_space<vmem>>) attributes {dimension_semantics = [#tpu.dimension_semantics<arbitrary>], iteration_bounds = array<i64: 10>, scalar_prefetch = 0 : i64, scratch_operands = 0 : i64, tpu.core_type = #tpu.core_type<tc>, window_params = [{transform_indices = @transform_0, window_bounds = array<i64: 1000, 128>}, {pipeline_mode = #tpu.pipeline_mode<synchronous>, transform_indices = @transform_1, window_bounds = array<i64: 128, 64>}, {pipeline_mode = #tpu.pipeline_mode<synchronous>, transform_indices = @transform_2, window_bounds = array<i64: 1, 64>}, {transform_indices = @transform_3, window_bounds = array<i64: 1000, 64>}]} {
    %get3A = arith.constant 0 : index
    %get3A_0 = arith.constant 0 : index
    %get3A_1 = vector.load %arg1[%get3A, %get3A_0] : memref<1000x128xf32, #tpu.memory_space<vmem>>, vector<1000x128xf32>
    %get3A_2 = arith.constant 0 : index
    %get3A_3 = arith.constant 0 : index
    %get3A_4 = vector.load %arg2[%get3A_2, %get3A_3] : memref<128x64xf32, #tpu.memory_space<vmem>>, vector<128x64xf32>
    %dot_general3A = arith.constant dense<0.000000e+00> : vector<1000x64xf32>
    %dot_general3A_5 = tpu.matmul %get3A_1, %get3A_4, %dot_general3A {dimension_numbers = #tpu.dot_dimension_numbers<[1], [0], [0], [1], [0, 0, 1, 1], [], []>, transpose_lhs_hint = false} : vector<1000x128xf32>, vector<128x64xf32>, vector<1000x64xf32> -> vector<1000x64xf32>
    %get3A_6 = arith.constant 0 : index
    %get3A_7 = arith.constant 0 : index
    %get3A_8 = vector.load %arg3[%get3A_6, %get3A_7] : memref<1x64xf32, #tpu.memory_space<vmem>>, vector<1x64xf32>
    %add3A = vector.broadcast %get3A_8 : vector<1x64xf32> to vector<1000x64xf32>
    %add3A_9 = arith.addf %dot_general3A_5, %add3A : vector<1000x64xf32>
    %swap3A = arith.constant 0 : index
    %swap3A_10 = arith.constant 0 : index
    %swap3A_11 = vector.load %arg4[%swap3A, %swap3A_10] : memref<1000x64xf32, #tpu.memory_space<vmem>>, vector<1000x64xf32>
    tpu.vector_store %arg4[%swap3A, %swap3A_10], %add3A_9 {strides = array<i32>} : memref<1000x64xf32, #tpu.memory_space<vmem>>, vector<1000x64xf32>,
    return
  }
  func.func @transform_0(%arg0: i32) -> (i32, i32) {
    %c0_i32 = arith.constant 0 : i32
    %c0_i32_0 = arith.constant 0 : i32
    return %arg0, %c0_i32 : i32, i32
  }
  func.func @transform_1(%arg0: i32) -> (i32, i32) {
    %c0_i32 = arith.constant 0 : i32
    %c0_i32_0 = arith.constant 0 : i32
    %c0_i32_1 = arith.constant 0 : i32
    return %c0_i32, %c0_i32_0 : i32, i32
  }
  func.func @transform_2(%arg0: i32) -> (i32, i32) {
    %c0_i32 = arith.constant 0 : i32
    %c0_i32_0 = arith.constant 0 : i32
    %c0_i32_1 = arith.constant 0 : i32
    return %c0_i32, %c0_i32_0 : i32, i32
  }
  func.func @transform_3(%arg0: i32) -> (i32, i32) {
    %c0_i32 = arith.constant 0 : i32
    %c0_i32_0 = arith.constant 0 : i32
    return %arg0, %c0_i32 : i32, i32
  }
}

module attributes {stable_mosaic.version = 14 : i64} {
  func.func @_edge_body(%arg0: i32, %arg1: memref<2000x128xf32, #tpu.memory_space<vmem>>, %arg2: memref<2000x64xf32, #tpu.memory_space<vmem>>, %arg3: memref<2000x64xf32, #tpu.memory_space<vmem>>, %arg4: memref<128x64xf32, #tpu.memory_space<vmem>>, %arg5: memref<1x64xf32, #tpu.memory_space<vmem>>, %arg6: memref<64x64xf32, #tpu.memory_space<vmem>>, %arg7: memref<1x64xf32, #tpu.memory_space<vmem>>, %arg8: memref<64x64xf32, #tpu.memory_space<vmem>>, %arg9: memref<1x64xf32, #tpu.memory_space<vmem>>, %arg10: memref<64x128xf32, #tpu.memory_space<vmem>>, %arg11: memref<1x128xf32, #tpu.memory_space<vmem>>, %arg12: memref<2000x128xf32, #tpu.memory_space<vmem>>) attributes {dimension_semantics = [#tpu.dimension_semantics<arbitrary>], iteration_bounds = array<i64: 80>, scalar_prefetch = 0 : i64, scratch_operands = 0 : i64, tpu.core_type = #tpu.core_type<tc>, window_params = [{transform_indices = @transform_0, window_bounds = array<i64: 2000, 128>}, {transform_indices = @transform_1, window_bounds = array<i64: 2000, 64>}, {transform_indices = @transform_2, window_bounds = array<i64: 2000, 64>}, {pipeline_mode = #tpu.pipeline_mode<synchronous>, transform_indices = @transform_3, window_bounds = array<i64: 128, 64>}, {pipeline_mode = #tpu.pipeline_mode<synchronous>, transform_indices = @transform_4, window_bounds = array<i64: 1, 64>}, {pipeline_mode = #tpu.pipeline_mode<synchronous>, transform_indices = @transform_5, window_bounds = array<i64: 64, 64>}, {pipeline_mode = #tpu.pipeline_mode<synchronous>, transform_indices = @transform_6, window_bounds = array<i64: 1, 64>}, {pipeline_mode = #tpu.pipeline_mode<synchronous>, transform_indices = @transform_7, window_bounds = array<i64: 64, 64>}, {pipeline_mode = #tpu.pipeline_mode<synchronous>, transform_indices = @transform_8, window_bounds = array<i64: 1, 64>}, {pipeline_mode = #tpu.pipeline_mode<synchronous>, transform_indices = @transform_9, window_bounds = array<i64: 64, 128>}, {pipeline_mode = #tpu.pipeline_mode<synchronous>, transform_indices = @transform_10, window_bounds = array<i64: 1, 128>}, {transform_indices = @transform_11, window_bounds = array<i64: 2000, 128>}]} {
    %get3A = arith.constant 0 : index
    %get3A_0 = arith.constant 0 : index
    %get3A_1 = vector.load %arg1[%get3A, %get3A_0] : memref<2000x128xf32, #tpu.memory_space<vmem>>, vector<2000x128xf32>
    %get3A_2 = arith.constant 0 : index
    %get3A_3 = arith.constant 0 : index
    %get3A_4 = vector.load %arg4[%get3A_2, %get3A_3] : memref<128x64xf32, #tpu.memory_space<vmem>>, vector<128x64xf32>
    %dot_general3A = arith.constant dense<0.000000e+00> : vector<2000x64xf32>
    %dot_general3A_5 = tpu.matmul %get3A_1, %get3A_4, %dot_general3A {dimension_numbers = #tpu.dot_dimension_numbers<[1], [0], [0], [1], [0, 0, 1, 1], [], []>, transpose_lhs_hint = false} : vector<2000x128xf32>, vector<128x64xf32>, vector<2000x64xf32> -> vector<2000x64xf32>
    %get3A_6 = arith.constant 0 : index
    %get3A_7 = arith.constant 0 : index
    %get3A_8 = vector.load %arg5[%get3A_6, %get3A_7] : memref<1x64xf32, #tpu.memory_space<vmem>>, vector<1x64xf32>
    %add3A = vector.broadcast %get3A_8 : vector<1x64xf32> to vector<2000x64xf32>
    %add3A_9 = arith.addf %dot_general3A_5, %add3A : vector<2000x64xf32>
    %get3A_10 = arith.constant 0 : index
    %get3A_11 = arith.constant 0 : index
    %get3A_12 = vector.load %arg3[%get3A_10, %get3A_11] : memref<2000x64xf32, #tpu.memory_space<vmem>>, vector<2000x64xf32>
    %add3A_13 = arith.addf %get3A_12, %add3A_9 : vector<2000x64xf32>
    %get3A_14 = arith.constant 0 : index
    %get3A_15 = arith.constant 0 : index
    %get3A_16 = vector.load %arg2[%get3A_14, %get3A_15] : memref<2000x64xf32, #tpu.memory_space<vmem>>, vector<2000x64xf32>
    %add3A_17 = arith.addf %add3A_13, %get3A_16 : vector<2000x64xf32>
    %max3A = arith.constant 0.000000e+00 : f32
    %max3A_18 = vector.broadcast %max3A : f32 to vector<2000x64xf32>
    %max3A_19 = arith.maximumf %add3A_17, %max3A_18 : vector<2000x64xf32>
    %get3A_20 = arith.constant 0 : index
    %get3A_21 = arith.constant 0 : index
    %get3A_22 = vector.load %arg6[%get3A_20, %get3A_21] : memref<64x64xf32, #tpu.memory_space<vmem>>, vector<64x64xf32>
    %dot_general3A_23 = arith.constant dense<0.000000e+00> : vector<2000x64xf32>
    %dot_general3A_24 = tpu.matmul %max3A_19, %get3A_22, %dot_general3A_23 {dimension_numbers = #tpu.dot_dimension_numbers<[1], [0], [0], [1], [0, 0, 1, 1], [], []>, transpose_lhs_hint = false} : vector<2000x64xf32>, vector<64x64xf32>, vector<2000x64xf32> -> vector<2000x64xf32>
    %get3A_25 = arith.constant 0 : index
    %get3A_26 = arith.constant 0 : index
    %get3A_27 = vector.load %arg7[%get3A_25, %get3A_26] : memref<1x64xf32, #tpu.memory_space<vmem>>, vector<1x64xf32>
    %add3A_28 = vector.broadcast %get3A_27 : vector<1x64xf32> to vector<2000x64xf32>
    %add3A_29 = arith.addf %dot_general3A_24, %add3A_28 : vector<2000x64xf32>
    %max3A_30 = arith.constant 0.000000e+00 : f32
    %max3A_31 = vector.broadcast %max3A_30 : f32 to vector<2000x64xf32>
    %max3A_32 = arith.maximumf %add3A_29, %max3A_31 : vector<2000x64xf32>
    %get3A_33 = arith.constant 0 : index
    %get3A_34 = arith.constant 0 : index
    %get3A_35 = vector.load %arg8[%get3A_33, %get3A_34] : memref<64x64xf32, #tpu.memory_space<vmem>>, vector<64x64xf32>
    %dot_general3A_36 = arith.constant dense<0.000000e+00> : vector<2000x64xf32>
    %dot_general3A_37 = tpu.matmul %max3A_32, %get3A_35, %dot_general3A_36 {dimension_numbers = #tpu.dot_dimension_numbers<[1], [0], [0], [1], [0, 0, 1, 1], [], []>, transpose_lhs_hint = false} : vector<2000x64xf32>, vector<64x64xf32>, vector<2000x64xf32> -> vector<2000x64xf32>
    %get3A_38 = arith.constant 0 : index
    %get3A_39 = arith.constant 0 : index
    %get3A_40 = vector.load %arg9[%get3A_38, %get3A_39] : memref<1x64xf32, #tpu.memory_space<vmem>>, vector<1x64xf32>
    %add3A_41 = vector.broadcast %get3A_40 : vector<1x64xf32> to vector<2000x64xf32>
    %add3A_42 = arith.addf %dot_general3A_37, %add3A_41 : vector<2000x64xf32>
    %max3A_43 = arith.constant 0.000000e+00 : f32
    %max3A_44 = vector.broadcast %max3A_43 : f32 to vector<2000x64xf32>
    %max3A_45 = arith.maximumf %add3A_42, %max3A_44 : vector<2000x64xf32>
    %get3A_46 = arith.constant 0 : index
    %get3A_47 = arith.constant 0 : index
    %get3A_48 = vector.load %arg10[%get3A_46, %get3A_47] : memref<64x128xf32, #tpu.memory_space<vmem>>, vector<64x128xf32>
    %dot_general3A_49 = arith.constant dense<0.000000e+00> : vector<2000x128xf32>
    %dot_general3A_50 = tpu.matmul %max3A_45, %get3A_48, %dot_general3A_49 {dimension_numbers = #tpu.dot_dimension_numbers<[1], [0], [0], [1], [0, 0, 1, 1], [], []>, transpose_lhs_hint = false} : vector<2000x64xf32>, vector<64x128xf32>, vector<2000x128xf32> -> vector<2000x128xf32>
    %get3A_51 = arith.constant 0 : index
    %get3A_52 = arith.constant 0 : index
    %get3A_53 = vector.load %arg11[%get3A_51, %get3A_52] : memref<1x128xf32, #tpu.memory_space<vmem>>, vector<1x128xf32>
    %add3A_54 = vector.broadcast %get3A_53 : vector<1x128xf32> to vector<2000x128xf32>
    %add3A_55 = arith.addf %dot_general3A_50, %add3A_54 : vector<2000x128xf32>
    %mul3A = arith.mulf %get3A_1, %add3A_55 : vector<2000x128xf32>
    %swap3A = arith.constant 0 : index
    %swap3A_56 = arith.constant 0 : index
    %swap3A_57 = vector.load %arg12[%swap3A, %swap3A_56] : memref<2000x128xf32, #tpu.memory_space<vmem>>, vector<2000x128xf32>
    tpu.vector_store %arg12[%swap3A, %swap3A_56], %mul3A {strides = array<i32>} : memref<2000x128xf32, #tpu.memory_space<vmem>>, vector<2000x128xf32>,
    return
  }
  func.func @transform_0(%arg0: i32) -> (i32, i32) {
    %c0_i32 = arith.constant 0 : i32
    %c0_i32_0 = arith.constant 0 : i32
    return %arg0, %c0_i32 : i32, i32
  }
  func.func @transform_1(%arg0: i32) -> (i32, i32) {
    %c0_i32 = arith.constant 0 : i32
    %c0_i32_0 = arith.constant 0 : i32
    return %arg0, %c0_i32 : i32, i32
  }
  func.func @transform_2(%arg0: i32) -> (i32, i32) {
    %add3A = arith.constant 80 : i32
    %add3A_0 = arith.addi %arg0, %add3A : i32
    %c0_i32 = arith.constant 0 : i32
    %c0_i32_1 = arith.constant 0 : i32
    return %add3A_0, %c0_i32 : i32, i32
  }
  func.func @transform_3(%arg0: i32) -> (i32, i32) {
    %c0_i32 = arith.constant 0 : i32
    %c0_i32_0 = arith.constant 0 : i32
    %c0_i32_1 = arith.constant 0 : i32
    return %c0_i32, %c0_i32_0 : i32, i32
  }
  func.func @transform_4(%arg0: i32) -> (i32, i32) {
    %c0_i32 = arith.constant 0 : i32
    %c0_i32_0 = arith.constant 0 : i32
    %c0_i32_1 = arith.constant 0 : i32
    return %c0_i32, %c0_i32_0 : i32, i32
  }
  func.func @transform_5(%arg0: i32) -> (i32, i32) {
    %c0_i32 = arith.constant 0 : i32
    %c0_i32_0 = arith.constant 0 : i32
    %c0_i32_1 = arith.constant 0 : i32
    return %c0_i32, %c0_i32_0 : i32, i32
  }
  func.func @transform_6(%arg0: i32) -> (i32, i32) {
    %c0_i32 = arith.constant 0 : i32
    %c0_i32_0 = arith.constant 0 : i32
    %c0_i32_1 = arith.constant 0 : i32
    return %c0_i32, %c0_i32_0 : i32, i32
  }
  func.func @transform_7(%arg0: i32) -> (i32, i32) {
    %c0_i32 = arith.constant 0 : i32
    %c0_i32_0 = arith.constant 0 : i32
    %c0_i32_1 = arith.constant 0 : i32
    return %c0_i32, %c0_i32_0 : i32, i32
  }
  func.func @transform_8(%arg0: i32) -> (i32, i32) {
    %c0_i32 = arith.constant 0 : i32
    %c0_i32_0 = arith.constant 0 : i32
    %c0_i32_1 = arith.constant 0 : i32
    return %c0_i32, %c0_i32_0 : i32, i32
  }
  func.func @transform_9(%arg0: i32) -> (i32, i32) {
    %c0_i32 = arith.constant 0 : i32
    %c0_i32_0 = arith.constant 0 : i32
    %c0_i32_1 = arith.constant 0 : i32
    return %c0_i32, %c0_i32_0 : i32, i32
  }
  func.func @transform_10(%arg0: i32) -> (i32, i32) {
    %c0_i32 = arith.constant 0 : i32
    %c0_i32_0 = arith.constant 0 : i32
    %c0_i32_1 = arith.constant 0 : i32
    return %c0_i32, %c0_i32_0 : i32, i32
  }
  func.func @transform_11(%arg0: i32) -> (i32, i32) {
    %c0_i32 = arith.constant 0 : i32
    %c0_i32_0 = arith.constant 0 : i32
    return %arg0, %c0_i32 : i32, i32
  }
}

module attributes {stable_mosaic.version = 14 : i64} {
  func.func @_edge_body(%arg0: i32, %arg1: memref<2000x128xf32, #tpu.memory_space<vmem>>, %arg2: memref<2000x64xf32, #tpu.memory_space<vmem>>, %arg3: memref<2000x64xf32, #tpu.memory_space<vmem>>, %arg4: memref<128x64xf32, #tpu.memory_space<vmem>>, %arg5: memref<1x64xf32, #tpu.memory_space<vmem>>, %arg6: memref<64x64xf32, #tpu.memory_space<vmem>>, %arg7: memref<1x64xf32, #tpu.memory_space<vmem>>, %arg8: memref<64x64xf32, #tpu.memory_space<vmem>>, %arg9: memref<1x64xf32, #tpu.memory_space<vmem>>, %arg10: memref<64x128xf32, #tpu.memory_space<vmem>>, %arg11: memref<1x128xf32, #tpu.memory_space<vmem>>, %arg12: memref<2000x128xf32, #tpu.memory_space<vmem>>) attributes {dimension_semantics = [#tpu.dimension_semantics<arbitrary>], iteration_bounds = array<i64: 80>, scalar_prefetch = 0 : i64, scratch_operands = 0 : i64, tpu.core_type = #tpu.core_type<tc>, window_params = [{transform_indices = @transform_0, window_bounds = array<i64: 2000, 128>}, {transform_indices = @transform_1, window_bounds = array<i64: 2000, 64>}, {transform_indices = @transform_2, window_bounds = array<i64: 2000, 64>}, {pipeline_mode = #tpu.pipeline_mode<synchronous>, transform_indices = @transform_3, window_bounds = array<i64: 128, 64>}, {pipeline_mode = #tpu.pipeline_mode<synchronous>, transform_indices = @transform_4, window_bounds = array<i64: 1, 64>}, {pipeline_mode = #tpu.pipeline_mode<synchronous>, transform_indices = @transform_5, window_bounds = array<i64: 64, 64>}, {pipeline_mode = #tpu.pipeline_mode<synchronous>, transform_indices = @transform_6, window_bounds = array<i64: 1, 64>}, {pipeline_mode = #tpu.pipeline_mode<synchronous>, transform_indices = @transform_7, window_bounds = array<i64: 64, 64>}, {pipeline_mode = #tpu.pipeline_mode<synchronous>, transform_indices = @transform_8, window_bounds = array<i64: 1, 64>}, {pipeline_mode = #tpu.pipeline_mode<synchronous>, transform_indices = @transform_9, window_bounds = array<i64: 64, 128>}, {pipeline_mode = #tpu.pipeline_mode<synchronous>, transform_indices = @transform_10, window_bounds = array<i64: 1, 128>}, {transform_indices = @transform_11, window_bounds = array<i64: 2000, 128>}]} {
    %get3A = arith.constant 0 : index
    %get3A_0 = arith.constant 0 : index
    %get3A_1 = vector.load %arg1[%get3A, %get3A_0] : memref<2000x128xf32, #tpu.memory_space<vmem>>, vector<2000x128xf32>
    %get3A_2 = arith.constant 0 : index
    %get3A_3 = arith.constant 0 : index
    %get3A_4 = vector.load %arg4[%get3A_2, %get3A_3] : memref<128x64xf32, #tpu.memory_space<vmem>>, vector<128x64xf32>
    %dot_general3A = arith.constant dense<0.000000e+00> : vector<2000x64xf32>
    %dot_general3A_5 = tpu.matmul %get3A_1, %get3A_4, %dot_general3A {dimension_numbers = #tpu.dot_dimension_numbers<[1], [0], [0], [1], [0, 0, 1, 1], [], []>, transpose_lhs_hint = false} : vector<2000x128xf32>, vector<128x64xf32>, vector<2000x64xf32> -> vector<2000x64xf32>
    %get3A_6 = arith.constant 0 : index
    %get3A_7 = arith.constant 0 : index
    %get3A_8 = vector.load %arg5[%get3A_6, %get3A_7] : memref<1x64xf32, #tpu.memory_space<vmem>>, vector<1x64xf32>
    %add3A = vector.broadcast %get3A_8 : vector<1x64xf32> to vector<2000x64xf32>
    %add3A_9 = arith.addf %dot_general3A_5, %add3A : vector<2000x64xf32>
    %get3A_10 = arith.constant 0 : index
    %get3A_11 = arith.constant 0 : index
    %get3A_12 = vector.load %arg3[%get3A_10, %get3A_11] : memref<2000x64xf32, #tpu.memory_space<vmem>>, vector<2000x64xf32>
    %add3A_13 = arith.addf %get3A_12, %add3A_9 : vector<2000x64xf32>
    %get3A_14 = arith.constant 0 : index
    %get3A_15 = arith.constant 0 : index
    %get3A_16 = vector.load %arg2[%get3A_14, %get3A_15] : memref<2000x64xf32, #tpu.memory_space<vmem>>, vector<2000x64xf32>
    %add3A_17 = arith.addf %add3A_13, %get3A_16 : vector<2000x64xf32>
    %max3A = arith.constant 0.000000e+00 : f32
    %max3A_18 = vector.broadcast %max3A : f32 to vector<2000x64xf32>
    %max3A_19 = arith.maximumf %add3A_17, %max3A_18 : vector<2000x64xf32>
    %get3A_20 = arith.constant 0 : index
    %get3A_21 = arith.constant 0 : index
    %get3A_22 = vector.load %arg6[%get3A_20, %get3A_21] : memref<64x64xf32, #tpu.memory_space<vmem>>, vector<64x64xf32>
    %dot_general3A_23 = arith.constant dense<0.000000e+00> : vector<2000x64xf32>
    %dot_general3A_24 = tpu.matmul %max3A_19, %get3A_22, %dot_general3A_23 {dimension_numbers = #tpu.dot_dimension_numbers<[1], [0], [0], [1], [0, 0, 1, 1], [], []>, transpose_lhs_hint = false} : vector<2000x64xf32>, vector<64x64xf32>, vector<2000x64xf32> -> vector<2000x64xf32>
    %get3A_25 = arith.constant 0 : index
    %get3A_26 = arith.constant 0 : index
    %get3A_27 = vector.load %arg7[%get3A_25, %get3A_26] : memref<1x64xf32, #tpu.memory_space<vmem>>, vector<1x64xf32>
    %add3A_28 = vector.broadcast %get3A_27 : vector<1x64xf32> to vector<2000x64xf32>
    %add3A_29 = arith.addf %dot_general3A_24, %add3A_28 : vector<2000x64xf32>
    %max3A_30 = arith.constant 0.000000e+00 : f32
    %max3A_31 = vector.broadcast %max3A_30 : f32 to vector<2000x64xf32>
    %max3A_32 = arith.maximumf %add3A_29, %max3A_31 : vector<2000x64xf32>
    %get3A_33 = arith.constant 0 : index
    %get3A_34 = arith.constant 0 : index
    %get3A_35 = vector.load %arg8[%get3A_33, %get3A_34] : memref<64x64xf32, #tpu.memory_space<vmem>>, vector<64x64xf32>
    %dot_general3A_36 = arith.constant dense<0.000000e+00> : vector<2000x64xf32>
    %dot_general3A_37 = tpu.matmul %max3A_32, %get3A_35, %dot_general3A_36 {dimension_numbers = #tpu.dot_dimension_numbers<[1], [0], [0], [1], [0, 0, 1, 1], [], []>, transpose_lhs_hint = false} : vector<2000x64xf32>, vector<64x64xf32>, vector<2000x64xf32> -> vector<2000x64xf32>
    %get3A_38 = arith.constant 0 : index
    %get3A_39 = arith.constant 0 : index
    %get3A_40 = vector.load %arg9[%get3A_38, %get3A_39] : memref<1x64xf32, #tpu.memory_space<vmem>>, vector<1x64xf32>
    %add3A_41 = vector.broadcast %get3A_40 : vector<1x64xf32> to vector<2000x64xf32>
    %add3A_42 = arith.addf %dot_general3A_37, %add3A_41 : vector<2000x64xf32>
    %max3A_43 = arith.constant 0.000000e+00 : f32
    %max3A_44 = vector.broadcast %max3A_43 : f32 to vector<2000x64xf32>
    %max3A_45 = arith.maximumf %add3A_42, %max3A_44 : vector<2000x64xf32>
    %get3A_46 = arith.constant 0 : index
    %get3A_47 = arith.constant 0 : index
    %get3A_48 = vector.load %arg10[%get3A_46, %get3A_47] : memref<64x128xf32, #tpu.memory_space<vmem>>, vector<64x128xf32>
    %dot_general3A_49 = arith.constant dense<0.000000e+00> : vector<2000x128xf32>
    %dot_general3A_50 = tpu.matmul %max3A_45, %get3A_48, %dot_general3A_49 {dimension_numbers = #tpu.dot_dimension_numbers<[1], [0], [0], [1], [0, 0, 1, 1], [], []>, transpose_lhs_hint = false} : vector<2000x64xf32>, vector<64x128xf32>, vector<2000x128xf32> -> vector<2000x128xf32>
    %get3A_51 = arith.constant 0 : index
    %get3A_52 = arith.constant 0 : index
    %get3A_53 = vector.load %arg11[%get3A_51, %get3A_52] : memref<1x128xf32, #tpu.memory_space<vmem>>, vector<1x128xf32>
    %add3A_54 = vector.broadcast %get3A_53 : vector<1x128xf32> to vector<2000x128xf32>
    %add3A_55 = arith.addf %dot_general3A_50, %add3A_54 : vector<2000x128xf32>
    %mul3A = arith.mulf %get3A_1, %add3A_55 : vector<2000x128xf32>
    %swap3A = arith.constant 0 : index
    %swap3A_56 = arith.constant 0 : index
    %swap3A_57 = vector.load %arg12[%swap3A, %swap3A_56] : memref<2000x128xf32, #tpu.memory_space<vmem>>, vector<2000x128xf32>
    tpu.vector_store %arg12[%swap3A, %swap3A_56], %mul3A {strides = array<i32>} : memref<2000x128xf32, #tpu.memory_space<vmem>>, vector<2000x128xf32>,
    return
  }
  func.func @transform_0(%arg0: i32) -> (i32, i32) {
    %c0_i32 = arith.constant 0 : i32
    %c0_i32_0 = arith.constant 0 : i32
    return %arg0, %c0_i32 : i32, i32
  }
  func.func @transform_1(%arg0: i32) -> (i32, i32) {
    %c0_i32 = arith.constant 0 : i32
    %c0_i32_0 = arith.constant 0 : i32
    return %arg0, %c0_i32 : i32, i32
  }
  func.func @transform_2(%arg0: i32) -> (i32, i32) {
    %add3A = arith.constant 0 : i32
    %add3A_0 = arith.addi %arg0, %add3A : i32
    %c0_i32 = arith.constant 0 : i32
    %c0_i32_1 = arith.constant 0 : i32
    return %add3A_0, %c0_i32 : i32, i32
  }
  func.func @transform_3(%arg0: i32) -> (i32, i32) {
    %c0_i32 = arith.constant 0 : i32
    %c0_i32_0 = arith.constant 0 : i32
    %c0_i32_1 = arith.constant 0 : i32
    return %c0_i32, %c0_i32_0 : i32, i32
  }
  func.func @transform_4(%arg0: i32) -> (i32, i32) {
    %c0_i32 = arith.constant 0 : i32
    %c0_i32_0 = arith.constant 0 : i32
    %c0_i32_1 = arith.constant 0 : i32
    return %c0_i32, %c0_i32_0 : i32, i32
  }
  func.func @transform_5(%arg0: i32) -> (i32, i32) {
    %c0_i32 = arith.constant 0 : i32
    %c0_i32_0 = arith.constant 0 : i32
    %c0_i32_1 = arith.constant 0 : i32
    return %c0_i32, %c0_i32_0 : i32, i32
  }
  func.func @transform_6(%arg0: i32) -> (i32, i32) {
    %c0_i32 = arith.constant 0 : i32
    %c0_i32_0 = arith.constant 0 : i32
    %c0_i32_1 = arith.constant 0 : i32
    return %c0_i32, %c0_i32_0 : i32, i32
  }
  func.func @transform_7(%arg0: i32) -> (i32, i32) {
    %c0_i32 = arith.constant 0 : i32
    %c0_i32_0 = arith.constant 0 : i32
    %c0_i32_1 = arith.constant 0 : i32
    return %c0_i32, %c0_i32_0 : i32, i32
  }
  func.func @transform_8(%arg0: i32) -> (i32, i32) {
    %c0_i32 = arith.constant 0 : i32
    %c0_i32_0 = arith.constant 0 : i32
    %c0_i32_1 = arith.constant 0 : i32
    return %c0_i32, %c0_i32_0 : i32, i32
  }
  func.func @transform_9(%arg0: i32) -> (i32, i32) {
    %c0_i32 = arith.constant 0 : i32
    %c0_i32_0 = arith.constant 0 : i32
    %c0_i32_1 = arith.constant 0 : i32
    return %c0_i32, %c0_i32_0 : i32, i32
  }
  func.func @transform_10(%arg0: i32) -> (i32, i32) {
    %c0_i32 = arith.constant 0 : i32
    %c0_i32_0 = arith.constant 0 : i32
    %c0_i32_1 = arith.constant 0 : i32
    return %c0_i32, %c0_i32_0 : i32, i32
  }
  func.func @transform_11(%arg0: i32) -> (i32, i32) {
    %c0_i32 = arith.constant 0 : i32
    %c0_i32_0 = arith.constant 0 : i32
    return %arg0, %c0_i32 : i32, i32
  }
}

module attributes {stable_mosaic.version = 14 : i64} {
  func.func @_node_body(%arg0: i32, %arg1: memref<1000x128xf32, #tpu.memory_space<vmem>>, %arg2: memref<1000x128xf32, #tpu.memory_space<vmem>>, %arg3: memref<1000x128xf32, #tpu.memory_space<vmem>>, %arg4: memref<1000x128xf32, #tpu.memory_space<vmem>>, %arg5: memref<1000x128xf32, #tpu.memory_space<vmem>>, %arg6: memref<128x64xf32, #tpu.memory_space<vmem>>, %arg7: memref<1x64xf32, #tpu.memory_space<vmem>>, %arg8: memref<128x64xf32, #tpu.memory_space<vmem>>, %arg9: memref<1x64xf32, #tpu.memory_space<vmem>>, %arg10: memref<64x128xf32, #tpu.memory_space<vmem>>, %arg11: memref<1x128xf32, #tpu.memory_space<vmem>>, %arg12: memref<128x128xf32, #tpu.memory_space<vmem>>, %arg13: memref<1x128xf32, #tpu.memory_space<vmem>>, %arg14: memref<1000x128xf32, #tpu.memory_space<vmem>>) attributes {dimension_semantics = [#tpu.dimension_semantics<arbitrary>], iteration_bounds = array<i64: 10>, scalar_prefetch = 0 : i64, scratch_operands = 0 : i64, tpu.core_type = #tpu.core_type<tc>, window_params = [{transform_indices = @transform_0, window_bounds = array<i64: 1000, 128>}, {transform_indices = @transform_1, window_bounds = array<i64: 1000, 128>}, {transform_indices = @transform_2, window_bounds = array<i64: 1000, 128>}, {transform_indices = @transform_3, window_bounds = array<i64: 1000, 128>}, {transform_indices = @transform_4, window_bounds = array<i64: 1000, 128>}, {pipeline_mode = #tpu.pipeline_mode<synchronous>, transform_indices = @transform_5, window_bounds = array<i64: 128, 64>}, {pipeline_mode = #tpu.pipeline_mode<synchronous>, transform_indices = @transform_6, window_bounds = array<i64: 1, 64>}, {pipeline_mode = #tpu.pipeline_mode<synchronous>, transform_indices = @transform_7, window_bounds = array<i64: 128, 64>}, {pipeline_mode = #tpu.pipeline_mode<synchronous>, transform_indices = @transform_8, window_bounds = array<i64: 1, 64>}, {pipeline_mode = #tpu.pipeline_mode<synchronous>, transform_indices = @transform_9, window_bounds = array<i64: 64, 128>}, {pipeline_mode = #tpu.pipeline_mode<synchronous>, transform_indices = @transform_10, window_bounds = array<i64: 1, 128>}, {pipeline_mode = #tpu.pipeline_mode<synchronous>, transform_indices = @transform_11, window_bounds = array<i64: 128, 128>}, {pipeline_mode = #tpu.pipeline_mode<synchronous>, transform_indices = @transform_12, window_bounds = array<i64: 1, 128>}, {transform_indices = @transform_13, window_bounds = array<i64: 1000, 128>}]} {
    %get3A = arith.constant 0 : index
    %get3A_0 = arith.constant 0 : index
    %get3A_1 = vector.load %arg2[%get3A, %get3A_0] : memref<1000x128xf32, #tpu.memory_space<vmem>>, vector<1000x128xf32>
    %get3A_2 = arith.constant 0 : index
    %get3A_3 = arith.constant 0 : index
    %get3A_4 = vector.load %arg3[%get3A_2, %get3A_3] : memref<1000x128xf32, #tpu.memory_space<vmem>>, vector<1000x128xf32>
    %add3A = arith.addf %get3A_1, %get3A_4 : vector<1000x128xf32>
    %get3A_5 = arith.constant 0 : index
    %get3A_6 = arith.constant 0 : index
    %get3A_7 = vector.load %arg4[%get3A_5, %get3A_6] : memref<1000x128xf32, #tpu.memory_space<vmem>>, vector<1000x128xf32>
    %get3A_8 = arith.constant 0 : index
    %get3A_9 = arith.constant 0 : index
    %get3A_10 = vector.load %arg5[%get3A_8, %get3A_9] : memref<1000x128xf32, #tpu.memory_space<vmem>>, vector<1000x128xf32>
    %add3A_11 = arith.addf %get3A_7, %get3A_10 : vector<1000x128xf32>
    %add3A_12 = arith.addf %add3A, %add3A_11 : vector<1000x128xf32>
    %get3A_13 = arith.constant 0 : index
    %get3A_14 = arith.constant 0 : index
    %get3A_15 = vector.load %arg1[%get3A_13, %get3A_14] : memref<1000x128xf32, #tpu.memory_space<vmem>>, vector<1000x128xf32>
    %get3A_16 = arith.constant 0 : index
    %get3A_17 = arith.constant 0 : index
    %get3A_18 = vector.load %arg6[%get3A_16, %get3A_17] : memref<128x64xf32, #tpu.memory_space<vmem>>, vector<128x64xf32>
    %dot_general3A = arith.constant dense<0.000000e+00> : vector<1000x64xf32>
    %dot_general3A_19 = tpu.matmul %get3A_15, %get3A_18, %dot_general3A {dimension_numbers = #tpu.dot_dimension_numbers<[1], [0], [0], [1], [0, 0, 1, 1], [], []>, transpose_lhs_hint = false} : vector<1000x128xf32>, vector<128x64xf32>, vector<1000x64xf32> -> vector<1000x64xf32>
    %get3A_20 = arith.constant 0 : index
    %get3A_21 = arith.constant 0 : index
    %get3A_22 = vector.load %arg7[%get3A_20, %get3A_21] : memref<1x64xf32, #tpu.memory_space<vmem>>, vector<1x64xf32>
    %add3A_23 = vector.broadcast %get3A_22 : vector<1x64xf32> to vector<1000x64xf32>
    %add3A_24 = arith.addf %dot_general3A_19, %add3A_23 : vector<1000x64xf32>
    %get3A_25 = arith.constant 0 : index
    %get3A_26 = arith.constant 0 : index
    %get3A_27 = vector.load %arg8[%get3A_25, %get3A_26] : memref<128x64xf32, #tpu.memory_space<vmem>>, vector<128x64xf32>
    %dot_general3A_28 = arith.constant dense<0.000000e+00> : vector<1000x64xf32>
    %dot_general3A_29 = tpu.matmul %add3A_12, %get3A_27, %dot_general3A_28 {dimension_numbers = #tpu.dot_dimension_numbers<[1], [0], [0], [1], [0, 0, 1, 1], [], []>, transpose_lhs_hint = false} : vector<1000x128xf32>, vector<128x64xf32>, vector<1000x64xf32> -> vector<1000x64xf32>
    %add3A_30 = arith.addf %add3A_24, %dot_general3A_29 : vector<1000x64xf32>
    %get3A_31 = arith.constant 0 : index
    %get3A_32 = arith.constant 0 : index
    %get3A_33 = vector.load %arg9[%get3A_31, %get3A_32] : memref<1x64xf32, #tpu.memory_space<vmem>>, vector<1x64xf32>
    %add3A_34 = vector.broadcast %get3A_33 : vector<1x64xf32> to vector<1000x64xf32>
    %add3A_35 = arith.addf %add3A_30, %add3A_34 : vector<1000x64xf32>
    %max3A = arith.constant 0.000000e+00 : f32
    %max3A_36 = vector.broadcast %max3A : f32 to vector<1000x64xf32>
    %max3A_37 = arith.maximumf %add3A_35, %max3A_36 : vector<1000x64xf32>
    %get3A_38 = arith.constant 0 : index
    %get3A_39 = arith.constant 0 : index
    %get3A_40 = vector.load %arg10[%get3A_38, %get3A_39] : memref<64x128xf32, #tpu.memory_space<vmem>>, vector<64x128xf32>
    %dot_general3A_41 = arith.constant dense<0.000000e+00> : vector<1000x128xf32>
    %dot_general3A_42 = tpu.matmul %max3A_37, %get3A_40, %dot_general3A_41 {dimension_numbers = #tpu.dot_dimension_numbers<[1], [0], [0], [1], [0, 0, 1, 1], [], []>, transpose_lhs_hint = false} : vector<1000x64xf32>, vector<64x128xf32>, vector<1000x128xf32> -> vector<1000x128xf32>
    %get3A_43 = arith.constant 0 : index
    %get3A_44 = arith.constant 0 : index
    %get3A_45 = vector.load %arg11[%get3A_43, %get3A_44] : memref<1x128xf32, #tpu.memory_space<vmem>>, vector<1x128xf32>
    %add3A_46 = vector.broadcast %get3A_45 : vector<1x128xf32> to vector<1000x128xf32>
    %add3A_47 = arith.addf %dot_general3A_42, %add3A_46 : vector<1000x128xf32>
    %max3A_48 = arith.constant 0.000000e+00 : f32
    %max3A_49 = vector.broadcast %max3A_48 : f32 to vector<1000x128xf32>
    %max3A_50 = arith.maximumf %add3A_47, %max3A_49 : vector<1000x128xf32>
    %get3A_51 = arith.constant 0 : index
    %get3A_52 = arith.constant 0 : index
    %get3A_53 = vector.load %arg12[%get3A_51, %get3A_52] : memref<128x128xf32, #tpu.memory_space<vmem>>, vector<128x128xf32>
    %dot_general3A_54 = arith.constant dense<0.000000e+00> : vector<1000x128xf32>
    %dot_general3A_55 = tpu.matmul %max3A_50, %get3A_53, %dot_general3A_54 {dimension_numbers = #tpu.dot_dimension_numbers<[1], [0], [0], [1], [0, 0, 1, 1], [], []>, transpose_lhs_hint = false} : vector<1000x128xf32>, vector<128x128xf32>, vector<1000x128xf32> -> vector<1000x128xf32>
    %get3A_56 = arith.constant 0 : index
    %get3A_57 = arith.constant 0 : index
    %get3A_58 = vector.load %arg13[%get3A_56, %get3A_57] : memref<1x128xf32, #tpu.memory_space<vmem>>, vector<1x128xf32>
    %add3A_59 = vector.broadcast %get3A_58 : vector<1x128xf32> to vector<1000x128xf32>
    %add3A_60 = arith.addf %dot_general3A_55, %add3A_59 : vector<1000x128xf32>
    %swap3A = arith.constant 0 : index
    %swap3A_61 = arith.constant 0 : index
    %swap3A_62 = vector.load %arg14[%swap3A, %swap3A_61] : memref<1000x128xf32, #tpu.memory_space<vmem>>, vector<1000x128xf32>
    tpu.vector_store %arg14[%swap3A, %swap3A_61], %add3A_60 {strides = array<i32>} : memref<1000x128xf32, #tpu.memory_space<vmem>>, vector<1000x128xf32>,
    return
  }
  func.func @transform_0(%arg0: i32) -> (i32, i32) {
    %c0_i32 = arith.constant 0 : i32
    %c0_i32_0 = arith.constant 0 : i32
    return %arg0, %c0_i32 : i32, i32
  }
  func.func @transform_1(%arg0: i32) -> (i32, i32) {
    %add3A = arith.constant 0 : i32
    %add3A_0 = arith.addi %arg0, %add3A : i32
    %c0_i32 = arith.constant 0 : i32
    %c0_i32_1 = arith.constant 0 : i32
    return %add3A_0, %c0_i32 : i32, i32
  }
  func.func @transform_2(%arg0: i32) -> (i32, i32) {
    %add3A = arith.constant 10 : i32
    %add3A_0 = arith.addi %arg0, %add3A : i32
    %c0_i32 = arith.constant 0 : i32
    %c0_i32_1 = arith.constant 0 : i32
    return %add3A_0, %c0_i32 : i32, i32
  }
  func.func @transform_3(%arg0: i32) -> (i32, i32) {
    %add3A = arith.constant 0 : i32
    %add3A_0 = arith.addi %arg0, %add3A : i32
    %c0_i32 = arith.constant 0 : i32
    %c0_i32_1 = arith.constant 0 : i32
    return %add3A_0, %c0_i32 : i32, i32
  }
  func.func @transform_4(%arg0: i32) -> (i32, i32) {
    %add3A = arith.constant 10 : i32
    %add3A_0 = arith.addi %arg0, %add3A : i32
    %c0_i32 = arith.constant 0 : i32
    %c0_i32_1 = arith.constant 0 : i32
    return %add3A_0, %c0_i32 : i32, i32
  }
  func.func @transform_5(%arg0: i32) -> (i32, i32) {
    %c0_i32 = arith.constant 0 : i32
    %c0_i32_0 = arith.constant 0 : i32
    %c0_i32_1 = arith.constant 0 : i32
    return %c0_i32, %c0_i32_0 : i32, i32
  }
  func.func @transform_6(%arg0: i32) -> (i32, i32) {
    %c0_i32 = arith.constant 0 : i32
    %c0_i32_0 = arith.constant 0 : i32
    %c0_i32_1 = arith.constant 0 : i32
    return %c0_i32, %c0_i32_0 : i32, i32
  }
  func.func @transform_7(%arg0: i32) -> (i32, i32) {
    %c0_i32 = arith.constant 0 : i32
    %c0_i32_0 = arith.constant 0 : i32
    %c0_i32_1 = arith.constant 0 : i32
    return %c0_i32, %c0_i32_0 : i32, i32
  }
  func.func @transform_8(%arg0: i32) -> (i32, i32) {
    %c0_i32 = arith.constant 0 : i32
    %c0_i32_0 = arith.constant 0 : i32
    %c0_i32_1 = arith.constant 0 : i32
    return %c0_i32, %c0_i32_0 : i32, i32
  }
  func.func @transform_9(%arg0: i32) -> (i32, i32) {
    %c0_i32 = arith.constant 0 : i32
    %c0_i32_0 = arith.constant 0 : i32
    %c0_i32_1 = arith.constant 0 : i32
    return %c0_i32, %c0_i32_0 : i32, i32
  }
  func.func @transform_10(%arg0: i32) -> (i32, i32) {
    %c0_i32 = arith.constant 0 : i32
    %c0_i32_0 = arith.constant 0 : i32
    %c0_i32_1 = arith.constant 0 : i32
    return %c0_i32, %c0_i32_0 : i32, i32
  }
  func.func @transform_11(%arg0: i32) -> (i32, i32) {
    %c0_i32 = arith.constant 0 : i32
    %c0_i32_0 = arith.constant 0 : i32
    %c0_i32_1 = arith.constant 0 : i32
    return %c0_i32, %c0_i32_0 : i32, i32
  }
  func.func @transform_12(%arg0: i32) -> (i32, i32) {
    %c0_i32 = arith.constant 0 : i32
    %c0_i32_0 = arith.constant 0 : i32
    %c0_i32_1 = arith.constant 0 : i32
    return %c0_i32, %c0_i32_0 : i32, i32
  }
  func.func @transform_13(%arg0: i32) -> (i32, i32) {
    %c0_i32 = arith.constant 0 : i32
    %c0_i32_0 = arith.constant 0 : i32
    return %arg0, %c0_i32 : i32, i32
  }
}

</mosaic_0001>

<sc_bundles>
// kernel: kernel.10.cloned.1.call-start
scs
__scs_entry_jumppad:
0x0: {  	(pc) =	sbr.rel $0x88, $3  }
0x1: {  	(tag) =	ssettag $0x0;
	lr =	simm.s32 $0x1  }
0x2: {  	[smem:$0x3F8C] =	sst lr;
	_ =	strace $0xD0000000  }
0x3: {  	_ = 	snop  }
0x4: {  	_ = 	snop  }
0x5: {  	_ = 	snop  }
0x6: {  	_ = 	snop  }
0x7: {  	_ = 	snop  }
__scs_overlays_trampoline_lowered:
0x8: {  	[smem:$0x3F9B] =	sst s0  }
0x9: {  	[smem:$0x3F9C] =	sst s1  }
0xa: {  	[smem:$0x3F9D] =	sst s2  }
0xb: {  	[smem:$0x3F9E] =	sst s3  }
0xc: {  	[smem:$0x3F9F] =	sst s4  }
0xd: {  	[smem:$0x3FA0] =	sst s5  }
0xe: {  	[smem:$0x3FA1] =	sst s6  }
0xf: {  	[smem:$0x3FA2] =	sst s7  }
0x10: {  	[smem:$0x3FA3] =	sst s8  }
0x11: {  	[smem:$0x3FA4] =	sst s9;
	s0 =	simm.s32 @!p0 $0x0  }
0x12: {  	s1 =	sld [smem:$0x3F8A];
	s0 =	simm.s32 @p0 $0x1  }
0x13: {  	[smem:$0x3FA5] =	sst s0;
	s0 =	simm.s32 @!p1 $0x0  }
0x14: {  	s2 =	sld [smem:$0x3F89];
	s0 =	simm.s32 @p1 $0x1  }
0x15: {  	[smem:$0x3FA6] =	sst s0;
	s0 =	simm.s32 @!p2 $0x0  }
0x16: {  	s3 =	sld [smem:$0x3FDB];
	s0 =	simm.s32 @p2 $0x1  }
0x17: {  	s4 =	simm.s32 $0x1BF5;
	[smem:$0x3FA8] =	sst s0  }
0x18: {  	s0 =	sld [smem:$0x3F8B];
	_ =	swait.ge [sflag:s4], $0x0  }
0x19: {  	s7 =	sld [smem:$0x3F8C]  }
0x1a: {  	s8 =	sadd.s32 $0xFFFFE003, lr  }
0x1b: {  	s9 =	sadd.s32 $0xFFFFFEF7, lr;
	s5 =	simm.s32 $0xFFFFFFFF;
	p2 =	slt.u32 s8, $0xFFFFF086  }
0x1c: {  	p1 =	slt.u32 s9, $0xF7A;
	s5 =	simm.s32 @!p2 $0x0  }
0x1d: {  	s5 =	simm.s32 @p1 $0x1;
	p0 =	seq.s32 s7, s2  }
0x1e: {  	s7 =	smul.u32 @!p0 $0xF7A, s2;
	p2 =	seq.s32 @!p0 s5, $0x0  }
0x1f: {  	s9 =	smul.u32 $0xF7A, s1;
	s8 =	simm.s32 @!p0 $0x1BF5;
	p2 =	por !p2, p0  }
0x20: {  	[sflag:s8] =	ssyncset.s32 @!p0 $0xFFFFF086;
	s6 =	sadd.s32 @!p0 s3, s7;
	s7 =	simm.s32 @!p0 $0x108  }
0x21: {  	s3 =	sadd.s32 s3, s9;
	s6 =	sadd.s32 @!p0 $0x88, s6;
	s7 =	simm.s32 @p2 $0x1082  }
0x22: {  	[simem:s7], [sflag:s8] =	dma.local @!p0 [hbm:s6], $0xF7A  }
0x23: {  	s9 =	sor.u32 $0xD0000000, s2;
	s6 =	simm.s32 $0x108;
	_ =	swait.ge @!p0 [sflag:s8], $0x0  }
0x24: {  	s3 =	sadd.s32 $0x88, s3;
	s6 =	simm.s32 @!p1 $0x1082;
	[sflag:s4] =	ssyncset.s32 $0xFFFFF086  }
0x25: {  	[simem:s6], [sflag:s4] =	dma.local [hbm:s3], $0xF7A  }
0x26: {  	[smem:$0x3F8C] =	sst s1;
	(tag) =	ssettag s2;
	_ =	strace s9  }
0x27: {  	s1 =	sld [smem:$0x3F9C]  }
0x28: {  	s2 =	sld [smem:$0x3F9D]  }
0x29: {  	s4 =	sld [smem:$0x3F9F]  }
0x2a: {  	p0 =	seq.s32 s5, $0x0;
	s5 =	sld [smem:$0x3FA0]  }
0x2b: {  	s6 =	sld [smem:$0x3FA1]  }
0x2c: {  	s7 =	sld [smem:$0x3FA2]  }
0x2d: {  	s3 =	simm.s32 $0x108;
	s8 =	sld [smem:$0x3FA3]  }
0x2e: {  	s3 =	simm.s32 @!p0 $0x1082;
	s9 =	sld [smem:$0x3FA4]  }
0x2f: {  	lr =	sadd.s32 s0, s3;
	s0 =	sld [smem:$0x3F9B]  }
0x30: {  	s3 =	sld [smem:$0x3F9E]  }
0x31: {  	[smem:$0x3FA7] =	sst s10  }
0x32: {  	s10 =	sld [smem:$0x3FA5];
	_ =	sdelay $0x3  }
0x33: {  	p0 =	seq.s32 s10, $0x1;
	s10 =	sld [smem:$0x3FA7];
	_ =	sdelay $0x3  }
0x34: {  	[smem:$0x3FA7] =	sst s10  }
0x35: {  	s10 =	sld [smem:$0x3FA6];
	_ =	sdelay $0x3  }
0x36: {  	p1 =	seq.s32 s10, $0x1;
	s10 =	sld [smem:$0x3FA7];
	_ =	sdelay $0x3  }
0x37: {  	[smem:$0x3FA7] =	sst s10  }
0x38: {  	s10 =	sld [smem:$0x3FA8]  }
0x39: {  	_ = 	snop;
	(pc) =	sbr.ind lr, $3  }
0x3a: {  	_ = 	snop  }
0x3b: {  	_ = 	snop  }
0x3c: {  	p2 =	seq.s32 s10, $0x1;
	s10 =	sld [smem:$0x3FA7]  }
0x3d: {  	_ =	shalt  }
0x3e: {  	_ =	shalt  }
0x3f: {  	_ =	shalt  }
0x40: {  	_ =	shalt  }
0x41: {  	_ =	shalt  }
0x42: {  	_ =	shalt  }
0x43: {  	_ =	shalt  }
0x44: {  	_ =	shalt  }
0x45: {  	_ =	shalt  }
0x46: {  	_ =	shalt  }
0x47: {  	_ =	shalt  }
0x48: {  	_ =	shalt  }
0x49: {  	_ =	shalt  }
0x4a: {  	_ =	shalt  }
0x4b: {  	_ =	shalt  }
0x4c: {  	_ =	shalt  }
0x4d: {  	_ =	shalt  }
0x4e: {  	_ =	shalt  }
0x4f: {  	_ =	shalt  }
0x50: {  	_ =	shalt  }
0x51: {  	_ =	shalt  }
0x52: {  	_ =	shalt  }
0x53: {  	_ =	shalt  }
0x54: {  	_ =	shalt  }
0x55: {  	_ =	shalt  }
0x56: {  	_ =	shalt  }
0x57: {  	_ =	shalt  }
0x58: {  	_ =	shalt  }
0x59: {  	_ =	shalt  }
0x5a: {  	_ =	shalt  }
0x5b: {  	_ =	shalt  }
0x5c: {  	_ =	shalt  }
0x5d: {  	_ =	shalt  }
0x5e: {  	_ =	shalt  }
0x5f: {  	_ =	shalt  }
0x60: {  	_ =	shalt  }
0x61: {  	_ =	shalt  }
0x62: {  	_ =	shalt  }
0x63: {  	_ =	shalt  }
0x64: {  	_ =	shalt  }
0x65: {  	_ =	shalt  }
0x66: {  	_ =	shalt  }
0x67: {  	_ =	shalt  }
0x68: {  	_ =	shalt  }
0x69: {  	_ =	shalt  }
0x6a: {  	_ =	shalt  }
0x6b: {  	_ =	shalt  }
0x6c: {  	_ =	shalt  }
0x6d: {  	_ =	shalt  }
0x6e: {  	_ =	shalt  }
0x6f: {  	_ =	shalt  }
0x70: {  	_ =	shalt  }
0x71: {  	_ =	shalt  }
0x72: {  	_ =	shalt  }
0x73: {  	_ =	shalt  }
0x74: {  	_ =	shalt  }
0x75: {  	_ =	shalt  }
0x76: {  	_ =	shalt  }
0x77: {  	_ =	shalt  }
0x78: {  	_ =	shalt  }
0x79: {  	_ =	shalt  }
0x7a: {  	_ =	shalt  }
0x7b: {  	_ =	shalt  }
0x7c: {  	_ =	shalt  }
0x7d: {  	_ =	shalt  }
0x7e: {  	_ =	shalt  }
0x7f: {  	_ =	shalt  }
0x80: {  	_ =	shalt  }
0x81: {  	_ =	shalt  }
0x82: {  	_ =	shalt  }
0x83: {  	_ =	shalt  }
0x84: {  	_ =	shalt  }
0x85: {  	_ =	shalt  }
0x86: {  	_ =	shalt  }
0x87: {  	_ =	shalt  }
.Lfunc_end0:
.L_simem_size_0:
called_computation_lowered:
.L_overlay_start_0:
0x88: {  	s2 =	sld [smem:$0x3FD9]  }
0x89: {  	s3 =	sld [smem:$0x3FFE];
	_ =	sdelay $0x1  }
0x8a: {  	s1 =	srdreg.scid  }
0x8b: {  	s0 =	sand.u32 $0x1, s1  }
0x8c: {  	s17 =	sshll.u32 s0, $0xA;
	s2 =	sadd.s32 s3, s2  }
0x8d: {  	s2 =	sadd.s32 s2, s17  }
0x8e: {  	[smem:$0x3FB3] =	sst s2  }
0x8f: {  	_ = 	snop  }
0x90: {  	s18 =	sld [smem:$0x3FC9];
	(tm) =	ssettm $0x1  }
0x91: {  	s19 =	sld [smem:$0x3FFB];
	_ =	sdelay $0x3  }
0x92: {  	_ =	strace s19  }
0x93: {  	s2 =	sld [smem:$0x3FFC];
	_ =	sdelay $0x3  }
0x94: {  	_ =	strace s2  }
0x95: {  	s2 =	sld [smem:$0x3FFD];
	_ =	sdelay $0x3  }
0x96: {  	_ =	strace s2  }
0x97: {  	_ =	strace $0x8FFFFFFF  }
0x98: {  	s20 =	sld [smem:$0x3FDB];
	_ =	sdelay $0x1  }
0x99: {  	s4 =	simm.s32 $_scs_section_size  }
0x9a: {  	s5 =	simm.s32 $_size__tile_overlayer_lowered;
	s6 =	simm.s32 $_tile_overlayer_lowered  }
0x9b: {  	s7 =	simm.s32 $0x1BFF;
	s21 =	sshll.u32 s6, $0x1;
	s4 =	sadd.s32 s4, s20  }
0x9c: {  	s22 =	simm.s32 $0x0;
	s5 =	sshll.u32 s5, $0x1;
	s6 =	sadd.s32 s21, s4  }
0x9d: {  	[timem:s22], [sflag:s7] =	dma.local [hbm:s6], s5  }
0x9e: {  	_ =	swait.ge [sflag:s7], s5  }
0x9f: {  	s5 =	ssub.s32 $0x0, s5;
	[sflag:s7] =	ssyncset.done $0x0  }
0xa0: {  	[sflag:s7] =	ssyncadd.s32 s5;
	_ =	sdelay $0x1  }
0xa1: {  	s23 =	simm.s32 $0x1B8B  }
0xa2: {  	_ =	swait.ge [sflag:s23], $0x1  }
0xa3: {  	[sflag:s23] =	ssyncset.done $0x0  }
0xa4: {  	[sflag:s23] =	ssyncadd.s32 $0xFFFFFFFF  }
0xa5: {  	s5 =	sld [smem:$0x0]  }
0xa6: {  	s6 =	sand.u32 $0xFFFFFFFE, s1  }
0xa7: {  	p0 =	sne.s32 s1, s6  }
0xa8: {  	s6 =	sshll.u32 @p0 s6, $0xE  }
0xa9: {  	s6 =	sadd.s32 @p0 $0x11B8D, s6;
	s7 =	sshll.u32 @p0 s5, $0x11  }
0xaa: {  	s6 =	sor.u32 @p0 s7, s6  }
0xab: {  	[sflag:s6] =	ssyncadd.remote.s32 @p0 $0x1;
	_ =	sdelay $0x1  }
0xac: {  	s6 =	simm.s32 @p0 $0x1B8D  }
0xad: {  	_ =	swait.eq @p0 [sflag:s6], $0x1  }
0xae: {  	[sflag:s6] =	ssyncadd.s32 @p0 $0xFFFFFFFF  }
0xaf: {  	s7 =	sshll.u32 @!p0 s1, $0xE  }
0xb0: {  	s7 =	sor.u32 @!p0 $0x4000, s7;
	s6 =	simm.s32 @!p0 $0x1B8D  }
0xb1: {  	s5 =	sshll.u32 @!p0 s5, $0x11;
	s7 =	sadd.s32 @!p0 $0x11B8D, s7;
	_ =	swait.eq @!p0 [sflag:s6], $0x1  }
0xb2: {  	s5 =	sor.u32 @!p0 s5, s7;
	[sflag:s6] =	ssyncadd.s32 @!p0 $0xFFFFFFFF  }
0xb3: {  	s25 =	simm.s32 $0x1B8E;
	s24 =	sld [smem:$0x3FFE];
	[sflag:s5] =	ssyncadd.remote.s32 @!p0 $0x1  }
0xb4: {  	s26 =	simm.s32 $execute0_lowered;
	[smem:$0x3FD2] =	sst s25  }
0xb5: {  	s6 =	sshll.u32 s26, $0x1;
	_ =	strace $0x80000049;
	[dreg:$0x1] =	wrdreg $0xFFFFFFFF  }
0xb6: {  	s28 =	simm.s32 $_size_execute0_lowered;
	s4 =	sadd.s32 s4, s6;
	[dreg:$0x0] =	wrdreg $0x0  }
0xb7: {  	s6 =	sshll.u32 s28, $0x1;
	[dreg:$0x2] =	wrdreg s4  }
0xb8: {  	[dreg:$0x3] =	wrdreg s6  }
0xb9: {  	[dreg:$0x4] =	wrdreg $0xC0  }
0xba: {  	_ =	task [dreg:s22], $0x5FFFF  }
0xbb: {  	[dreg:$0x1] =	wrdreg $0xFFFFFFFF  }
0xbc: {  	[dreg:$0x0] =	wrdreg $0x60  }
0xbd: {  	[dreg:$0x2] =	wrdreg s18  }
0xbe: {  	[dreg:$0x3] =	wrdreg s24  }
0xbf: {  	[dreg:$0x4] =	wrdreg $0x9  }
0xc0: {  	_ =	task.clear_ibuf [dreg:s22], $0x5FFFF;
	_ =	strace $0x90000049  }
0xc1: {  	s29 =	simm.s32 $0x9;
	_ =	strace $0x8000004B  }
0xc2: {  	_ =	swait.ge [sflag:s29], $0x1  }
0xc3: {  	[sflag:s29] =	ssyncadd.s32 $0xFFFFFFFF  }
0xc4: {  	_ =	strace $0x9000004B  }
0xc5: {  	_ =	sfence  }
0xc6: {  	s30 =	sld [smem:$0x0];
	_ =	sdelay $0x2  }
0xc7: {  	s31 =	sshll.u32 s1, $0xD;
	s1 =	sshrl.u32 s1, $0x2  }
0xc8: {  	s4 =	sand.u32 $0x4000, s31;
	s1 =	sadd.s32 s1, s30  }
0xc9: {  	s0 =	sor.u32 s4, s0;
	s1 =	sshll.u32 s1, $0x11  }
0xca: {  	s0 =	sor.u32 s1, s0  }
0xcb: {  	s0 =	sadd.s32 $0x8F2B, s0  }
0xcc: {  	[sflag:s0] =	ssyncadd.remote.s32 $0x1  }
0xcd: {  	_ =	sfence.sel $0xFFFF  }
0xce: {  	[dreg:$0x0] =	wrdreg $0xFFFFFFFF;
	(pc) =	sbr.abs _section_cstart, $3  }
0xcf: {  	[dreg:$0x1] =	wrdreg $0xFFFFFFFF  }
0xd0: {  	_ =	task.clear_ibuf [dreg:s22], $0x2FFFF;
	_ =	strace $0x9FFFFFFF  }
0xd1: {  	(tm) =	ssettm $0x7FFFFFFF  }
tec
execute0_lowered:
.L_overlay_start_1:
0x0: {  	(tag) =	ssettag $0x1  }
0x1: {  	s2 =	rddreg [dreg:$0x0];
	s1 =	srdreg.scid  }
0x2: {  	s0 =	stileid.u32;
	s5 =	rddreg [dreg:$0x1]  }
0x3: {  	s3 =	simm.s32 $0x0;
	s18 =	simm.s32 $0x4650;
	s14 =	smul.u32 $0x2710, s0  }
0x4: {  	s19 =	simm.s32 $0x1;
	s20 =	simm.s32 $0x7850;
	s16 =	smul.u32 $0x27100, s0  }
0x5: {  	s28 =	simm.s32 $0x0;
	s10 =	sand.u32 $0x1, s1;
	s24 =	smul.u32 $0x13880, s0  }
0x6: {  	s4 =	sshll.u32 s0, $0x1;
	s11 =	sadd.s32 $0x50E200, s5;
	s15 =	smul.u32 $0x1388, s10  }
0x7: {  	[smem:$0x7FF] =	sst s3;
	s13 =	sadd.s32 $0x3D5A00, s5;
	s17 =	smul.u32 $0x13880, s10  }
0x8: {  	s6 =	sor.u32 s10, s4;
	_ =	strace $0x8000004A;
	s29 =	smul.u32 $0x9C40, s10  }
0x9: {  	s4 =	sadd.s32 $0x18800, s5;
	s8 =	ssub.s32 $0x2, s10;
	s7 =	smul.u32 $0x28A, s6  }
0xa: {  	s6 =	smul.u32 $0x1388, s6;
	s21 =	sshrl.u32 s8, $0x1;
	s25 =	sadd.s32 s16, s11  }
0xb: {  	s16 =	simm.s32 $0x1450;
	s12 =	ssub.s32 s8, s21;
	s14 =	sadd.s32 s15, s14  }
0xc: {  	s10 =	sadd.s32 s17, s25;
	s15 =	simm.s32 $0x64;
	s17 =	simm.s32 $0x68  }
0xd: {  	s21 =	simm.s32 $0xAA50;
	s25 =	simm.s32 $0x10E50;
	s7 =	sadd.s32 s7, s5  }
0xe: {  	s9 =	sadd.s32 $0x12C0, s6;
	s23 =	sadd.s32 $0xC8, s14;
	s14 =	sadd.s32 s24, s13  }
0xf: {  	s24 =	simm.s32 $0xF550;
	s6 =	sshll.u32 s9, $0x4;
	s5 =	sadd.s32 $0xE400, s7  }
0x10: {  	s7 =	sadd.s32 $0x4000, s7;
	s22 =	sshll.u32 s9, $0x3;
	s9 =	smax.u32 s12, $0x1  }
0x11: {  	s26 =	sshrl.u32 s23, $0x3;
	s12 =	sadd.s32 s29, s14;
	s14 =	simm.s32 $0x3  }
0x12: {  	s23 =	simm.s32 $0xDC50;
	s6 =	sadd.s32 s11, s6;
	s8 =	sadd.s32 s13, s22  }
0x13: {  	s30 =	sshll.u32 s26, $0x7;
	s31 =	sshll.u32 s26, $0x6;
	s22 =	simm.s32 $0x2  }
0x14: {  	s26 =	simm.s32 $0x12750;
	s11 =	sadd.s32 s30, s11;
	s13 =	sadd.s32 s31, s13  }
.LBB2_1:
0x15: {  	[tilespmem:s3], [sflag:$0x3] =	stream.linear.gather [hbm4b:s5+s3], $0x1450, $0x38;
	[tilespmem:$0x14050] =	vst v63  }
0x16: {  	_ =	swait.ge [sflag:s14], $0x1450  }
0x17: {  	[sflag:s14] =	ssyncset.done $0x0  }
0x18: {  	[sflag:s14] =	ssyncadd.s32 $0xFFFFEBB0  }
0x19: {  	[tilespmem:s16], [sflag:$0x1] =	stream.indirect.gather [hbm4b:s2+s15], $0x80, s3, s15, $0xb8;
	[tilespmem:$0x14050] =	vst v63  }
0x1a: {  	_ = 	snop  }
0x1b: {  	[tilespmem:s18], [sflag:$0x1] =	stream.indirect.gather [hbm4b:s2+s15], $0x80, s17, s15, $0xb8;
	[tilespmem:$0x14050] =	vst v63  }
0x1c: {  	_ =	swait.ge [sflag:s19], $0x3200  }
0x1d: {  	[sflag:s19] =	ssyncset.done $0x0  }
0x1e: {  	[sflag:s19] =	ssyncadd.s32 $0xFFFFCE00  }
0x1f: {  	_ =	swait.ge [sflag:s19], $0x3200  }
0x20: {  	[sflag:s19] =	ssyncset.done $0x0  }
0x21: {  	s29 =	simm.s32 $0xD0;
	[sflag:s19] =	ssyncadd.s32 $0xFFFFCE00  }
0x22: {  	[tilespmem:s20], [sflag:$0x2] =	stream.indirect.gather [hbm4b:s2+s15], $0x80, s29, s15, $0xb8;
	[tilespmem:$0x14050] =	vst v63  }
0x23: {  	s29 =	simm.s32 $0x138  }
0x24: {  	[tilespmem:s21], [sflag:$0x2] =	stream.indirect.gather [hbm4b:s2+s15], $0x80, s29, s15, $0xb8;
	[tilespmem:$0x14050] =	vst v63  }
0x25: {  	_ = 	snop  }
0x26: {  	[hbm4b:s10+s3] =	stream.linear.scatter [tilespmem:s16], [sflag:$0x3], $0x6400, $0x38;
	[tilespmem:$0x14050] =	vst v63  }
0x27: {  	_ =	swait.ge [sflag:s14], $0x6400  }
0x28: {  	[sflag:s14] =	ssyncset.done $0x0  }
0x29: {  	[sflag:s14] =	ssyncadd.s32 $0xFFFF9C00  }
0x2a: {  	_ =	swait.ge [sflag:s22], $0x3200  }
0x2b: {  	[sflag:s22] =	ssyncset.done $0x0  }
0x2c: {  	[sflag:s22] =	ssyncadd.s32 $0xFFFFCE00  }
0x2d: {  	_ =	swait.ge [sflag:s22], $0x3200  }
0x2e: {  	[sflag:s22] =	ssyncset.done $0x0  }
0x2f: {  	s29 =	simm.s32 $0x1A0;
	[sflag:s22] =	ssyncadd.s32 $0xFFFFCE00  }
0x30: {  	[tilespmem:s16], [sflag:$0x1] =	stream.indirect.gather [hbm4b:s2+s15], $0x80, s29, s15, $0xb8;
	[tilespmem:$0x14050] =	vst v63  }
0x31: {  	s29 =	simm.s32 $0x208  }
0x32: {  	[tilespmem:s18], [sflag:$0x1] =	stream.indirect.gather [hbm4b:s2+s15], $0x80, s29, s15, $0xb8;
	[tilespmem:$0x14050] =	vst v63  }
0x33: {  	_ = 	snop  }
0x34: {  	[hbm4b:s11+s3] =	stream.linear.scatter [tilespmem:s20], [sflag:$0x3], $0x6400, $0x38;
	[tilespmem:$0x14050] =	vst v63  }
0x35: {  	s30 =	smov.u32 s10;
	_ =	swait.ge [sflag:s14], $0x6400  }
0x36: {  	s31 =	smov.u32 s11;
	s29 =	simm.s32 $0x680;
	[sflag:s14] =	ssyncset.done $0x0  }
.LBB2_2:
0x37: {  	[sflag:s14] =	ssyncadd.s32 $0xFFFF9C00;
	s30 =	sadd.s32 $0x1900, s30;
	s31 =	sadd.s32 $0x1900, s31  }
0x38: {  	p0 =	sne.s32 s29, $0x4780;
	s1 =	smov.u32 s29;
	s29 =	sadd.s32 $0x680, s29  }
0x39: {  	_ =	swait.ge [sflag:s19], $0x3200  }
0x3a: {  	[sflag:s19] =	ssyncset.done $0x0  }
0x3b: {  	[sflag:s19] =	ssyncadd.s32 $0xFFFFCE00  }
0x3c: {  	_ =	swait.ge [sflag:s19], $0x3200  }
0x3d: {  	s1 =	sshra.s32 s1, $0x2;
	[sflag:s19] =	ssyncset.done $0x0  }
0x3e: {  	s0 =	sadd.s32 $0xD0, s1;
	[sflag:s19] =	ssyncadd.s32 $0xFFFFCE00  }
0x3f: {  	[tilespmem:s20], [sflag:$0x2] =	stream.indirect.gather [hbm4b:s2+s15], $0x80, s0, s15, $0xb8;
	[tilespmem:$0x14050] =	vst v63  }
0x40: {  	s0 =	sadd.s32 $0x138, s1  }
0x41: {  	[tilespmem:s21], [sflag:$0x2] =	stream.indirect.gather [hbm4b:s2+s15], $0x80, s0, s15, $0xb8;
	[tilespmem:$0x14050] =	vst v63  }
0x42: {  	_ = 	snop  }
0x43: {  	[hbm4b:s30+s3] =	stream.linear.scatter [tilespmem:s16], [sflag:$0x3], $0x6400, $0x38;
	[tilespmem:$0x14050] =	vst v63  }
0x44: {  	_ =	swait.ge [sflag:s14], $0x6400  }
0x45: {  	[sflag:s14] =	ssyncset.done $0x0  }
0x46: {  	[sflag:s14] =	ssyncadd.s32 $0xFFFF9C00  }
0x47: {  	_ =	swait.ge [sflag:s22], $0x3200  }
0x48: {  	[sflag:s22] =	ssyncset.done $0x0  }
0x49: {  	[sflag:s22] =	ssyncadd.s32 $0xFFFFCE00  }
0x4a: {  	_ =	swait.ge [sflag:s22], $0x3200  }
0x4b: {  	[sflag:s22] =	ssyncset.done $0x0  }
0x4c: {  	s0 =	sadd.s32 $0x1A0, s1;
	[sflag:s22] =	ssyncadd.s32 $0xFFFFCE00  }
0x4d: {  	[tilespmem:s16], [sflag:$0x1] =	stream.indirect.gather [hbm4b:s2+s15], $0x80, s0, s15, $0xb8;
	[tilespmem:$0x14050] =	vst v63  }
0x4e: {  	s0 =	sadd.s32 $0x208, s1  }
0x4f: {  	[tilespmem:s18], [sflag:$0x1] =	stream.indirect.gather [hbm4b:s2+s15], $0x80, s0, s15, $0xb8;
	[tilespmem:$0x14050] =	vst v63  }
.Ltmp0:
0x50: {  	_ = 	snop;
	(pc) =	sbr.rel @p0 .LBB2_2-.Ltmp0, $4  }
0x51: {  	_ = 	snop  }
0x52: {  	[hbm4b:s31+s3] =	stream.linear.scatter [tilespmem:s20], [sflag:$0x3], $0x6400, $0x38;
	[tilespmem:$0x14050] =	vst v63  }
0x53: {  	_ =	swait.ge [sflag:s14], $0x6400  }
0x54: {  	[sflag:s14] =	ssyncset.done $0x0  }
0x55: {  	[sflag:s14] =	ssyncadd.s32 $0xFFFF9C00  }
0x56: {  	_ =	swait.ge [sflag:s19], $0x3200  }
0x57: {  	[sflag:s19] =	ssyncset.done $0x0  }
0x58: {  	[sflag:s19] =	ssyncadd.s32 $0xFFFFCE00  }
0x59: {  	_ =	swait.ge [sflag:s19], $0x3200  }
0x5a: {  	[sflag:s19] =	ssyncset.done $0x0  }
0x5b: {  	s0 =	simm.s32 $0x0;
	[sflag:s19] =	ssyncadd.s32 $0xFFFFCE00  }
0x5c: {  	[hbm4b:s6+s0] =	stream.linear.scatter [tilespmem:s16], [sflag:$0x3], $0x6400, $0x38;
	[tilespmem:$0x14050] =	vst v63  }
0x5d: {  	_ =	swait.ge [sflag:s14], $0x6400  }
0x5e: {  	[sflag:s14] =	ssyncset.done $0x0  }
0x5f: {  	[sflag:s14] =	ssyncadd.s32 $0xFFFF9C00  }
0x60: {  	[tilespmem:s0], [sflag:$0x3] =	stream.linear.gather [hbm4b:s7+s0], $0x1450, $0x38;
	[tilespmem:$0x14050] =	vst v63  }
0x61: {  	_ =	swait.ge [sflag:s14], $0x1450  }
0x62: {  	[sflag:s14] =	ssyncset.done $0x0  }
0x63: {  	[sflag:s14] =	ssyncadd.s32 $0xFFFFEBB0  }
0x64: {  	[tilespmem:s23], [sflag:$0x1] =	stream.indirect.gather [hbm4b:s4+s15], $0x40, s0, s15, $0xb8;
	[tilespmem:$0x14050] =	vst v63  }
0x65: {  	_ = 	snop  }
0x66: {  	[tilespmem:s24], [sflag:$0x1] =	stream.indirect.gather [hbm4b:s4+s15], $0x40, s17, s15, $0xb8;
	[tilespmem:$0x14050] =	vst v63  }
0x67: {  	_ =	swait.ge [sflag:s19], $0x1900  }
0x68: {  	[sflag:s19] =	ssyncset.done $0x0  }
0x69: {  	[sflag:s19] =	ssyncadd.s32 $0xFFFFE700  }
0x6a: {  	_ =	swait.ge [sflag:s19], $0x1900  }
0x6b: {  	[sflag:s19] =	ssyncset.done $0x0  }
0x6c: {  	s1 =	simm.s32 $0xD0;
	[sflag:s19] =	ssyncadd.s32 $0xFFFFE700  }
0x6d: {  	[tilespmem:s25], [sflag:$0x2] =	stream.indirect.gather [hbm4b:s4+s15], $0x40, s1, s15, $0xb8;
	[tilespmem:$0x14050] =	vst v63  }
0x6e: {  	s1 =	simm.s32 $0x138  }
0x6f: {  	[tilespmem:s26], [sflag:$0x2] =	stream.indirect.gather [hbm4b:s4+s15], $0x40, s1, s15, $0xb8;
	[tilespmem:$0x14050] =	vst v63  }
0x70: {  	_ = 	snop  }
0x71: {  	[hbm4b:s12+s3] =	stream.linear.scatter [tilespmem:s23], [sflag:$0x3], $0x3200, $0x38;
	[tilespmem:$0x14050] =	vst v63  }
0x72: {  	_ =	swait.ge [sflag:s14], $0x3200  }
0x73: {  	[sflag:s14] =	ssyncset.done $0x0  }
0x74: {  	[sflag:s14] =	ssyncadd.s32 $0xFFFFCE00  }
0x75: {  	_ =	swait.ge [sflag:s22], $0x1900  }
0x76: {  	[sflag:s22] =	ssyncset.done $0x0  }
0x77: {  	[sflag:s22] =	ssyncadd.s32 $0xFFFFE700  }
0x78: {  	_ =	swait.ge [sflag:s22], $0x1900  }
0x79: {  	[sflag:s22] =	ssyncset.done $0x0  }
0x7a: {  	s1 =	simm.s32 $0x1A0;
	[sflag:s22] =	ssyncadd.s32 $0xFFFFE700  }
0x7b: {  	[tilespmem:s23], [sflag:$0x1] =	stream.indirect.gather [hbm4b:s4+s15], $0x40, s1, s15, $0xb8;
	[tilespmem:$0x14050] =	vst v63  }
0x7c: {  	s1 =	simm.s32 $0x208  }
0x7d: {  	[tilespmem:s24], [sflag:$0x1] =	stream.indirect.gather [hbm4b:s4+s15], $0x40, s1, s15, $0xb8;
	[tilespmem:$0x14050] =	vst v63  }
0x7e: {  	_ = 	snop  }
0x7f: {  	[hbm4b:s13+s3] =	stream.linear.scatter [tilespmem:s25], [sflag:$0x3], $0x3200, $0x38;
	[tilespmem:$0x14050] =	vst v63  }
0x80: {  	s29 =	simm.s32 $0x680;
	_ =	swait.ge [sflag:s14], $0x3200  }
0x81: {  	s30 =	smov.u32 s12;
	s31 =	smov.u32 s13;
	[sflag:s14] =	ssyncset.done $0x0  }
.LBB2_4:
0x82: {  	[sflag:s14] =	ssyncadd.s32 $0xFFFFCE00;
	s30 =	sadd.s32 $0xC80, s30;
	s31 =	sadd.s32 $0xC80, s31  }
0x83: {  	p0 =	sne.s32 s29, $0x4780;
	s0 =	smov.u32 s29;
	s29 =	sadd.s32 $0x680, s29  }
0x84: {  	_ =	swait.ge [sflag:s19], $0x1900  }
0x85: {  	[sflag:s19] =	ssyncset.done $0x0  }
0x86: {  	[sflag:s19] =	ssyncadd.s32 $0xFFFFE700  }
0x87: {  	_ =	swait.ge [sflag:s19], $0x1900  }
0x88: {  	s0 =	sshra.s32 s0, $0x2;
	[sflag:s19] =	ssyncset.done $0x0  }
0x89: {  	s1 =	sadd.s32 $0xD0, s0;
	[sflag:s19] =	ssyncadd.s32 $0xFFFFE700  }
0x8a: {  	[tilespmem:s25], [sflag:$0x2] =	stream.indirect.gather [hbm4b:s4+s15], $0x40, s1, s15, $0xb8;
	[tilespmem:$0x14050] =	vst v63  }
0x8b: {  	s1 =	sadd.s32 $0x138, s0  }
0x8c: {  	[tilespmem:s26], [sflag:$0x2] =	stream.indirect.gather [hbm4b:s4+s15], $0x40, s1, s15, $0xb8;
	[tilespmem:$0x14050] =	vst v63  }
0x8d: {  	_ = 	snop  }
0x8e: {  	[hbm4b:s30+s3] =	stream.linear.scatter [tilespmem:s23], [sflag:$0x3], $0x3200, $0x38;
	[tilespmem:$0x14050] =	vst v63  }
0x8f: {  	_ =	swait.ge [sflag:s14], $0x3200  }
0x90: {  	[sflag:s14] =	ssyncset.done $0x0  }
0x91: {  	[sflag:s14] =	ssyncadd.s32 $0xFFFFCE00  }
0x92: {  	_ =	swait.ge [sflag:s22], $0x1900  }
0x93: {  	[sflag:s22] =	ssyncset.done $0x0  }
0x94: {  	[sflag:s22] =	ssyncadd.s32 $0xFFFFE700  }
0x95: {  	_ =	swait.ge [sflag:s22], $0x1900  }
0x96: {  	[sflag:s22] =	ssyncset.done $0x0  }
0x97: {  	s1 =	sadd.s32 $0x1A0, s0;
	[sflag:s22] =	ssyncadd.s32 $0xFFFFE700  }
0x98: {  	[tilespmem:s23], [sflag:$0x1] =	stream.indirect.gather [hbm4b:s4+s15], $0x40, s1, s15, $0xb8;
	[tilespmem:$0x14050] =	vst v63  }
0x99: {  	s0 =	sadd.s32 $0x208, s0  }
0x9a: {  	[tilespmem:s24], [sflag:$0x1] =	stream.indirect.gather [hbm4b:s4+s15], $0x40, s0, s15, $0xb8;
	[tilespmem:$0x14050] =	vst v63  }
.Ltmp1:
0x9b: {  	_ = 	snop;
	(pc) =	sbr.rel @p0 .LBB2_4-.Ltmp1, $4  }
0x9c: {  	_ = 	snop  }
0x9d: {  	[hbm4b:s31+s3] =	stream.linear.scatter [tilespmem:s25], [sflag:$0x3], $0x3200, $0x38;
	[tilespmem:$0x14050] =	vst v63  }
0x9e: {  	_ =	swait.ge [sflag:s14], $0x3200  }
0x9f: {  	[sflag:s14] =	ssyncset.done $0x0  }
0xa0: {  	[sflag:s14] =	ssyncadd.s32 $0xFFFFCE00  }
0xa1: {  	_ =	swait.ge [sflag:s19], $0x1900  }
0xa2: {  	[sflag:s19] =	ssyncset.done $0x0  }
0xa3: {  	[sflag:s19] =	ssyncadd.s32 $0xFFFFE700  }
0xa4: {  	s28 =	sadd.s32 $0x1, s28;
	_ =	swait.ge [sflag:s19], $0x1900  }
0xa5: {  	p0 =	sne.s32 s28, s9;
	[sflag:s19] =	ssyncset.done $0x0  }
.Ltmp2:
0xa6: {  	[sflag:s19] =	ssyncadd.s32 $0xFFFFE700;
	(pc) =	sbr.rel @p0 .LBB2_1-.Ltmp2, $4  }
0xa7: {  	[hbm4b:s8+s3] =	stream.linear.scatter [tilespmem:s23], [sflag:$0x3], $0x3200, $0x38;
	[tilespmem:$0x14050] =	vst v63  }
0xa8: {  	_ =	swait.ge [sflag:s14], $0x3200  }
0xa9: {  	[sflag:s14] =	ssyncset.done $0x0  }
0xaa: {  	[sflag:s14] =	ssyncadd.s32 $0xFFFFCE00  }
0xab: {  	_ =	sfence.sel $0x180000  }
0xac: {  	[bflag:$0x0] =	sbarrier.arrive $0xFFFF  }
0xad: {  	_ =	strace $0x9000004A  }
0xae: {  	s0 =	stileid.u32;
	[bflag:$0x2] =	sbarrier.arrive $0xFFFF  }
0xaf: {  	p0 =	sne.s32 s0, $0x0;
	s0 =	rddreg [dreg:$0x2]  }
0xb0: {  	s0 =	sadd.s32 @!p0 $0x100000, s0  }
0xb1: {  	[sflag:s0] =	ssyncadd.tile.s32 @!p0 $0x1;
	_ =	shalt  }
.Lfunc_end2:
_tile_overlayer_lowered:
.L_overlay_start_2:
0xb2: {  	(tag) =	ssettag $0x2  }
0xb3: {  	s0 =	rddreg [dreg:$0x0];
	s2 =	stileid.u32  }
0xb4: {  	s1 =	rddreg [dreg:$0x1];
	p0 =	sne.s32 s2, $0x0  }
0xb5: {  	s3 =	rddreg [dreg:$0x2];
	[bflag:$0x3] =	sbarrier.arrive $0xFFFF;
	s2 =	simm.s32 @!p0 $0x1C03  }
0xb6: {  	[timem:s3], [sflag:s2] =	dma.local @!p0 [hbm:s0], s1  }
0xb7: {  	s0 =	simm.s32 @!p0 $0x3  }
0xb8: {  	_ =	swait.ge @!p0 [sflag:s0], s1  }
0xb9: {  	s1 =	ssub.s32 @!p0 $0x0, s1;
	[sflag:s0] =	ssyncset.done @!p0 $0x0  }
0xba: {  	[sflag:s0] =	ssyncadd.s32 @!p0 s1  }
0xbb: {  	[bflag:$0x3] =	sbarrier.arrive $0xFFFF  }
0xbc: {  	_ =	shalt  }

// kernel: kernel.13.cloned.1.call-start
scs
__scs_entry_jumppad:
0x0: {  	(pc) =	sbr.rel $0x88, $3  }
0x1: {  	(tag) =	ssettag $0x0;
	lr =	simm.s32 $0x1  }
0x2: {  	[smem:$0x3F8C] =	sst lr;
	_ =	strace $0xD0000000  }
0x3: {  	_ = 	snop  }
0x4: {  	_ = 	snop  }
0x5: {  	_ = 	snop  }
0x6: {  	_ = 	snop  }
0x7: {  	_ = 	snop  }
__scs_overlays_trampoline_lowered:
0x8: {  	[smem:$0x3F9B] =	sst s0  }
0x9: {  	[smem:$0x3F9C] =	sst s1  }
0xa: {  	[smem:$0x3F9D] =	sst s2  }
0xb: {  	[smem:$0x3F9E] =	sst s3  }
0xc: {  	[smem:$0x3F9F] =	sst s4  }
0xd: {  	[smem:$0x3FA0] =	sst s5  }
0xe: {  	[smem:$0x3FA1] =	sst s6  }
0xf: {  	[smem:$0x3FA2] =	sst s7  }
0x10: {  	[smem:$0x3FA3] =	sst s8  }
0x11: {  	[smem:$0x3FA4] =	sst s9;
	s0 =	simm.s32 @!p0 $0x0  }
0x12: {  	s1 =	sld [smem:$0x3F8A];
	s0 =	simm.s32 @p0 $0x1  }
0x13: {  	[smem:$0x3FA5] =	sst s0;
	s0 =	simm.s32 @!p1 $0x0  }
0x14: {  	s2 =	sld [smem:$0x3F89];
	s0 =	simm.s32 @p1 $0x1  }
0x15: {  	[smem:$0x3FA6] =	sst s0;
	s0 =	simm.s32 @!p2 $0x0  }
0x16: {  	s3 =	sld [smem:$0x3FDB];
	s0 =	simm.s32 @p2 $0x1  }
0x17: {  	s4 =	simm.s32 $0x1BF5;
	[smem:$0x3FA8] =	sst s0  }
0x18: {  	s0 =	sld [smem:$0x3F8B];
	_ =	swait.ge [sflag:s4], $0x0  }
0x19: {  	s7 =	sld [smem:$0x3F8C]  }
0x1a: {  	s8 =	sadd.s32 $0xFFFFE003, lr  }
0x1b: {  	s9 =	sadd.s32 $0xFFFFFEF7, lr;
	s5 =	simm.s32 $0xFFFFFFFF;
	p2 =	slt.u32 s8, $0xFFFFF086  }
0x1c: {  	p1 =	slt.u32 s9, $0xF7A;
	s5 =	simm.s32 @!p2 $0x0  }
0x1d: {  	s5 =	simm.s32 @p1 $0x1;
	p0 =	seq.s32 s7, s2  }
0x1e: {  	s7 =	smul.u32 @!p0 $0xF7A, s2;
	p2 =	seq.s32 @!p0 s5, $0x0  }
0x1f: {  	s9 =	smul.u32 $0xF7A, s1;
	s8 =	simm.s32 @!p0 $0x1BF5;
	p2 =	por !p2, p0  }
0x20: {  	[sflag:s8] =	ssyncset.s32 @!p0 $0xFFFFF086;
	s6 =	sadd.s32 @!p0 s3, s7;
	s7 =	simm.s32 @!p0 $0x108  }
0x21: {  	s3 =	sadd.s32 s3, s9;
	s6 =	sadd.s32 @!p0 $0x88, s6;
	s7 =	simm.s32 @p2 $0x1082  }
0x22: {  	[simem:s7], [sflag:s8] =	dma.local @!p0 [hbm:s6], $0xF7A  }
0x23: {  	s9 =	sor.u32 $0xD0000000, s2;
	s6 =	simm.s32 $0x108;
	_ =	swait.ge @!p0 [sflag:s8], $0x0  }
0x24: {  	s3 =	sadd.s32 $0x88, s3;
	s6 =	simm.s32 @!p1 $0x1082;
	[sflag:s4] =	ssyncset.s32 $0xFFFFF086  }
0x25: {  	[simem:s6], [sflag:s4] =	dma.local [hbm:s3], $0xF7A  }
0x26: {  	[smem:$0x3F8C] =	sst s1;
	(tag) =	ssettag s2;
	_ =	strace s9  }
0x27: {  	s1 =	sld [smem:$0x3F9C]  }
0x28: {  	s2 =	sld [smem:$0x3F9D]  }
0x29: {  	s4 =	sld [smem:$0x3F9F]  }
0x2a: {  	p0 =	seq.s32 s5, $0x0;
	s5 =	sld [smem:$0x3FA0]  }
0x2b: {  	s6 =	sld [smem:$0x3FA1]  }
0x2c: {  	s7 =	sld [smem:$0x3FA2]  }
0x2d: {  	s3 =	simm.s32 $0x108;
	s8 =	sld [smem:$0x3FA3]  }
0x2e: {  	s3 =	simm.s32 @!p0 $0x1082;
	s9 =	sld [smem:$0x3FA4]  }
0x2f: {  	lr =	sadd.s32 s0, s3;
	s0 =	sld [smem:$0x3F9B]  }
0x30: {  	s3 =	sld [smem:$0x3F9E]  }
0x31: {  	[smem:$0x3FA7] =	sst s10  }
0x32: {  	s10 =	sld [smem:$0x3FA5];
	_ =	sdelay $0x3  }
0x33: {  	p0 =	seq.s32 s10, $0x1;
	s10 =	sld [smem:$0x3FA7];
	_ =	sdelay $0x3  }
0x34: {  	[smem:$0x3FA7] =	sst s10  }
0x35: {  	s10 =	sld [smem:$0x3FA6];
	_ =	sdelay $0x3  }
0x36: {  	p1 =	seq.s32 s10, $0x1;
	s10 =	sld [smem:$0x3FA7];
	_ =	sdelay $0x3  }
0x37: {  	[smem:$0x3FA7] =	sst s10  }
0x38: {  	s10 =	sld [smem:$0x3FA8]  }
0x39: {  	_ = 	snop;
	(pc) =	sbr.ind lr, $3  }
0x3a: {  	_ = 	snop  }
0x3b: {  	_ = 	snop  }
0x3c: {  	p2 =	seq.s32 s10, $0x1;
	s10 =	sld [smem:$0x3FA7]  }
0x3d: {  	_ =	shalt  }
0x3e: {  	_ =	shalt  }
0x3f: {  	_ =	shalt  }
0x40: {  	_ =	shalt  }
0x41: {  	_ =	shalt  }
0x42: {  	_ =	shalt  }
0x43: {  	_ =	shalt  }
0x44: {  	_ =	shalt  }
0x45: {  	_ =	shalt  }
0x46: {  	_ =	shalt  }
0x47: {  	_ =	shalt  }
0x48: {  	_ =	shalt  }
0x49: {  	_ =	shalt  }
0x4a: {  	_ =	shalt  }
0x4b: {  	_ =	shalt  }
0x4c: {  	_ =	shalt  }
0x4d: {  	_ =	shalt  }
0x4e: {  	_ =	shalt  }
0x4f: {  	_ =	shalt  }
0x50: {  	_ =	shalt  }
0x51: {  	_ =	shalt  }
0x52: {  	_ =	shalt  }
0x53: {  	_ =	shalt  }
0x54: {  	_ =	shalt  }
0x55: {  	_ =	shalt  }
0x56: {  	_ =	shalt  }
0x57: {  	_ =	shalt  }
0x58: {  	_ =	shalt  }
0x59: {  	_ =	shalt  }
0x5a: {  	_ =	shalt  }
0x5b: {  	_ =	shalt  }
0x5c: {  	_ =	shalt  }
0x5d: {  	_ =	shalt  }
0x5e: {  	_ =	shalt  }
0x5f: {  	_ =	shalt  }
0x60: {  	_ =	shalt  }
0x61: {  	_ =	shalt  }
0x62: {  	_ =	shalt  }
0x63: {  	_ =	shalt  }
0x64: {  	_ =	shalt  }
0x65: {  	_ =	shalt  }
0x66: {  	_ =	shalt  }
0x67: {  	_ =	shalt  }
0x68: {  	_ =	shalt  }
0x69: {  	_ =	shalt  }
0x6a: {  	_ =	shalt  }
0x6b: {  	_ =	shalt  }
0x6c: {  	_ =	shalt  }
0x6d: {  	_ =	shalt  }
0x6e: {  	_ =	shalt  }
0x6f: {  	_ =	shalt  }
0x70: {  	_ =	shalt  }
0x71: {  	_ =	shalt  }
0x72: {  	_ =	shalt  }
0x73: {  	_ =	shalt  }
0x74: {  	_ =	shalt  }
0x75: {  	_ =	shalt  }
0x76: {  	_ =	shalt  }
0x77: {  	_ =	shalt  }
0x78: {  	_ =	shalt  }
0x79: {  	_ =	shalt  }
0x7a: {  	_ =	shalt  }
0x7b: {  	_ =	shalt  }
0x7c: {  	_ =	shalt  }
0x7d: {  	_ =	shalt  }
0x7e: {  	_ =	shalt  }
0x7f: {  	_ =	shalt  }
0x80: {  	_ =	shalt  }
0x81: {  	_ =	shalt  }
0x82: {  	_ =	shalt  }
0x83: {  	_ =	shalt  }
0x84: {  	_ =	shalt  }
0x85: {  	_ =	shalt  }
0x86: {  	_ =	shalt  }
0x87: {  	_ =	shalt  }
.Lfunc_end0:
.L_simem_size_0:
called_computation.1_lowered:
.L_overlay_start_0:
0x88: {  	s2 =	sld [smem:$0x3FD9]  }
0x89: {  	s3 =	sld [smem:$0x3FFE];
	_ =	sdelay $0x1  }
0x8a: {  	s1 =	srdreg.scid  }
0x8b: {  	s0 =	sand.u32 $0x1, s1  }
0x8c: {  	s17 =	sshll.u32 s0, $0xA;
	s2 =	sadd.s32 s3, s2  }
0x8d: {  	s2 =	sadd.s32 s2, s17  }
0x8e: {  	[smem:$0x3FB3] =	sst s2  }
0x8f: {  	_ = 	snop  }
0x90: {  	s18 =	sld [smem:$0x3FD0];
	(tm) =	ssettm $0x1  }
0x91: {  	s19 =	sld [smem:$0x3FFB];
	_ =	sdelay $0x3  }
0x92: {  	_ =	strace s19  }
0x93: {  	s2 =	sld [smem:$0x3FFC];
	_ =	sdelay $0x3  }
0x94: {  	_ =	strace s2  }
0x95: {  	s2 =	sld [smem:$0x3FFD];
	_ =	sdelay $0x3  }
0x96: {  	_ =	strace s2  }
0x97: {  	_ =	strace $0x8FFFFFFF  }
0x98: {  	s20 =	sld [smem:$0x3FDB];
	_ =	sdelay $0x1  }
0x99: {  	s4 =	simm.s32 $_scs_section_size  }
0x9a: {  	s5 =	simm.s32 $_size__tile_overlayer_lowered;
	s6 =	simm.s32 $_tile_overlayer_lowered  }
0x9b: {  	s7 =	simm.s32 $0x1BFF;
	s21 =	sshll.u32 s6, $0x1;
	s4 =	sadd.s32 s4, s20  }
0x9c: {  	s22 =	simm.s32 $0x0;
	s5 =	sshll.u32 s5, $0x1;
	s6 =	sadd.s32 s21, s4  }
0x9d: {  	[timem:s22], [sflag:s7] =	dma.local [hbm:s6], s5  }
0x9e: {  	_ =	swait.ge [sflag:s7], s5  }
0x9f: {  	s5 =	ssub.s32 $0x0, s5;
	[sflag:s7] =	ssyncset.done $0x0  }
0xa0: {  	[sflag:s7] =	ssyncadd.s32 s5;
	_ =	sdelay $0x1  }
0xa1: {  	s23 =	simm.s32 $0x1B8B  }
0xa2: {  	_ =	swait.ge [sflag:s23], $0x1  }
0xa3: {  	[sflag:s23] =	ssyncset.done $0x0  }
0xa4: {  	[sflag:s23] =	ssyncadd.s32 $0xFFFFFFFF  }
0xa5: {  	s5 =	sld [smem:$0x0]  }
0xa6: {  	s6 =	sand.u32 $0xFFFFFFFE, s1  }
0xa7: {  	p0 =	sne.s32 s1, s6  }
0xa8: {  	s6 =	sshll.u32 @p0 s6, $0xE  }
0xa9: {  	s6 =	sadd.s32 @p0 $0x11B8D, s6;
	s7 =	sshll.u32 @p0 s5, $0x11  }
0xaa: {  	s6 =	sor.u32 @p0 s7, s6  }
0xab: {  	[sflag:s6] =	ssyncadd.remote.s32 @p0 $0x1;
	_ =	sdelay $0x1  }
0xac: {  	s6 =	simm.s32 @p0 $0x1B8D  }
0xad: {  	_ =	swait.eq @p0 [sflag:s6], $0x1  }
0xae: {  	[sflag:s6] =	ssyncadd.s32 @p0 $0xFFFFFFFF  }
0xaf: {  	s7 =	sshll.u32 @!p0 s1, $0xE  }
0xb0: {  	s7 =	sor.u32 @!p0 $0x4000, s7;
	s6 =	simm.s32 @!p0 $0x1B8D  }
0xb1: {  	s5 =	sshll.u32 @!p0 s5, $0x11;
	s7 =	sadd.s32 @!p0 $0x11B8D, s7;
	_ =	swait.eq @!p0 [sflag:s6], $0x1  }
0xb2: {  	s5 =	sor.u32 @!p0 s5, s7;
	[sflag:s6] =	ssyncadd.s32 @!p0 $0xFFFFFFFF  }
0xb3: {  	s25 =	simm.s32 $0x1B8E;
	s24 =	sld [smem:$0x3FFE];
	[sflag:s5] =	ssyncadd.remote.s32 @!p0 $0x1  }
0xb4: {  	s26 =	simm.s32 $execute0_lowered;
	[smem:$0x3FD2] =	sst s25  }
0xb5: {  	s6 =	sshll.u32 s26, $0x1;
	_ =	strace $0x8000004F;
	[dreg:$0x1] =	wrdreg $0xFFFFFFFF  }
0xb6: {  	s28 =	simm.s32 $_size_execute0_lowered;
	s4 =	sadd.s32 s4, s6;
	[dreg:$0x0] =	wrdreg $0x0  }
0xb7: {  	s6 =	sshll.u32 s28, $0x1;
	[dreg:$0x2] =	wrdreg s4  }
0xb8: {  	[dreg:$0x3] =	wrdreg s6  }
0xb9: {  	[dreg:$0x4] =	wrdreg $0xC0  }
0xba: {  	_ =	task [dreg:s22], $0x5FFFF  }
0xbb: {  	[dreg:$0x1] =	wrdreg $0xFFFFFFFF  }
0xbc: {  	[dreg:$0x0] =	wrdreg $0x60  }
0xbd: {  	[dreg:$0x2] =	wrdreg s24  }
0xbe: {  	[dreg:$0x3] =	wrdreg s18  }
0xbf: {  	[dreg:$0x4] =	wrdreg $0x0  }
0xc0: {  	[dreg:$0x5] =	wrdreg $0x9  }
0xc1: {  	_ =	task.clear_ibuf [dreg:s22], $0x6FFFF;
	_ =	strace $0x9000004F  }
0xc2: {  	s29 =	simm.s32 $0x9;
	_ =	strace $0x80000051  }
0xc3: {  	_ =	swait.ge [sflag:s29], $0x1  }
0xc4: {  	[sflag:s29] =	ssyncadd.s32 $0xFFFFFFFF  }
0xc5: {  	_ =	strace $0x90000051  }
0xc6: {  	_ =	sfence  }
0xc7: {  	s30 =	sld [smem:$0x0];
	_ =	sdelay $0x2  }
0xc8: {  	s31 =	sshll.u32 s1, $0xD;
	s1 =	sshrl.u32 s1, $0x2  }
0xc9: {  	s4 =	sand.u32 $0x4000, s31;
	s1 =	sadd.s32 s1, s30  }
0xca: {  	s0 =	sor.u32 s4, s0;
	s1 =	sshll.u32 s1, $0x11  }
0xcb: {  	s0 =	sor.u32 s1, s0  }
0xcc: {  	s0 =	sadd.s32 $0x8F2B, s0  }
0xcd: {  	[sflag:s0] =	ssyncadd.remote.s32 $0x1  }
0xce: {  	_ =	sfence.sel $0xFFFF  }
0xcf: {  	[dreg:$0x0] =	wrdreg $0xFFFFFFFF;
	(pc) =	sbr.abs _section_cstart, $3  }
0xd0: {  	[dreg:$0x1] =	wrdreg $0xFFFFFFFF  }
0xd1: {  	_ =	task.clear_ibuf [dreg:s22], $0x2FFFF;
	_ =	strace $0x9FFFFFFF  }
0xd2: {  	(tm) =	ssettm $0x7FFFFFFF  }
0xd3: {  	_ =	shalt  }
tec
execute0_lowered:
.L_overlay_start_1:
0x0: {  	(tag) =	ssettag $0x1  }
0x1: {  	s4 =	rddreg [dreg:$0x0]  }
0x2: {  	s5 =	rddreg [dreg:$0x1]  }
0x3: {  	s2 =	rddreg [dreg:$0x2]  }
0x4: {  	s0 =	rddreg [dreg:$0x3]  }
0x5: {  	s3 =	simm.s32 $0x0;
	s6 =	srdreg.scid;
	s1 =	stileid.u32  }
0x6: {  	s14 =	simm.s32 $0x17880;
	s15 =	simm.s32 $0x1;
	s16 =	simm.s32 $0x18C80  }
0x7: {  	s17 =	simm.s32 $0x28;
	s18 =	simm.s32 $0x2;
	s19 =	simm.s32 $0x17680  }
0x8: {  	s20 =	simm.s32 $0x0;
	s7 =	sand.u32 $0x1, s6;
	s8 =	smul.u32 $0x3E80, s1  }
0x9: {  	s25 =	sshll.u32 s1, $0x1;
	[smem:$0x7FF] =	sst s3;
	s13 =	smul.u32 $0x7D000, s1  }
0xa: {  	s10 =	sadd.s32 $0x275000, s4;
	s29 =	smul.u32 $0x27100, s1;
	p0 =	sgt.u32 s1, $0x9  }
0xb: {  	s6 =	sor.u32 s7, s25;
	s9 =	smul.u32 $0x27100, s7;
	_ =	strace $0x80000050  }
0xc: {  	s12 =	ssub.s32 $0x2, s7;
	s30 =	smul.u32 $0x13880, s7;
	s11 =	sshll.u32 s6, $0xB  }
0xd: {  	s26 =	sshrl.u32 s12, $0x1;
	s28 =	sshrl.u32 s13, $0x2;
	s6 =	smul.u32 $0x13880, s6  }
0xe: {  	s31 =	sadd.s32 s29, s10;
	s9 =	sadd.s32 s8, s9;
	s11 =	sadd.s32 s11, s4  }
0xf: {  	s12 =	ssub.s32 s12, s26;
	s13 =	sadd.s32 s28, s2;
	s9 =	sadd.s32 s9, s4  }
0x10: {  	s4 =	sadd.s32 s5, s8;
	s5 =	sadd.s32 $0x77F200, s11;
	s6 =	sadd.s32 s10, s6  }
0x11: {  	s8 =	smax.u32 s12, $0x1;
	s10 =	sshll.u32 @!p0 s1, $0x6;
	s11 =	sshrl.u32 @!p0 s13, $0x3  }
0x12: {  	s12 =	simm.s32 $0x13880;
	s7 =	sadd.s32 $0xCCF400, s9;
	s9 =	sadd.s32 s30, s31  }
0x13: {  	s13 =	simm.s32 $0x3;
	s10 =	sor.u32 @!p0 $0x1C03, s10;
	s9 =	sadd.s32 $0x500, s9  }
.LBB2_1:
0x14: {  	[spmem:s11], [sflag:s10] =	dma.local @!p0 [hbm:s4], $0x3E80  }
0x15: {  	s21 =	simm.s32 @!p0 $0x3  }
0x16: {  	_ =	swait.ge @!p0 [sflag:s21], $0x3E80  }
0x17: {  	[sflag:s21] =	ssyncset.done @!p0 $0x0  }
0x18: {  	[sflag:s21] =	ssyncadd.s32 @!p0 $0xFFFFC180  }
0x19: {  	[tilespmem:s12], [sflag:$0x3] =	stream.linear.gather [hbm4b:s5+s3], $0x3E80, $0x38;
	[tilespmem:$0x1A080] =	vst v63  }
0x1a: {  	_ =	swait.ge [sflag:s13], $0x3E80  }
0x1b: {  	[sflag:s13] =	ssyncset.done $0x0  }
0x1c: {  	[sflag:s13] =	ssyncadd.s32 $0xFFFFC180  }
0x1d: {  	[bflag:$0x0] =	sbarrier.arrive $0xFFFF  }
0x1e: {  	[tilespmem:s14], [sflag:$0x1] =	stream.linear.gather [hbm4b:s6+s3], $0x1400, $0x38;
	[tilespmem:$0x1A080] =	vst v63  }
0x1f: {  	_ =	swait.ge [sflag:s15], $0x1400  }
0x20: {  	[sflag:s15] =	ssyncset.done $0x0  }
0x21: {  	s29 =	sadd.s32 $0xFFFFFD80, s9;
	[sflag:s15] =	ssyncadd.s32 $0xFFFFEC00  }
0x22: {  	[tilespmem:s16], [sflag:$0x2] =	stream.linear.gather [hbm4b:s29+s3], $0x1400, $0x38;
	[tilespmem:$0x1A080] =	vst v63  }
0x23: {  	s30 =	simm.s32 $0x13880  }
0x24: {  	[spmem:s2] =	stream.indirect.scatter.add.f32 [tilespmem:s14], [sflag:$0x3], $0x80, s30, s17, $0xb8;
	[tilespmem:$0x1A080] =	vst v63  }
0x25: {  	_ =	swait.ge [sflag:s13], $0x1400  }
0x26: {  	[sflag:s13] =	ssyncset.done $0x0  }
0x27: {  	[sflag:s13] =	ssyncadd.s32 $0xFFFFEC00  }
0x28: {  	_ =	swait.ge [sflag:s18], $0x1400  }
0x29: {  	[sflag:s18] =	ssyncset.done $0x0  }
0x2a: {  	[sflag:s18] =	ssyncadd.s32 $0xFFFFEC00  }
0x2b: {  	[tilespmem:s14], [sflag:$0x1] =	stream.linear.gather [hbm4b:s9+s3], $0x1400, $0x38;
	[tilespmem:$0x1A080] =	vst v63  }
0x2c: {  	s31 =	simm.s32 $0x13900  }
0x2d: {  	[spmem:s2] =	stream.indirect.scatter.add.f32 [tilespmem:s16], [sflag:$0x3], $0x80, s31, s17, $0xb8;
	[tilespmem:$0x1A080] =	vst v63  }
0x2e: {  	_ =	swait.ge [sflag:s13], $0x1400  }
0x2f: {  	s22 =	smov.u32 s9;
	s21 =	simm.s32 $0x400;
	[sflag:s13] =	ssyncset.done $0x0  }
.LBB2_2:
0x30: {  	p1 =	sne.s32 s21, $0xF400;
	[sflag:s13] =	ssyncadd.s32 $0xFFFFEC00;
	s22 =	sadd.s32 $0x500, s22  }
0x31: {  	s23 =	smov.u32 s21;
	s21 =	sadd.s32 $0x400, s21  }
0x32: {  	_ =	swait.ge [sflag:s15], $0x1400  }
0x33: {  	[sflag:s15] =	ssyncset.done $0x0  }
0x34: {  	s24 =	sadd.s32 $0xFFFFFD80, s22;
	s23 =	sshra.s32 s23, $0x2;
	[sflag:s15] =	ssyncadd.s32 $0xFFFFEC00  }
0x35: {  	[tilespmem:s16], [sflag:$0x2] =	stream.linear.gather [hbm4b:s24+s3], $0x1400, $0x38;
	[tilespmem:$0x1A080] =	vst v63  }
0x36: {  	s24 =	sadd.s32 $0x13880, s23  }
0x37: {  	[spmem:s2] =	stream.indirect.scatter.add.f32 [tilespmem:s14], [sflag:$0x3], $0x80, s24, s17, $0xb8;
	[tilespmem:$0x1A080] =	vst v63  }
0x38: {  	_ =	swait.ge [sflag:s13], $0x1400  }
0x39: {  	[sflag:s13] =	ssyncset.done $0x0  }
0x3a: {  	[sflag:s13] =	ssyncadd.s32 $0xFFFFEC00  }
0x3b: {  	_ =	swait.ge [sflag:s18], $0x1400  }
0x3c: {  	[sflag:s18] =	ssyncset.done $0x0  }
0x3d: {  	[sflag:s18] =	ssyncadd.s32 $0xFFFFEC00  }
0x3e: {  	[tilespmem:s14], [sflag:$0x1] =	stream.linear.gather [hbm4b:s22+s3], $0x1400, $0x38;
	[tilespmem:$0x1A080] =	vst v63  }
.Ltmp0:
0x3f: {  	_ = 	snop;
	(pc) =	sbr.rel @p1 .LBB2_2-.Ltmp0, $4  }
0x40: {  	s23 =	sadd.s32 $0x13900, s23  }
0x41: {  	[spmem:s2] =	stream.indirect.scatter.add.f32 [tilespmem:s16], [sflag:$0x3], $0x80, s23, s17, $0xb8;
	[tilespmem:$0x1A080] =	vst v63  }
0x42: {  	_ =	swait.ge [sflag:s13], $0x1400  }
0x43: {  	[sflag:s13] =	ssyncset.done $0x0  }
0x44: {  	[sflag:s13] =	ssyncadd.s32 $0xFFFFEC00  }
0x45: {  	_ =	swait.ge [sflag:s15], $0x1400  }
0x46: {  	[sflag:s15] =	ssyncset.done $0x0  }
0x47: {  	[sflag:s15] =	ssyncadd.s32 $0xFFFFEC00  }
0x48: {  	[spmem:s2] =	stream.indirect.scatter.add.f32 [tilespmem:s14], [sflag:$0x3], $0x80, s19, s17, $0xb8;
	[tilespmem:$0x1A080] =	vst v63  }
0x49: {  	_ =	swait.ge [sflag:s13], $0x1400  }
0x4a: {  	s20 =	sadd.s32 $0x1, s20;
	[sflag:s13] =	ssyncset.done $0x0  }
0x4b: {  	p1 =	sne.s32 s20, s8;
	[sflag:s13] =	ssyncadd.s32 $0xFFFFEC00  }
.Ltmp1:
0x4c: {  	s21 =	simm.s32 @!p0 $0x3;
	[bflag:$0x0] =	sbarrier.arrive $0xFFFF;
	(pc) =	sbr.rel @p1 .LBB2_1-.Ltmp1, $4  }
0x4d: {  	[hbm:s7], [sflag:s10] =	dma.local @!p0 [spmem:s11], $0x3E80  }
0x4e: {  	_ =	swait.ge @!p0 [sflag:s21], $0x3E80  }
0x4f: {  	[sflag:s21] =	ssyncset.done @!p0 $0x0  }
0x50: {  	[sflag:s21] =	ssyncadd.s32 @!p0 $0xFFFFC180  }
0x51: {  	_ =	sfence.sel $0x180000  }
0x52: {  	[bflag:$0x0] =	sbarrier.arrive $0xFFFF  }
0x53: {  	p0 =	sne.s32 s1, $0x0;
	_ =	strace $0x90000050  }
0x54: {  	s0 =	sadd.s32 @!p0 $0x100000, s0;
	[bflag:$0x2] =	sbarrier.arrive $0xFFFF  }
0x55: {  	[sflag:s0] =	ssyncadd.tile.s32 @!p0 $0x1;
	_ =	shalt  }
.Lfunc_end2:
_tile_overlayer_lowered:
.L_overlay_start_2:
0x56: {  	(tag) =	ssettag $0x2  }
0x57: {  	s0 =	rddreg [dreg:$0x0];
	s2 =	stileid.u32  }
0x58: {  	s1 =	rddreg [dreg:$0x1];
	p0 =	sne.s32 s2, $0x0  }
0x59: {  	s3 =	rddreg [dreg:$0x2];
	[bflag:$0x3] =	sbarrier.arrive $0xFFFF;
	s2 =	simm.s32 @!p0 $0x1C03  }
0x5a: {  	[timem:s3], [sflag:s2] =	dma.local @!p0 [hbm:s0], s1  }
0x5b: {  	s0 =	simm.s32 @!p0 $0x3  }
0x5c: {  	_ =	swait.ge @!p0 [sflag:s0], s1  }
0x5d: {  	s1 =	ssub.s32 @!p0 $0x0, s1;
	[sflag:s0] =	ssyncset.done @!p0 $0x0  }
0x5e: {  	[sflag:s0] =	ssyncadd.s32 @!p0 s1  }
0x5f: {  	[bflag:$0x3] =	sbarrier.arrive $0xFFFF  }
0x60: {  	_ =	shalt  }

// kernel: kernel.16.cloned.1.call-start
scs
__scs_entry_jumppad:
0x0: {  	(pc) =	sbr.rel $0x88, $3  }
0x1: {  	(tag) =	ssettag $0x0;
	lr =	simm.s32 $0x1  }
0x2: {  	[smem:$0x3F8C] =	sst lr;
	_ =	strace $0xD0000000  }
0x3: {  	_ = 	snop  }
0x4: {  	_ = 	snop  }
0x5: {  	_ = 	snop  }
0x6: {  	_ = 	snop  }
0x7: {  	_ = 	snop  }
__scs_overlays_trampoline_lowered:
0x8: {  	[smem:$0x3F9B] =	sst s0  }
0x9: {  	[smem:$0x3F9C] =	sst s1  }
0xa: {  	[smem:$0x3F9D] =	sst s2  }
0xb: {  	[smem:$0x3F9E] =	sst s3  }
0xc: {  	[smem:$0x3F9F] =	sst s4  }
0xd: {  	[smem:$0x3FA0] =	sst s5  }
0xe: {  	[smem:$0x3FA1] =	sst s6  }
0xf: {  	[smem:$0x3FA2] =	sst s7  }
0x10: {  	[smem:$0x3FA3] =	sst s8  }
0x11: {  	[smem:$0x3FA4] =	sst s9;
	s0 =	simm.s32 @!p0 $0x0  }
0x12: {  	s1 =	sld [smem:$0x3F8A];
	s0 =	simm.s32 @p0 $0x1  }
0x13: {  	[smem:$0x3FA5] =	sst s0;
	s0 =	simm.s32 @!p1 $0x0  }
0x14: {  	s2 =	sld [smem:$0x3F89];
	s0 =	simm.s32 @p1 $0x1  }
0x15: {  	[smem:$0x3FA6] =	sst s0;
	s0 =	simm.s32 @!p2 $0x0  }
0x16: {  	s3 =	sld [smem:$0x3FDB];
	s0 =	simm.s32 @p2 $0x1  }
0x17: {  	s4 =	simm.s32 $0x1BF5;
	[smem:$0x3FA8] =	sst s0  }
0x18: {  	s0 =	sld [smem:$0x3F8B];
	_ =	swait.ge [sflag:s4], $0x0  }
0x19: {  	s7 =	sld [smem:$0x3F8C]  }
0x1a: {  	s8 =	sadd.s32 $0xFFFFE003, lr  }
0x1b: {  	s9 =	sadd.s32 $0xFFFFFEF7, lr;
	s5 =	simm.s32 $0xFFFFFFFF;
	p2 =	slt.u32 s8, $0xFFFFF086  }
0x1c: {  	p1 =	slt.u32 s9, $0xF7A;
	s5 =	simm.s32 @!p2 $0x0  }
0x1d: {  	s5 =	simm.s32 @p1 $0x1;
	p0 =	seq.s32 s7, s2  }
0x1e: {  	s7 =	smul.u32 @!p0 $0xF7A, s2;
	p2 =	seq.s32 @!p0 s5, $0x0  }
0x1f: {  	s9 =	smul.u32 $0xF7A, s1;
	s8 =	simm.s32 @!p0 $0x1BF5;
	p2 =	por !p2, p0  }
0x20: {  	[sflag:s8] =	ssyncset.s32 @!p0 $0xFFFFF086;
	s6 =	sadd.s32 @!p0 s3, s7;
	s7 =	simm.s32 @!p0 $0x108  }
0x21: {  	s3 =	sadd.s32 s3, s9;
	s6 =	sadd.s32 @!p0 $0x88, s6;
	s7 =	simm.s32 @p2 $0x1082  }
0x22: {  	[simem:s7], [sflag:s8] =	dma.local @!p0 [hbm:s6], $0xF7A  }
0x23: {  	s9 =	sor.u32 $0xD0000000, s2;
	s6 =	simm.s32 $0x108;
	_ =	swait.ge @!p0 [sflag:s8], $0x0  }
0x24: {  	s3 =	sadd.s32 $0x88, s3;
	s6 =	simm.s32 @!p1 $0x1082;
	[sflag:s4] =	ssyncset.s32 $0xFFFFF086  }
0x25: {  	[simem:s6], [sflag:s4] =	dma.local [hbm:s3], $0xF7A  }
0x26: {  	[smem:$0x3F8C] =	sst s1;
	(tag) =	ssettag s2;
	_ =	strace s9  }
0x27: {  	s1 =	sld [smem:$0x3F9C]  }
0x28: {  	s2 =	sld [smem:$0x3F9D]  }
0x29: {  	s4 =	sld [smem:$0x3F9F]  }
0x2a: {  	p0 =	seq.s32 s5, $0x0;
	s5 =	sld [smem:$0x3FA0]  }
0x2b: {  	s6 =	sld [smem:$0x3FA1]  }
0x2c: {  	s7 =	sld [smem:$0x3FA2]  }
0x2d: {  	s3 =	simm.s32 $0x108;
	s8 =	sld [smem:$0x3FA3]  }
0x2e: {  	s3 =	simm.s32 @!p0 $0x1082;
	s9 =	sld [smem:$0x3FA4]  }
0x2f: {  	lr =	sadd.s32 s0, s3;
	s0 =	sld [smem:$0x3F9B]  }
0x30: {  	s3 =	sld [smem:$0x3F9E]  }
0x31: {  	[smem:$0x3FA7] =	sst s10  }
0x32: {  	s10 =	sld [smem:$0x3FA5];
	_ =	sdelay $0x3  }
0x33: {  	p0 =	seq.s32 s10, $0x1;
	s10 =	sld [smem:$0x3FA7];
	_ =	sdelay $0x3  }
0x34: {  	[smem:$0x3FA7] =	sst s10  }
0x35: {  	s10 =	sld [smem:$0x3FA6];
	_ =	sdelay $0x3  }
0x36: {  	p1 =	seq.s32 s10, $0x1;
	s10 =	sld [smem:$0x3FA7];
	_ =	sdelay $0x3  }
0x37: {  	[smem:$0x3FA7] =	sst s10  }
0x38: {  	s10 =	sld [smem:$0x3FA8]  }
0x39: {  	_ = 	snop;
	(pc) =	sbr.ind lr, $3  }
0x3a: {  	_ = 	snop  }
0x3b: {  	_ = 	snop  }
0x3c: {  	p2 =	seq.s32 s10, $0x1;
	s10 =	sld [smem:$0x3FA7]  }
0x3d: {  	_ =	shalt  }
0x3e: {  	_ =	shalt  }
0x3f: {  	_ =	shalt  }
0x40: {  	_ =	shalt  }
0x41: {  	_ =	shalt  }
0x42: {  	_ =	shalt  }
0x43: {  	_ =	shalt  }
0x44: {  	_ =	shalt  }
0x45: {  	_ =	shalt  }
0x46: {  	_ =	shalt  }
0x47: {  	_ =	shalt  }
0x48: {  	_ =	shalt  }
0x49: {  	_ =	shalt  }
0x4a: {  	_ =	shalt  }
0x4b: {  	_ =	shalt  }
0x4c: {  	_ =	shalt  }
0x4d: {  	_ =	shalt  }
0x4e: {  	_ =	shalt  }
0x4f: {  	_ =	shalt  }
0x50: {  	_ =	shalt  }
0x51: {  	_ =	shalt  }
0x52: {  	_ =	shalt  }
0x53: {  	_ =	shalt  }
0x54: {  	_ =	shalt  }
0x55: {  	_ =	shalt  }
0x56: {  	_ =	shalt  }
0x57: {  	_ =	shalt  }
0x58: {  	_ =	shalt  }
0x59: {  	_ =	shalt  }
0x5a: {  	_ =	shalt  }
0x5b: {  	_ =	shalt  }
0x5c: {  	_ =	shalt  }
0x5d: {  	_ =	shalt  }
0x5e: {  	_ =	shalt  }
0x5f: {  	_ =	shalt  }
0x60: {  	_ =	shalt  }
0x61: {  	_ =	shalt  }
0x62: {  	_ =	shalt  }
0x63: {  	_ =	shalt  }
0x64: {  	_ =	shalt  }
0x65: {  	_ =	shalt  }
0x66: {  	_ =	shalt  }
0x67: {  	_ =	shalt  }
0x68: {  	_ =	shalt  }
0x69: {  	_ =	shalt  }
0x6a: {  	_ =	shalt  }
0x6b: {  	_ =	shalt  }
0x6c: {  	_ =	shalt  }
0x6d: {  	_ =	shalt  }
0x6e: {  	_ =	shalt  }
0x6f: {  	_ =	shalt  }
0x70: {  	_ =	shalt  }
0x71: {  	_ =	shalt  }
0x72: {  	_ =	shalt  }
0x73: {  	_ =	shalt  }
0x74: {  	_ =	shalt  }
0x75: {  	_ =	shalt  }
0x76: {  	_ =	shalt  }
0x77: {  	_ =	shalt  }
0x78: {  	_ =	shalt  }
0x79: {  	_ =	shalt  }
0x7a: {  	_ =	shalt  }
0x7b: {  	_ =	shalt  }
0x7c: {  	_ =	shalt  }
0x7d: {  	_ =	shalt  }
0x7e: {  	_ =	shalt  }
0x7f: {  	_ =	shalt  }
0x80: {  	_ =	shalt  }
0x81: {  	_ =	shalt  }
0x82: {  	_ =	shalt  }
0x83: {  	_ =	shalt  }
0x84: {  	_ =	shalt  }
0x85: {  	_ =	shalt  }
0x86: {  	_ =	shalt  }
0x87: {  	_ =	shalt  }
.Lfunc_end0:
.L_simem_size_0:
called_computation.2_lowered:
.L_overlay_start_0:
0x88: {  	s2 =	sld [smem:$0x3FD9]  }
0x89: {  	s3 =	sld [smem:$0x3FFE];
	_ =	sdelay $0x1  }
0x8a: {  	s1 =	srdreg.scid  }
0x8b: {  	s0 =	sand.u32 $0x1, s1  }
0x8c: {  	s17 =	sshll.u32 s0, $0xA;
	s2 =	sadd.s32 s3, s2  }
0x8d: {  	s2 =	sadd.s32 s2, s17  }
0x8e: {  	[smem:$0x3FB3] =	sst s2  }
0x8f: {  	_ = 	snop  }
0x90: {  	s2 =	sld [smem:$0x3FC9];
	(tm) =	ssettm $0x1  }
0x91: {  	s18 =	sld [smem:$0x3FFB];
	_ =	sdelay $0x3  }
0x92: {  	_ =	strace s18  }
0x93: {  	s3 =	sld [smem:$0x3FFC];
	_ =	sdelay $0x3  }
0x94: {  	_ =	strace s3  }
0x95: {  	s3 =	sld [smem:$0x3FFD];
	_ =	sdelay $0x3  }
0x96: {  	_ =	strace s3  }
0x97: {  	_ =	strace $0x8FFFFFFF  }
0x98: {  	s19 =	sld [smem:$0x3FDB];
	_ =	sdelay $0x1  }
0x99: {  	s4 =	simm.s32 $_scs_section_size  }
0x9a: {  	s5 =	simm.s32 $_size__tile_overlayer_lowered;
	s6 =	simm.s32 $_tile_overlayer_lowered  }
0x9b: {  	s22 =	simm.s32 $0x1BFF;
	s21 =	sshll.u32 s6, $0x1;
	s3 =	sadd.s32 s4, s19  }
0x9c: {  	s7 =	simm.s32 $0x0;
	s20 =	sshll.u32 s5, $0x1;
	s5 =	sadd.s32 s21, s3  }
0x9d: {  	[timem:s7], [sflag:s22] =	dma.local [hbm:s5], s20  }
0x9e: {  	_ =	swait.ge [sflag:s22], s20  }
0x9f: {  	s4 =	ssub.s32 $0x0, s20;
	[sflag:s22] =	ssyncset.done $0x0  }
0xa0: {  	[sflag:s22] =	ssyncadd.s32 s4;
	_ =	sdelay $0x1  }
0xa1: {  	s23 =	simm.s32 $0x1B8B  }
0xa2: {  	_ =	swait.ge [sflag:s23], $0x1  }
0xa3: {  	[sflag:s23] =	ssyncset.done $0x0  }
0xa4: {  	s25 =	simm.s32 $0x1B8E;
	s24 =	sld [smem:$0x3FFE];
	[sflag:s23] =	ssyncadd.s32 $0xFFFFFFFF  }
0xa5: {  	s26 =	simm.s32 $execute0_lowered;
	[smem:$0x3FD2] =	sst s25  }
0xa6: {  	s5 =	sshll.u32 s26, $0x1;
	_ =	strace $0x80000046;
	[dreg:$0x1] =	wrdreg $0xFFFFFFFF  }
0xa7: {  	s28 =	simm.s32 $_size_execute0_lowered;
	s3 =	sadd.s32 s3, s5;
	[dreg:$0x0] =	wrdreg $0x0  }
0xa8: {  	s5 =	sshll.u32 s28, $0x1;
	[dreg:$0x2] =	wrdreg s3  }
0xa9: {  	[dreg:$0x3] =	wrdreg s5  }
0xaa: {  	[dreg:$0x4] =	wrdreg $0xC0  }
0xab: {  	_ =	task [dreg:s7], $0x5FFFF  }
0xac: {  	[dreg:$0x1] =	wrdreg $0xFFFFFFFF  }
0xad: {  	[dreg:$0x0] =	wrdreg $0x60  }
0xae: {  	[dreg:$0x2] =	wrdreg s2  }
0xaf: {  	[dreg:$0x3] =	wrdreg s24  }
0xb0: {  	[dreg:$0x4] =	wrdreg $0xA  }
0xb1: {  	_ =	task.clear_ibuf [dreg:s7], $0x5FFFF;
	_ =	strace $0x90000046  }
0xb2: {  	s29 =	simm.s32 $0xA;
	_ =	strace $0x80000048  }
0xb3: {  	_ =	swait.ge [sflag:s29], $0x1  }
0xb4: {  	[sflag:s29] =	ssyncadd.s32 $0xFFFFFFFF  }
0xb5: {  	_ =	strace $0x90000048  }
0xb6: {  	_ =	sfence  }
0xb7: {  	s30 =	sld [smem:$0x0];
	_ =	sdelay $0x2  }
0xb8: {  	s31 =	sshll.u32 s1, $0xD;
	s1 =	sshrl.u32 s1, $0x2  }
0xb9: {  	s3 =	sand.u32 $0x4000, s31;
	s1 =	sadd.s32 s1, s30  }
0xba: {  	s0 =	sor.u32 s3, s0;
	s1 =	sshll.u32 s1, $0x11  }
0xbb: {  	s0 =	sor.u32 s1, s0  }
0xbc: {  	s0 =	sadd.s32 $0x8F2B, s0  }
0xbd: {  	[sflag:s0] =	ssyncadd.remote.s32 $0x1  }
0xbe: {  	_ =	sfence.sel $0xFFFF  }
0xbf: {  	[dreg:$0x0] =	wrdreg $0xFFFFFFFF;
	(pc) =	sbr.abs _section_cstart, $3  }
0xc0: {  	[dreg:$0x1] =	wrdreg $0xFFFFFFFF  }
0xc1: {  	_ =	task.clear_ibuf [dreg:s7], $0x2FFFF;
	_ =	strace $0x9FFFFFFF  }
0xc2: {  	(tm) =	ssettm $0x7FFFFFFF  }
0xc3: {  	_ =	shalt  }
tec
execute0_lowered:
.L_overlay_start_1:
0x0: {  	(tag) =	ssettag $0x1  }
0x1: {  	s2 =	rddreg [dreg:$0x0]  }
0x2: {  	s5 =	rddreg [dreg:$0x1]  }
0x3: {  	s4 =	srdreg.scid;
	s0 =	stileid.u32;
	s3 =	simm.s32 $0x0  }
0x4: {  	s18 =	simm.s32 $0x4650;
	s19 =	simm.s32 $0x1;
	s12 =	smul.u32 $0x2710, s0  }
0x5: {  	s20 =	simm.s32 $0x7850;
	s21 =	simm.s32 $0xAA50;
	s15 =	smul.u32 $0x27100, s0  }
0x6: {  	s28 =	simm.s32 $0x0;
	s10 =	sand.u32 $0x1, s4;
	s26 =	smul.u32 $0x13880, s0  }
0x7: {  	s22 =	sshll.u32 s0, $0x1;
	[smem:$0x7FF] =	sst s3;
	s14 =	smul.u32 $0x1388, s10  }
0x8: {  	s4 =	sadd.s32 $0x18800, s5;
	s11 =	sadd.s32 $0x164A00, s5;
	s16 =	smul.u32 $0x13880, s10  }
0x9: {  	s13 =	sadd.s32 $0x2C200, s5;
	s6 =	sor.u32 s10, s22;
	s29 =	smul.u32 $0x9C40, s10  }
0xa: {  	_ =	strace $0x80000047;
	s8 =	ssub.s32 $0x2, s10;
	s7 =	smul.u32 $0x1388, s6  }
0xb: {  	s22 =	simm.s32 $0x2;
	s6 =	smul.u32 $0x1450, s6;
	s9 =	sshrl.u32 s8, $0x1  }
0xc: {  	s15 =	sadd.s32 s15, s11;
	s9 =	ssub.s32 s8, s9;
	s12 =	sadd.s32 s14, s12  }
0xd: {  	s10 =	sadd.s32 s16, s15;
	s14 =	sadd.s32 s26, s13;
	s15 =	simm.s32 $0x64  }
0xe: {  	s16 =	simm.s32 $0x1450;
	s26 =	simm.s32 $0x12750;
	s6 =	sshrl.u32 s6, $0x3  }
0xf: {  	s23 =	sadd.s32 $0x12C0, s7;
	s9 =	smax.u32 s9, $0x1;
	s12 =	sadd.s32 $0xC8, s12  }
0x10: {  	s24 =	sadd.s32 s5, s6;
	s25 =	sshll.u32 s23, $0x4;
	s8 =	sshll.u32 s23, $0x3  }
0x11: {  	s17 =	sshrl.u32 s12, $0x3;
	s12 =	sadd.s32 s29, s14;
	s14 =	simm.s32 $0x3  }
0x12: {  	s23 =	simm.s32 $0xDC50;
	s5 =	sadd.s32 $0x13540, s24;
	s6 =	sadd.s32 s11, s25  }
0x13: {  	s7 =	sadd.s32 $0x9140, s24;
	s8 =	sadd.s32 s13, s8;
	s30 =	sshll.u32 s17, $0x7  }
0x14: {  	s31 =	sshll.u32 s17, $0x6;
	s17 =	simm.s32 $0x68;
	s24 =	simm.s32 $0xF550  }
0x15: {  	s25 =	simm.s32 $0x10E50;
	s11 =	sadd.s32 s30, s11;
	s13 =	sadd.s32 s31, s13  }
.LBB2_1:
0x16: {  	[tilespmem:s3], [sflag:$0x3] =	stream.linear.gather [hbm4b:s5+s3], $0x1450, $0x38;
	[tilespmem:$0x14050] =	vst v63  }
0x17: {  	_ =	swait.ge [sflag:s14], $0x1450  }
0x18: {  	[sflag:s14] =	ssyncset.done $0x0  }
0x19: {  	[sflag:s14] =	ssyncadd.s32 $0xFFFFEBB0  }
0x1a: {  	[tilespmem:s16], [sflag:$0x1] =	stream.indirect.gather [hbm4b:s2+s15], $0x80, s3, s15, $0xb8;
	[tilespmem:$0x14050] =	vst v63  }
0x1b: {  	_ = 	snop  }
0x1c: {  	[tilespmem:s18], [sflag:$0x1] =	stream.indirect.gather [hbm4b:s2+s15], $0x80, s17, s15, $0xb8;
	[tilespmem:$0x14050] =	vst v63  }
0x1d: {  	_ =	swait.ge [sflag:s19], $0x3200  }
0x1e: {  	[sflag:s19] =	ssyncset.done $0x0  }
0x1f: {  	[sflag:s19] =	ssyncadd.s32 $0xFFFFCE00  }
0x20: {  	_ =	swait.ge [sflag:s19], $0x3200  }
0x21: {  	[sflag:s19] =	ssyncset.done $0x0  }
0x22: {  	s29 =	simm.s32 $0xD0;
	[sflag:s19] =	ssyncadd.s32 $0xFFFFCE00  }
0x23: {  	[tilespmem:s20], [sflag:$0x2] =	stream.indirect.gather [hbm4b:s2+s15], $0x80, s29, s15, $0xb8;
	[tilespmem:$0x14050] =	vst v63  }
0x24: {  	s29 =	simm.s32 $0x138  }
0x25: {  	[tilespmem:s21], [sflag:$0x2] =	stream.indirect.gather [hbm4b:s2+s15], $0x80, s29, s15, $0xb8;
	[tilespmem:$0x14050] =	vst v63  }
0x26: {  	_ = 	snop  }
0x27: {  	[hbm4b:s10+s3] =	stream.linear.scatter [tilespmem:s16], [sflag:$0x3], $0x6400, $0x38;
	[tilespmem:$0x14050] =	vst v63  }
0x28: {  	_ =	swait.ge [sflag:s14], $0x6400  }
0x29: {  	[sflag:s14] =	ssyncset.done $0x0  }
0x2a: {  	[sflag:s14] =	ssyncadd.s32 $0xFFFF9C00  }
0x2b: {  	_ =	swait.ge [sflag:s22], $0x3200  }
0x2c: {  	[sflag:s22] =	ssyncset.done $0x0  }
0x2d: {  	[sflag:s22] =	ssyncadd.s32 $0xFFFFCE00  }
0x2e: {  	_ =	swait.ge [sflag:s22], $0x3200  }
0x2f: {  	[sflag:s22] =	ssyncset.done $0x0  }
0x30: {  	s29 =	simm.s32 $0x1A0;
	[sflag:s22] =	ssyncadd.s32 $0xFFFFCE00  }
0x31: {  	[tilespmem:s16], [sflag:$0x1] =	stream.indirect.gather [hbm4b:s2+s15], $0x80, s29, s15, $0xb8;
	[tilespmem:$0x14050] =	vst v63  }
0x32: {  	s29 =	simm.s32 $0x208  }
0x33: {  	[tilespmem:s18], [sflag:$0x1] =	stream.indirect.gather [hbm4b:s2+s15], $0x80, s29, s15, $0xb8;
	[tilespmem:$0x14050] =	vst v63  }
0x34: {  	_ = 	snop  }
0x35: {  	[hbm4b:s11+s3] =	stream.linear.scatter [tilespmem:s20], [sflag:$0x3], $0x6400, $0x38;
	[tilespmem:$0x14050] =	vst v63  }
0x36: {  	s30 =	smov.u32 s10;
	_ =	swait.ge [sflag:s14], $0x6400  }
0x37: {  	s31 =	smov.u32 s11;
	s29 =	simm.s32 $0x680;
	[sflag:s14] =	ssyncset.done $0x0  }
.LBB2_2:
0x38: {  	[sflag:s14] =	ssyncadd.s32 $0xFFFF9C00;
	s30 =	sadd.s32 $0x1900, s30;
	s31 =	sadd.s32 $0x1900, s31  }
0x39: {  	p0 =	sne.s32 s29, $0x4780;
	s0 =	smov.u32 s29;
	s29 =	sadd.s32 $0x680, s29  }
0x3a: {  	_ =	swait.ge [sflag:s19], $0x3200  }
0x3b: {  	[sflag:s19] =	ssyncset.done $0x0  }
0x3c: {  	[sflag:s19] =	ssyncadd.s32 $0xFFFFCE00  }
0x3d: {  	_ =	swait.ge [sflag:s19], $0x3200  }
0x3e: {  	s0 =	sshra.s32 s0, $0x2;
	[sflag:s19] =	ssyncset.done $0x0  }
0x3f: {  	s1 =	sadd.s32 $0xD0, s0;
	[sflag:s19] =	ssyncadd.s32 $0xFFFFCE00  }
0x40: {  	[tilespmem:s20], [sflag:$0x2] =	stream.indirect.gather [hbm4b:s2+s15], $0x80, s1, s15, $0xb8;
	[tilespmem:$0x14050] =	vst v63  }
0x41: {  	s1 =	sadd.s32 $0x138, s0  }
0x42: {  	[tilespmem:s21], [sflag:$0x2] =	stream.indirect.gather [hbm4b:s2+s15], $0x80, s1, s15, $0xb8;
	[tilespmem:$0x14050] =	vst v63  }
0x43: {  	_ = 	snop  }
0x44: {  	[hbm4b:s30+s3] =	stream.linear.scatter [tilespmem:s16], [sflag:$0x3], $0x6400, $0x38;
	[tilespmem:$0x14050] =	vst v63  }
0x45: {  	_ =	swait.ge [sflag:s14], $0x6400  }
0x46: {  	[sflag:s14] =	ssyncset.done $0x0  }
0x47: {  	[sflag:s14] =	ssyncadd.s32 $0xFFFF9C00  }
0x48: {  	_ =	swait.ge [sflag:s22], $0x3200  }
0x49: {  	[sflag:s22] =	ssyncset.done $0x0  }
0x4a: {  	[sflag:s22] =	ssyncadd.s32 $0xFFFFCE00  }
0x4b: {  	_ =	swait.ge [sflag:s22], $0x3200  }
0x4c: {  	[sflag:s22] =	ssyncset.done $0x0  }
0x4d: {  	s1 =	sadd.s32 $0x1A0, s0;
	[sflag:s22] =	ssyncadd.s32 $0xFFFFCE00  }
0x4e: {  	[tilespmem:s16], [sflag:$0x1] =	stream.indirect.gather [hbm4b:s2+s15], $0x80, s1, s15, $0xb8;
	[tilespmem:$0x14050] =	vst v63  }
0x4f: {  	s0 =	sadd.s32 $0x208, s0  }
0x50: {  	[tilespmem:s18], [sflag:$0x1] =	stream.indirect.gather [hbm4b:s2+s15], $0x80, s0, s15, $0xb8;
	[tilespmem:$0x14050] =	vst v63  }
.Ltmp0:
0x51: {  	_ = 	snop;
	(pc) =	sbr.rel @p0 .LBB2_2-.Ltmp0, $4  }
0x52: {  	_ = 	snop  }
0x53: {  	[hbm4b:s31+s3] =	stream.linear.scatter [tilespmem:s20], [sflag:$0x3], $0x6400, $0x38;
	[tilespmem:$0x14050] =	vst v63  }
0x54: {  	_ =	swait.ge [sflag:s14], $0x6400  }
0x55: {  	[sflag:s14] =	ssyncset.done $0x0  }
0x56: {  	[sflag:s14] =	ssyncadd.s32 $0xFFFF9C00  }
0x57: {  	_ =	swait.ge [sflag:s19], $0x3200  }
0x58: {  	[sflag:s19] =	ssyncset.done $0x0  }
0x59: {  	[sflag:s19] =	ssyncadd.s32 $0xFFFFCE00  }
0x5a: {  	_ =	swait.ge [sflag:s19], $0x3200  }
0x5b: {  	[sflag:s19] =	ssyncset.done $0x0  }
0x5c: {  	s0 =	simm.s32 $0x0;
	[sflag:s19] =	ssyncadd.s32 $0xFFFFCE00  }
0x5d: {  	[hbm4b:s6+s0] =	stream.linear.scatter [tilespmem:s16], [sflag:$0x3], $0x6400, $0x38;
	[tilespmem:$0x14050] =	vst v63  }
0x5e: {  	_ =	swait.ge [sflag:s14], $0x6400  }
0x5f: {  	[sflag:s14] =	ssyncset.done $0x0  }
0x60: {  	[sflag:s14] =	ssyncadd.s32 $0xFFFF9C00  }
0x61: {  	[tilespmem:s0], [sflag:$0x3] =	stream.linear.gather [hbm4b:s7+s0], $0x1450, $0x38;
	[tilespmem:$0x14050] =	vst v63  }
0x62: {  	_ =	swait.ge [sflag:s14], $0x1450  }
0x63: {  	[sflag:s14] =	ssyncset.done $0x0  }
0x64: {  	[sflag:s14] =	ssyncadd.s32 $0xFFFFEBB0  }
0x65: {  	[tilespmem:s23], [sflag:$0x1] =	stream.indirect.gather [hbm4b:s4+s15], $0x40, s0, s15, $0xb8;
	[tilespmem:$0x14050] =	vst v63  }
0x66: {  	_ = 	snop  }
0x67: {  	[tilespmem:s24], [sflag:$0x1] =	stream.indirect.gather [hbm4b:s4+s15], $0x40, s17, s15, $0xb8;
	[tilespmem:$0x14050] =	vst v63  }
0x68: {  	_ =	swait.ge [sflag:s19], $0x1900  }
0x69: {  	[sflag:s19] =	ssyncset.done $0x0  }
0x6a: {  	[sflag:s19] =	ssyncadd.s32 $0xFFFFE700  }
0x6b: {  	_ =	swait.ge [sflag:s19], $0x1900  }
0x6c: {  	[sflag:s19] =	ssyncset.done $0x0  }
0x6d: {  	s1 =	simm.s32 $0xD0;
	[sflag:s19] =	ssyncadd.s32 $0xFFFFE700  }
0x6e: {  	[tilespmem:s25], [sflag:$0x2] =	stream.indirect.gather [hbm4b:s4+s15], $0x40, s1, s15, $0xb8;
	[tilespmem:$0x14050] =	vst v63  }
0x6f: {  	s1 =	simm.s32 $0x138  }
0x70: {  	[tilespmem:s26], [sflag:$0x2] =	stream.indirect.gather [hbm4b:s4+s15], $0x40, s1, s15, $0xb8;
	[tilespmem:$0x14050] =	vst v63  }
0x71: {  	_ = 	snop  }
0x72: {  	[hbm4b:s12+s3] =	stream.linear.scatter [tilespmem:s23], [sflag:$0x3], $0x3200, $0x38;
	[tilespmem:$0x14050] =	vst v63  }
0x73: {  	_ =	swait.ge [sflag:s14], $0x3200  }
0x74: {  	[sflag:s14] =	ssyncset.done $0x0  }
0x75: {  	[sflag:s14] =	ssyncadd.s32 $0xFFFFCE00  }
0x76: {  	_ =	swait.ge [sflag:s22], $0x1900  }
0x77: {  	[sflag:s22] =	ssyncset.done $0x0  }
0x78: {  	[sflag:s22] =	ssyncadd.s32 $0xFFFFE700  }
0x79: {  	_ =	swait.ge [sflag:s22], $0x1900  }
0x7a: {  	[sflag:s22] =	ssyncset.done $0x0  }
0x7b: {  	s1 =	simm.s32 $0x1A0;
	[sflag:s22] =	ssyncadd.s32 $0xFFFFE700  }
0x7c: {  	[tilespmem:s23], [sflag:$0x1] =	stream.indirect.gather [hbm4b:s4+s15], $0x40, s1, s15, $0xb8;
	[tilespmem:$0x14050] =	vst v63  }
0x7d: {  	s1 =	simm.s32 $0x208  }
0x7e: {  	[tilespmem:s24], [sflag:$0x1] =	stream.indirect.gather [hbm4b:s4+s15], $0x40, s1, s15, $0xb8;
	[tilespmem:$0x14050] =	vst v63  }
0x7f: {  	_ = 	snop  }
0x80: {  	[hbm4b:s13+s3] =	stream.linear.scatter [tilespmem:s25], [sflag:$0x3], $0x3200, $0x38;
	[tilespmem:$0x14050] =	vst v63  }
0x81: {  	s29 =	simm.s32 $0x680;
	_ =	swait.ge [sflag:s14], $0x3200  }
0x82: {  	s30 =	smov.u32 s12;
	s31 =	smov.u32 s13;
	[sflag:s14] =	ssyncset.done $0x0  }
.LBB2_4:
0x83: {  	[sflag:s14] =	ssyncadd.s32 $0xFFFFCE00;
	s30 =	sadd.s32 $0xC80, s30;
	s31 =	sadd.s32 $0xC80, s31  }
0x84: {  	p0 =	sne.s32 s29, $0x4780;
	s0 =	smov.u32 s29;
	s29 =	sadd.s32 $0x680, s29  }
0x85: {  	_ =	swait.ge [sflag:s19], $0x1900  }
0x86: {  	[sflag:s19] =	ssyncset.done $0x0  }
0x87: {  	[sflag:s19] =	ssyncadd.s32 $0xFFFFE700  }
0x88: {  	_ =	swait.ge [sflag:s19], $0x1900  }
0x89: {  	s0 =	sshra.s32 s0, $0x2;
	[sflag:s19] =	ssyncset.done $0x0  }
0x8a: {  	s1 =	sadd.s32 $0xD0, s0;
	[sflag:s19] =	ssyncadd.s32 $0xFFFFE700  }
0x8b: {  	[tilespmem:s25], [sflag:$0x2] =	stream.indirect.gather [hbm4b:s4+s15], $0x40, s1, s15, $0xb8;
	[tilespmem:$0x14050] =	vst v63  }
0x8c: {  	s1 =	sadd.s32 $0x138, s0  }
0x8d: {  	[tilespmem:s26], [sflag:$0x2] =	stream.indirect.gather [hbm4b:s4+s15], $0x40, s1, s15, $0xb8;
	[tilespmem:$0x14050] =	vst v63  }
0x8e: {  	_ = 	snop  }
0x8f: {  	[hbm4b:s30+s3] =	stream.linear.scatter [tilespmem:s23], [sflag:$0x3], $0x3200, $0x38;
	[tilespmem:$0x14050] =	vst v63  }
0x90: {  	_ =	swait.ge [sflag:s14], $0x3200  }
0x91: {  	[sflag:s14] =	ssyncset.done $0x0  }
0x92: {  	[sflag:s14] =	ssyncadd.s32 $0xFFFFCE00  }
0x93: {  	_ =	swait.ge [sflag:s22], $0x1900  }
0x94: {  	[sflag:s22] =	ssyncset.done $0x0  }
0x95: {  	[sflag:s22] =	ssyncadd.s32 $0xFFFFE700  }
0x96: {  	_ =	swait.ge [sflag:s22], $0x1900  }
0x97: {  	[sflag:s22] =	ssyncset.done $0x0  }
0x98: {  	s1 =	sadd.s32 $0x1A0, s0;
	[sflag:s22] =	ssyncadd.s32 $0xFFFFE700  }
0x99: {  	[tilespmem:s23], [sflag:$0x1] =	stream.indirect.gather [hbm4b:s4+s15], $0x40, s1, s15, $0xb8;
	[tilespmem:$0x14050] =	vst v63  }
0x9a: {  	s0 =	sadd.s32 $0x208, s0  }
0x9b: {  	[tilespmem:s24], [sflag:$0x1] =	stream.indirect.gather [hbm4b:s4+s15], $0x40, s0, s15, $0xb8;
	[tilespmem:$0x14050] =	vst v63  }
.Ltmp1:
0x9c: {  	_ = 	snop;
	(pc) =	sbr.rel @p0 .LBB2_4-.Ltmp1, $4  }
0x9d: {  	_ = 	snop  }
0x9e: {  	[hbm4b:s31+s3] =	stream.linear.scatter [tilespmem:s25], [sflag:$0x3], $0x3200, $0x38;
	[tilespmem:$0x14050] =	vst v63  }
0x9f: {  	_ =	swait.ge [sflag:s14], $0x3200  }
0xa0: {  	[sflag:s14] =	ssyncset.done $0x0  }
0xa1: {  	[sflag:s14] =	ssyncadd.s32 $0xFFFFCE00  }
0xa2: {  	_ =	swait.ge [sflag:s19], $0x1900  }
0xa3: {  	[sflag:s19] =	ssyncset.done $0x0  }
0xa4: {  	[sflag:s19] =	ssyncadd.s32 $0xFFFFE700  }
0xa5: {  	s28 =	sadd.s32 $0x1, s28;
	_ =	swait.ge [sflag:s19], $0x1900  }
0xa6: {  	p0 =	sne.s32 s28, s9;
	[sflag:s19] =	ssyncset.done $0x0  }
.Ltmp2:
0xa7: {  	[sflag:s19] =	ssyncadd.s32 $0xFFFFE700;
	(pc) =	sbr.rel @p0 .LBB2_1-.Ltmp2, $4  }
0xa8: {  	[hbm4b:s8+s3] =	stream.linear.scatter [tilespmem:s23], [sflag:$0x3], $0x3200, $0x38;
	[tilespmem:$0x14050] =	vst v63  }
0xa9: {  	_ =	swait.ge [sflag:s14], $0x3200  }
0xaa: {  	[sflag:s14] =	ssyncset.done $0x0  }
0xab: {  	[sflag:s14] =	ssyncadd.s32 $0xFFFFCE00  }
0xac: {  	_ =	sfence.sel $0x180000  }
0xad: {  	[bflag:$0x0] =	sbarrier.arrive $0xFFFF  }
0xae: {  	_ =	strace $0x90000047  }
0xaf: {  	s0 =	stileid.u32;
	[bflag:$0x2] =	sbarrier.arrive $0xFFFF  }
0xb0: {  	p0 =	sne.s32 s0, $0x0;
	s0 =	rddreg [dreg:$0x2]  }
0xb1: {  	s0 =	sadd.s32 @!p0 $0x100000, s0  }
0xb2: {  	[sflag:s0] =	ssyncadd.tile.s32 @!p0 $0x1;
	_ =	shalt  }
.Lfunc_end2:
_tile_overlayer_lowered:
.L_overlay_start_2:
0xb3: {  	(tag) =	ssettag $0x2  }
0xb4: {  	s0 =	rddreg [dreg:$0x0];
	s2 =	stileid.u32  }
0xb5: {  	s1 =	rddreg [dreg:$0x1];
	p0 =	sne.s32 s2, $0x0  }
0xb6: {  	s3 =	rddreg [dreg:$0x2];
	[bflag:$0x3] =	sbarrier.arrive $0xFFFF;
	s2 =	simm.s32 @!p0 $0x1C03  }
0xb7: {  	[timem:s3], [sflag:s2] =	dma.local @!p0 [hbm:s0], s1  }
0xb8: {  	s0 =	simm.s32 @!p0 $0x3  }
0xb9: {  	_ =	swait.ge @!p0 [sflag:s0], s1  }
0xba: {  	s1 =	ssub.s32 @!p0 $0x0, s1;
	[sflag:s0] =	ssyncset.done @!p0 $0x0  }
0xbb: {  	[sflag:s0] =	ssyncadd.s32 @!p0 s1  }
0xbc: {  	[bflag:$0x3] =	sbarrier.arrive $0xFFFF  }
0xbd: {  	_ =	shalt  }

// kernel: kernel.19.cloned.1.call-start
scs
__scs_entry_jumppad:
0x0: {  	(pc) =	sbr.rel $0x88, $3  }
0x1: {  	(tag) =	ssettag $0x0;
	lr =	simm.s32 $0x1  }
0x2: {  	[smem:$0x3F8C] =	sst lr;
	_ =	strace $0xD0000000  }
0x3: {  	_ = 	snop  }
0x4: {  	_ = 	snop  }
0x5: {  	_ = 	snop  }
0x6: {  	_ = 	snop  }
0x7: {  	_ = 	snop  }
__scs_overlays_trampoline_lowered:
0x8: {  	[smem:$0x3F9B] =	sst s0  }
0x9: {  	[smem:$0x3F9C] =	sst s1  }
0xa: {  	[smem:$0x3F9D] =	sst s2  }
0xb: {  	[smem:$0x3F9E] =	sst s3  }
0xc: {  	[smem:$0x3F9F] =	sst s4  }
0xd: {  	[smem:$0x3FA0] =	sst s5  }
0xe: {  	[smem:$0x3FA1] =	sst s6  }
0xf: {  	[smem:$0x3FA2] =	sst s7  }
0x10: {  	[smem:$0x3FA3] =	sst s8  }
0x11: {  	[smem:$0x3FA4] =	sst s9;
	s0 =	simm.s32 @!p0 $0x0  }
0x12: {  	s1 =	sld [smem:$0x3F8A];
	s0 =	simm.s32 @p0 $0x1  }
0x13: {  	[smem:$0x3FA5] =	sst s0;
	s0 =	simm.s32 @!p1 $0x0  }
0x14: {  	s2 =	sld [smem:$0x3F89];
	s0 =	simm.s32 @p1 $0x1  }
0x15: {  	[smem:$0x3FA6] =	sst s0;
	s0 =	simm.s32 @!p2 $0x0  }
0x16: {  	s3 =	sld [smem:$0x3FDB];
	s0 =	simm.s32 @p2 $0x1  }
0x17: {  	s4 =	simm.s32 $0x1BF5;
	[smem:$0x3FA8] =	sst s0  }
0x18: {  	s0 =	sld [smem:$0x3F8B];
	_ =	swait.ge [sflag:s4], $0x0  }
0x19: {  	s7 =	sld [smem:$0x3F8C]  }
0x1a: {  	s8 =	sadd.s32 $0xFFFFE003, lr  }
0x1b: {  	s9 =	sadd.s32 $0xFFFFFEF7, lr;
	s5 =	simm.s32 $0xFFFFFFFF;
	p2 =	slt.u32 s8, $0xFFFFF086  }
0x1c: {  	p1 =	slt.u32 s9, $0xF7A;
	s5 =	simm.s32 @!p2 $0x0  }
0x1d: {  	s5 =	simm.s32 @p1 $0x1;
	p0 =	seq.s32 s7, s2  }
0x1e: {  	s7 =	smul.u32 @!p0 $0xF7A, s2;
	p2 =	seq.s32 @!p0 s5, $0x0  }
0x1f: {  	s9 =	smul.u32 $0xF7A, s1;
	s8 =	simm.s32 @!p0 $0x1BF5;
	p2 =	por !p2, p0  }
0x20: {  	[sflag:s8] =	ssyncset.s32 @!p0 $0xFFFFF086;
	s6 =	sadd.s32 @!p0 s3, s7;
	s7 =	simm.s32 @!p0 $0x108  }
0x21: {  	s3 =	sadd.s32 s3, s9;
	s6 =	sadd.s32 @!p0 $0x88, s6;
	s7 =	simm.s32 @p2 $0x1082  }
0x22: {  	[simem:s7], [sflag:s8] =	dma.local @!p0 [hbm:s6], $0xF7A  }
0x23: {  	s9 =	sor.u32 $0xD0000000, s2;
	s6 =	simm.s32 $0x108;
	_ =	swait.ge @!p0 [sflag:s8], $0x0  }
0x24: {  	s3 =	sadd.s32 $0x88, s3;
	s6 =	simm.s32 @!p1 $0x1082;
	[sflag:s4] =	ssyncset.s32 $0xFFFFF086  }
0x25: {  	[simem:s6], [sflag:s4] =	dma.local [hbm:s3], $0xF7A  }
0x26: {  	[smem:$0x3F8C] =	sst s1;
	(tag) =	ssettag s2;
	_ =	strace s9  }
0x27: {  	s1 =	sld [smem:$0x3F9C]  }
0x28: {  	s2 =	sld [smem:$0x3F9D]  }
0x29: {  	s4 =	sld [smem:$0x3F9F]  }
0x2a: {  	p0 =	seq.s32 s5, $0x0;
	s5 =	sld [smem:$0x3FA0]  }
0x2b: {  	s6 =	sld [smem:$0x3FA1]  }
0x2c: {  	s7 =	sld [smem:$0x3FA2]  }
0x2d: {  	s3 =	simm.s32 $0x108;
	s8 =	sld [smem:$0x3FA3]  }
0x2e: {  	s3 =	simm.s32 @!p0 $0x1082;
	s9 =	sld [smem:$0x3FA4]  }
0x2f: {  	lr =	sadd.s32 s0, s3;
	s0 =	sld [smem:$0x3F9B]  }
0x30: {  	s3 =	sld [smem:$0x3F9E]  }
0x31: {  	[smem:$0x3FA7] =	sst s10  }
0x32: {  	s10 =	sld [smem:$0x3FA5];
	_ =	sdelay $0x3  }
0x33: {  	p0 =	seq.s32 s10, $0x1;
	s10 =	sld [smem:$0x3FA7];
	_ =	sdelay $0x3  }
0x34: {  	[smem:$0x3FA7] =	sst s10  }
0x35: {  	s10 =	sld [smem:$0x3FA6];
	_ =	sdelay $0x3  }
0x36: {  	p1 =	seq.s32 s10, $0x1;
	s10 =	sld [smem:$0x3FA7];
	_ =	sdelay $0x3  }
0x37: {  	[smem:$0x3FA7] =	sst s10  }
0x38: {  	s10 =	sld [smem:$0x3FA8]  }
0x39: {  	_ = 	snop;
	(pc) =	sbr.ind lr, $3  }
0x3a: {  	_ = 	snop  }
0x3b: {  	_ = 	snop  }
0x3c: {  	p2 =	seq.s32 s10, $0x1;
	s10 =	sld [smem:$0x3FA7]  }
0x3d: {  	_ =	shalt  }
0x3e: {  	_ =	shalt  }
0x3f: {  	_ =	shalt  }
0x40: {  	_ =	shalt  }
0x41: {  	_ =	shalt  }
0x42: {  	_ =	shalt  }
0x43: {  	_ =	shalt  }
0x44: {  	_ =	shalt  }
0x45: {  	_ =	shalt  }
0x46: {  	_ =	shalt  }
0x47: {  	_ =	shalt  }
0x48: {  	_ =	shalt  }
0x49: {  	_ =	shalt  }
0x4a: {  	_ =	shalt  }
0x4b: {  	_ =	shalt  }
0x4c: {  	_ =	shalt  }
0x4d: {  	_ =	shalt  }
0x4e: {  	_ =	shalt  }
0x4f: {  	_ =	shalt  }
0x50: {  	_ =	shalt  }
0x51: {  	_ =	shalt  }
0x52: {  	_ =	shalt  }
0x53: {  	_ =	shalt  }
0x54: {  	_ =	shalt  }
0x55: {  	_ =	shalt  }
0x56: {  	_ =	shalt  }
0x57: {  	_ =	shalt  }
0x58: {  	_ =	shalt  }
0x59: {  	_ =	shalt  }
0x5a: {  	_ =	shalt  }
0x5b: {  	_ =	shalt  }
0x5c: {  	_ =	shalt  }
0x5d: {  	_ =	shalt  }
0x5e: {  	_ =	shalt  }
0x5f: {  	_ =	shalt  }
0x60: {  	_ =	shalt  }
0x61: {  	_ =	shalt  }
0x62: {  	_ =	shalt  }
0x63: {  	_ =	shalt  }
0x64: {  	_ =	shalt  }
0x65: {  	_ =	shalt  }
0x66: {  	_ =	shalt  }
0x67: {  	_ =	shalt  }
0x68: {  	_ =	shalt  }
0x69: {  	_ =	shalt  }
0x6a: {  	_ =	shalt  }
0x6b: {  	_ =	shalt  }
0x6c: {  	_ =	shalt  }
0x6d: {  	_ =	shalt  }
0x6e: {  	_ =	shalt  }
0x6f: {  	_ =	shalt  }
0x70: {  	_ =	shalt  }
0x71: {  	_ =	shalt  }
0x72: {  	_ =	shalt  }
0x73: {  	_ =	shalt  }
0x74: {  	_ =	shalt  }
0x75: {  	_ =	shalt  }
0x76: {  	_ =	shalt  }
0x77: {  	_ =	shalt  }
0x78: {  	_ =	shalt  }
0x79: {  	_ =	shalt  }
0x7a: {  	_ =	shalt  }
0x7b: {  	_ =	shalt  }
0x7c: {  	_ =	shalt  }
0x7d: {  	_ =	shalt  }
0x7e: {  	_ =	shalt  }
0x7f: {  	_ =	shalt  }
0x80: {  	_ =	shalt  }
0x81: {  	_ =	shalt  }
0x82: {  	_ =	shalt  }
0x83: {  	_ =	shalt  }
0x84: {  	_ =	shalt  }
0x85: {  	_ =	shalt  }
0x86: {  	_ =	shalt  }
0x87: {  	_ =	shalt  }
.Lfunc_end0:
.L_simem_size_0:
called_computation.3_lowered:
.L_overlay_start_0:
0x88: {  	s2 =	sld [smem:$0x3FD9]  }
0x89: {  	s3 =	sld [smem:$0x3FFE];
	_ =	sdelay $0x1  }
0x8a: {  	s1 =	srdreg.scid  }
0x8b: {  	s0 =	sand.u32 $0x1, s1  }
0x8c: {  	s17 =	sshll.u32 s0, $0xA;
	s2 =	sadd.s32 s3, s2  }
0x8d: {  	s2 =	sadd.s32 s2, s17  }
0x8e: {  	[smem:$0x3FB3] =	sst s2  }
0x8f: {  	_ = 	snop  }
0x90: {  	s18 =	sld [smem:$0x3FD0];
	(tm) =	ssettm $0x1  }
0x91: {  	s19 =	sld [smem:$0x3FFB];
	_ =	sdelay $0x3  }
0x92: {  	_ =	strace s19  }
0x93: {  	s2 =	sld [smem:$0x3FFC];
	_ =	sdelay $0x3  }
0x94: {  	_ =	strace s2  }
0x95: {  	s2 =	sld [smem:$0x3FFD];
	_ =	sdelay $0x3  }
0x96: {  	_ =	strace s2  }
0x97: {  	_ =	strace $0x8FFFFFFF  }
0x98: {  	s20 =	sld [smem:$0x3FDB];
	_ =	sdelay $0x1  }
0x99: {  	s4 =	simm.s32 $_scs_section_size  }
0x9a: {  	s5 =	simm.s32 $_size__tile_overlayer_lowered;
	s6 =	simm.s32 $_tile_overlayer_lowered  }
0x9b: {  	s7 =	simm.s32 $0x1BFF;
	s21 =	sshll.u32 s6, $0x1;
	s4 =	sadd.s32 s4, s20  }
0x9c: {  	s22 =	simm.s32 $0x0;
	s5 =	sshll.u32 s5, $0x1;
	s6 =	sadd.s32 s21, s4  }
0x9d: {  	[timem:s22], [sflag:s7] =	dma.local [hbm:s6], s5  }
0x9e: {  	_ =	swait.ge [sflag:s7], s5  }
0x9f: {  	s5 =	ssub.s32 $0x0, s5;
	[sflag:s7] =	ssyncset.done $0x0  }
0xa0: {  	[sflag:s7] =	ssyncadd.s32 s5;
	_ =	sdelay $0x1  }
0xa1: {  	s23 =	simm.s32 $0x1B8B  }
0xa2: {  	_ =	swait.ge [sflag:s23], $0x1  }
0xa3: {  	[sflag:s23] =	ssyncset.done $0x0  }
0xa4: {  	[sflag:s23] =	ssyncadd.s32 $0xFFFFFFFF  }
0xa5: {  	s5 =	sld [smem:$0x0]  }
0xa6: {  	s6 =	sand.u32 $0xFFFFFFFE, s1  }
0xa7: {  	p0 =	sne.s32 s1, s6  }
0xa8: {  	s6 =	sshll.u32 @p0 s6, $0xE  }
0xa9: {  	s6 =	sadd.s32 @p0 $0x11B8D, s6;
	s7 =	sshll.u32 @p0 s5, $0x11  }
0xaa: {  	s6 =	sor.u32 @p0 s7, s6  }
0xab: {  	[sflag:s6] =	ssyncadd.remote.s32 @p0 $0x1;
	_ =	sdelay $0x1  }
0xac: {  	s6 =	simm.s32 @p0 $0x1B8D  }
0xad: {  	_ =	swait.eq @p0 [sflag:s6], $0x1  }
0xae: {  	[sflag:s6] =	ssyncadd.s32 @p0 $0xFFFFFFFF  }
0xaf: {  	s7 =	sshll.u32 @!p0 s1, $0xE  }
0xb0: {  	s7 =	sor.u32 @!p0 $0x4000, s7;
	s6 =	simm.s32 @!p0 $0x1B8D  }
0xb1: {  	s5 =	sshll.u32 @!p0 s5, $0x11;
	s7 =	sadd.s32 @!p0 $0x11B8D, s7;
	_ =	swait.eq @!p0 [sflag:s6], $0x1  }
0xb2: {  	s5 =	sor.u32 @!p0 s5, s7;
	[sflag:s6] =	ssyncadd.s32 @!p0 $0xFFFFFFFF  }
0xb3: {  	s25 =	simm.s32 $0x1B8E;
	s24 =	sld [smem:$0x3FFE];
	[sflag:s5] =	ssyncadd.remote.s32 @!p0 $0x1  }
0xb4: {  	s26 =	simm.s32 $execute0_lowered;
	[smem:$0x3FD2] =	sst s25  }
0xb5: {  	s6 =	sshll.u32 s26, $0x1;
	_ =	strace $0x8000004C;
	[dreg:$0x1] =	wrdreg $0xFFFFFFFF  }
0xb6: {  	s28 =	simm.s32 $_size_execute0_lowered;
	s4 =	sadd.s32 s4, s6;
	[dreg:$0x0] =	wrdreg $0x0  }
0xb7: {  	s6 =	sshll.u32 s28, $0x1;
	[dreg:$0x2] =	wrdreg s4  }
0xb8: {  	[dreg:$0x3] =	wrdreg s6  }
0xb9: {  	[dreg:$0x4] =	wrdreg $0xC0  }
0xba: {  	_ =	task [dreg:s22], $0x5FFFF  }
0xbb: {  	[dreg:$0x1] =	wrdreg $0xFFFFFFFF  }
0xbc: {  	[dreg:$0x0] =	wrdreg $0x60  }
0xbd: {  	[dreg:$0x2] =	wrdreg s24  }
0xbe: {  	[dreg:$0x3] =	wrdreg s18  }
0xbf: {  	[dreg:$0x4] =	wrdreg $0x0  }
0xc0: {  	[dreg:$0x5] =	wrdreg $0xA  }
0xc1: {  	_ =	task.clear_ibuf [dreg:s22], $0x6FFFF;
	_ =	strace $0x9000004C  }
0xc2: {  	s29 =	simm.s32 $0xA;
	_ =	strace $0x8000004E  }
0xc3: {  	_ =	swait.ge [sflag:s29], $0x1  }
0xc4: {  	[sflag:s29] =	ssyncadd.s32 $0xFFFFFFFF  }
0xc5: {  	_ =	strace $0x9000004E  }
0xc6: {  	_ =	sfence  }
0xc7: {  	s30 =	sld [smem:$0x0];
	_ =	sdelay $0x2  }
0xc8: {  	s31 =	sshll.u32 s1, $0xD;
	s1 =	sshrl.u32 s1, $0x2  }
0xc9: {  	s4 =	sand.u32 $0x4000, s31;
	s1 =	sadd.s32 s1, s30  }
0xca: {  	s0 =	sor.u32 s4, s0;
	s1 =	sshll.u32 s1, $0x11  }
0xcb: {  	s0 =	sor.u32 s1, s0  }
0xcc: {  	s0 =	sadd.s32 $0x8F2B, s0  }
0xcd: {  	[sflag:s0] =	ssyncadd.remote.s32 $0x1  }
0xce: {  	_ =	sfence.sel $0xFFFF  }
0xcf: {  	[dreg:$0x0] =	wrdreg $0xFFFFFFFF;
	(pc) =	sbr.abs _section_cstart, $3  }
0xd0: {  	[dreg:$0x1] =	wrdreg $0xFFFFFFFF  }
0xd1: {  	_ =	task.clear_ibuf [dreg:s22], $0x2FFFF;
	_ =	strace $0x9FFFFFFF  }
0xd2: {  	(tm) =	ssettm $0x7FFFFFFF  }
0xd3: {  	_ =	shalt  }
tec
execute0_lowered:
.L_overlay_start_1:
0x0: {  	(tag) =	ssettag $0x1  }
0x1: {  	s4 =	rddreg [dreg:$0x0]  }
0x2: {  	s5 =	rddreg [dreg:$0x1]  }
0x3: {  	s1 =	rddreg [dreg:$0x2]  }
0x4: {  	s0 =	rddreg [dreg:$0x3]  }
0x5: {  	s3 =	simm.s32 $0x0;
	s6 =	srdreg.scid;
	s2 =	stileid.u32  }
0x6: {  	s14 =	simm.s32 $0x17880;
	s15 =	simm.s32 $0x1;
	s16 =	simm.s32 $0x18C80  }
0x7: {  	s17 =	simm.s32 $0x28;
	s18 =	simm.s32 $0x2;
	s19 =	simm.s32 $0x17680  }
0x8: {  	s20 =	simm.s32 $0x0;
	[smem:$0x7FF] =	sst s3;
	s8 =	smul.u32 $0x3E80, s2  }
0x9: {  	s7 =	sand.u32 $0x1, s6;
	s25 =	sshll.u32 s2, $0x1;
	s13 =	smul.u32 $0x7D000, s2  }
0xa: {  	s10 =	sadd.s32 $0xEF2200, s4;
	s29 =	smul.u32 $0x27100, s2;
	p0 =	sgt.u32 s2, $0x9  }
0xb: {  	_ =	strace $0x8000004D;
	s6 =	sor.u32 s7, s25;
	s9 =	smul.u32 $0x27100, s7  }
0xc: {  	s12 =	ssub.s32 $0x2, s7;
	s30 =	smul.u32 $0x13880, s7;
	s11 =	sshll.u32 s6, $0xB  }
0xd: {  	s26 =	sshrl.u32 s12, $0x1;
	s28 =	sshrl.u32 s13, $0x2;
	s6 =	smul.u32 $0x13880, s6  }
0xe: {  	s31 =	sadd.s32 s29, s10;
	s9 =	sadd.s32 s8, s9;
	s11 =	sadd.s32 s11, s4  }
0xf: {  	s12 =	ssub.s32 s12, s26;
	s13 =	sadd.s32 s28, s1;
	s9 =	sadd.s32 s9, s4  }
0x10: {  	s4 =	sadd.s32 s5, s8;
	s5 =	sadd.s32 $0x78F200, s11;
	s6 =	sadd.s32 s10, s6  }
0x11: {  	s8 =	smax.u32 s12, $0x1;
	s10 =	sshll.u32 @!p0 s2, $0x6;
	s11 =	sshrl.u32 @!p0 s13, $0x3  }
0x12: {  	s12 =	simm.s32 $0x13880;
	s7 =	sadd.s32 $0xC81200, s9;
	s9 =	sadd.s32 s30, s31  }
0x13: {  	s13 =	simm.s32 $0x3;
	s10 =	sor.u32 @!p0 $0x1C03, s10;
	s9 =	sadd.s32 $0x500, s9  }
.LBB2_1:
0x14: {  	[spmem:s11], [sflag:s10] =	dma.local @!p0 [hbm:s4], $0x3E80  }
0x15: {  	s21 =	simm.s32 @!p0 $0x3  }
0x16: {  	_ =	swait.ge @!p0 [sflag:s21], $0x3E80  }
0x17: {  	[sflag:s21] =	ssyncset.done @!p0 $0x0  }
0x18: {  	[sflag:s21] =	ssyncadd.s32 @!p0 $0xFFFFC180  }
0x19: {  	[tilespmem:s12], [sflag:$0x3] =	stream.linear.gather [hbm4b:s5+s3], $0x3E80, $0x38;
	[tilespmem:$0x1A080] =	vst v63  }
0x1a: {  	_ =	swait.ge [sflag:s13], $0x3E80  }
0x1b: {  	[sflag:s13] =	ssyncset.done $0x0  }
0x1c: {  	[sflag:s13] =	ssyncadd.s32 $0xFFFFC180  }
0x1d: {  	[bflag:$0x0] =	sbarrier.arrive $0xFFFF  }
0x1e: {  	[tilespmem:s14], [sflag:$0x1] =	stream.linear.gather [hbm4b:s6+s3], $0x1400, $0x38;
	[tilespmem:$0x1A080] =	vst v63  }
0x1f: {  	_ =	swait.ge [sflag:s15], $0x1400  }
0x20: {  	[sflag:s15] =	ssyncset.done $0x0  }
0x21: {  	s29 =	sadd.s32 $0xFFFFFD80, s9;
	[sflag:s15] =	ssyncadd.s32 $0xFFFFEC00  }
0x22: {  	[tilespmem:s16], [sflag:$0x2] =	stream.linear.gather [hbm4b:s29+s3], $0x1400, $0x38;
	[tilespmem:$0x1A080] =	vst v63  }
0x23: {  	s30 =	simm.s32 $0x13880  }
0x24: {  	[spmem:s1] =	stream.indirect.scatter.add.f32 [tilespmem:s14], [sflag:$0x3], $0x80, s30, s17, $0xb8;
	[tilespmem:$0x1A080] =	vst v63  }
0x25: {  	_ =	swait.ge [sflag:s13], $0x1400  }
0x26: {  	[sflag:s13] =	ssyncset.done $0x0  }
0x27: {  	[sflag:s13] =	ssyncadd.s32 $0xFFFFEC00  }
0x28: {  	_ =	swait.ge [sflag:s18], $0x1400  }
0x29: {  	[sflag:s18] =	ssyncset.done $0x0  }
0x2a: {  	[sflag:s18] =	ssyncadd.s32 $0xFFFFEC00  }
0x2b: {  	[tilespmem:s14], [sflag:$0x1] =	stream.linear.gather [hbm4b:s9+s3], $0x1400, $0x38;
	[tilespmem:$0x1A080] =	vst v63  }
0x2c: {  	s31 =	simm.s32 $0x13900  }
0x2d: {  	[spmem:s1] =	stream.indirect.scatter.add.f32 [tilespmem:s16], [sflag:$0x3], $0x80, s31, s17, $0xb8;
	[tilespmem:$0x1A080] =	vst v63  }
0x2e: {  	_ =	swait.ge [sflag:s13], $0x1400  }
0x2f: {  	s22 =	smov.u32 s9;
	s21 =	simm.s32 $0x400;
	[sflag:s13] =	ssyncset.done $0x0  }
.LBB2_2:
0x30: {  	p1 =	sne.s32 s21, $0xF400;
	[sflag:s13] =	ssyncadd.s32 $0xFFFFEC00;
	s22 =	sadd.s32 $0x500, s22  }
0x31: {  	s23 =	smov.u32 s21;
	s21 =	sadd.s32 $0x400, s21  }
0x32: {  	_ =	swait.ge [sflag:s15], $0x1400  }
0x33: {  	[sflag:s15] =	ssyncset.done $0x0  }
0x34: {  	s24 =	sadd.s32 $0xFFFFFD80, s22;
	s23 =	sshra.s32 s23, $0x2;
	[sflag:s15] =	ssyncadd.s32 $0xFFFFEC00  }
0x35: {  	[tilespmem:s16], [sflag:$0x2] =	stream.linear.gather [hbm4b:s24+s3], $0x1400, $0x38;
	[tilespmem:$0x1A080] =	vst v63  }
0x36: {  	s24 =	sadd.s32 $0x13880, s23  }
0x37: {  	[spmem:s1] =	stream.indirect.scatter.add.f32 [tilespmem:s14], [sflag:$0x3], $0x80, s24, s17, $0xb8;
	[tilespmem:$0x1A080] =	vst v63  }
0x38: {  	_ =	swait.ge [sflag:s13], $0x1400  }
0x39: {  	[sflag:s13] =	ssyncset.done $0x0  }
0x3a: {  	[sflag:s13] =	ssyncadd.s32 $0xFFFFEC00  }
0x3b: {  	_ =	swait.ge [sflag:s18], $0x1400  }
0x3c: {  	[sflag:s18] =	ssyncset.done $0x0  }
0x3d: {  	[sflag:s18] =	ssyncadd.s32 $0xFFFFEC00  }
0x3e: {  	[tilespmem:s14], [sflag:$0x1] =	stream.linear.gather [hbm4b:s22+s3], $0x1400, $0x38;
	[tilespmem:$0x1A080] =	vst v63  }
.Ltmp0:
0x3f: {  	_ = 	snop;
	(pc) =	sbr.rel @p1 .LBB2_2-.Ltmp0, $4  }
0x40: {  	s23 =	sadd.s32 $0x13900, s23  }
0x41: {  	[spmem:s1] =	stream.indirect.scatter.add.f32 [tilespmem:s16], [sflag:$0x3], $0x80, s23, s17, $0xb8;
	[tilespmem:$0x1A080] =	vst v63  }
0x42: {  	_ =	swait.ge [sflag:s13], $0x1400  }
0x43: {  	[sflag:s13] =	ssyncset.done $0x0  }
0x44: {  	[sflag:s13] =	ssyncadd.s32 $0xFFFFEC00  }
0x45: {  	_ =	swait.ge [sflag:s15], $0x1400  }
0x46: {  	[sflag:s15] =	ssyncset.done $0x0  }
0x47: {  	[sflag:s15] =	ssyncadd.s32 $0xFFFFEC00  }
0x48: {  	[spmem:s1] =	stream.indirect.scatter.add.f32 [tilespmem:s14], [sflag:$0x3], $0x80, s19, s17, $0xb8;
	[tilespmem:$0x1A080] =	vst v63  }
0x49: {  	_ =	swait.ge [sflag:s13], $0x1400  }
0x4a: {  	s20 =	sadd.s32 $0x1, s20;
	[sflag:s13] =	ssyncset.done $0x0  }
0x4b: {  	p1 =	sne.s32 s20, s8;
	[sflag:s13] =	ssyncadd.s32 $0xFFFFEC00  }
.Ltmp1:
0x4c: {  	s21 =	simm.s32 @!p0 $0x3;
	[bflag:$0x0] =	sbarrier.arrive $0xFFFF;
	(pc) =	sbr.rel @p1 .LBB2_1-.Ltmp1, $4  }
0x4d: {  	[hbm:s7], [sflag:s10] =	dma.local @!p0 [spmem:s11], $0x3E80  }
0x4e: {  	_ =	swait.ge @!p0 [sflag:s21], $0x3E80  }
0x4f: {  	[sflag:s21] =	ssyncset.done @!p0 $0x0  }
0x50: {  	[sflag:s21] =	ssyncadd.s32 @!p0 $0xFFFFC180  }
0x51: {  	_ =	sfence.sel $0x180000  }
0x52: {  	[bflag:$0x0] =	sbarrier.arrive $0xFFFF  }
0x53: {  	p0 =	sne.s32 s2, $0x0;
	_ =	strace $0x9000004D  }
0x54: {  	s0 =	sadd.s32 @!p0 $0x100000, s0;
	[bflag:$0x2] =	sbarrier.arrive $0xFFFF  }
0x55: {  	[sflag:s0] =	ssyncadd.tile.s32 @!p0 $0x1;
	_ =	shalt  }
.Lfunc_end2:
_tile_overlayer_lowered:
.L_overlay_start_2:
0x56: {  	(tag) =	ssettag $0x2  }
0x57: {  	s0 =	rddreg [dreg:$0x0];
	s2 =	stileid.u32  }
0x58: {  	s1 =	rddreg [dreg:$0x1];
	p0 =	sne.s32 s2, $0x0  }
0x59: {  	s3 =	rddreg [dreg:$0x2];
	[bflag:$0x3] =	sbarrier.arrive $0xFFFF;
	s2 =	simm.s32 @!p0 $0x1C03  }
0x5a: {  	[timem:s3], [sflag:s2] =	dma.local @!p0 [hbm:s0], s1  }
0x5b: {  	s0 =	simm.s32 @!p0 $0x3  }
0x5c: {  	_ =	swait.ge @!p0 [sflag:s0], s1  }
0x5d: {  	s1 =	ssub.s32 @!p0 $0x0, s1;
	[sflag:s0] =	ssyncset.done @!p0 $0x0  }
0x5e: {  	[sflag:s0] =	ssyncadd.s32 @!p0 s1  }
0x5f: {  	[bflag:$0x3] =	sbarrier.arrive $0xFFFF  }
0x60: {  	_ =	shalt  }

</sc_bundles>
